<compile_context>
chip_gen: v7x
topology: tpu7x:2x2x1
jax: 0.10.2.dev20260603
libtpu: 0.0.44.dev20260713+nightly
codegen_flags: <defaults>
</compile_context>

<pallas_src>
import functools

import jax
import jax.numpy as jnp
from jax import lax
from jax.experimental import pallas as pl
from jax.experimental.pallas import tpu as pltpu
from jax.experimental.pallas import tpu_sc as plsc

NC = 2
NS = 16
NW = NC * NS

N_ROWS, N_COLS = 16384, 26
B = N_ROWS * N_COLS
D = 128
BPW = B // NW
CHUNK = 128
NCHUNK = BPW // CHUNK
NBLK = B // CHUNK
NBUF = 7
LA = NBUF - 2


def _gather_body(idx_hbm, table_hbm, out_hbm, idx_v, rows_v, gsem, ssem):
    cid = lax.axis_index("c")
    sid = lax.axis_index("s")
    wid = sid * NC + cid
    pltpu.sync_copy(idx_hbm.at[wid], idx_v)
    blk0 = wid * NCHUNK

    def fire_gather(chunk, slot):
        return pltpu.async_copy(
            table_hbm.at[idx_v.at[chunk]], rows_v.at[slot, 0], gsem.at[slot])

    def fire_store(chunk, slot):
        return pltpu.async_copy(
            rows_v.at[slot], out_hbm.at[pl.ds(blk0 + chunk, 1)],
            ssem.at[slot])

    def wait_gather(chunk, slot):
        pltpu.make_async_copy(
            table_hbm.at[idx_v.at[chunk]], rows_v.at[slot, 0], gsem.at[slot]).wait()

    def wait_store(chunk, slot):
        pltpu.make_async_copy(
            rows_v.at[slot], out_hbm.at[pl.ds(blk0 + chunk, 1)],
            ssem.at[slot]).wait()

    for c in range(LA):
        fire_gather(c, c)
    for j in range(2):
        wait_gather(j, j)
        fire_store(j, j)
        fire_gather(j + LA, (j + LA) % NBUF)

    def group(g, carry):
        for k in range(NBUF):
            j = 2 + g * NBUF + k
            b = (2 + k) % NBUF
            s2 = (b + LA) % NBUF
            wait_gather(j, b)
            fire_store(j, b)
            wait_store(j - 2, s2)
            fire_gather(j + LA, s2)
        return carry

    G = (NCHUNK - 2 - LA) // NBUF
    lax.fori_loop(0, G, group, 0)

    for j in range(2 + G * NBUF, NCHUNK - LA):
        b = j % NBUF
        s2 = (b + LA) % NBUF
        wait_gather(j, b)
        fire_store(j, b)
        wait_store(j - 2, s2)
        fire_gather(j + LA, s2)
    for j in range(NCHUNK - LA, NCHUNK):
        b = j % NBUF
        wait_gather(j, b)
        fire_store(j, b)
        wait_store(j - 2, (b + LA) % NBUF)
    for j in range(NCHUNK - 2, NCHUNK):
        wait_store(j, j % NBUF)


@functools.partial(jax.jit, static_argnames=())
def _sc_gather(idx, table):
    kern = pl.kernel(
        _gather_body,
        out_type=jax.ShapeDtypeStruct((NBLK, CHUNK, D), jnp.float32),
        mesh=plsc.VectorSubcoreMesh(
            core_axis_name="c", subcore_axis_name="s",
            num_cores=NC, num_subcores=NS),
        scratch_types=[
            pltpu.VMEM((NCHUNK, CHUNK), jnp.int32),
            pltpu.VMEM((NBUF, 1, CHUNK, D), jnp.float32),
            pltpu.SemaphoreType.DMA((NBUF,)),
            pltpu.SemaphoreType.DMA((NBUF,)),
        ],
    )
    return kern(idx, table)


def kernel(distance, FEATURE):
    idx = jnp.transpose(distance).reshape(NW, NCHUNK, CHUNK).astype(jnp.int32)
    out = _sc_gather(idx, FEATURE)
    return out.reshape(N_COLS, N_ROWS, D).transpose(1, 0, 2)

# --- scband reference (transcript-rebuilt; emitter-appended) ---
"""Pipeline reference for scband-rbfexpansion-node-49761491092017 (READ-ONLY COPY).

The authoritative reference and input builder live on the scoring server;
editing this copy changes nothing except your own understanding.
"""

import jax, jax.numpy as jnp
import numpy as np


def setup_inputs(seed: int = 0) -> dict:
    key = jax.random.key(seed)
    k1, k2 = jax.random.split(key)
    distance = jax.random.randint(k1, (16384, 26), 0, 100000, dtype=jnp.int64)
    FEATURE = jax.random.normal(k2, (100000, 128), dtype=jnp.float32)
    return {"distance": distance, "FEATURE": FEATURE}


def reference(distance, FEATURE):
    # FEATURE[distance.squeeze().long()]
    idx = jnp.squeeze(distance).astype(jnp.int32)
    return jnp.take(FEATURE, idx, axis=0)

if __name__ == "__main__":
    import jax
    _d = setup_inputs()
    print(jax.jit(kernel)(*tuple(_d.values())))

</pallas_src>

<mosaic_0001>
#map = affine_map<(d0, d1) -> (0, 0, 0)>
#map1 = affine_map<(d0, d1) -> (0, 0)>
module attributes {stable_mosaic.version = 14 : i64} {
  func.func @_gather_body(%arg0: i32, %arg1: i32, %arg2: memref<32x104x128xi32, #tpu.memory_space<hbm>>, %arg3: memref<100000x128xf32, #tpu.memory_space<hbm>>, %arg4: memref<3328x128x128xf32, #tpu.memory_space<hbm>>, %arg5: memref<104x128xi32, #tpu.memory_space<vmem>>, %arg6: memref<7x1x128x128xf32, #tpu.memory_space<vmem>>, %arg7: memref<7x!tpu.dma_semaphore, #tpu.memory_space<semaphore_mem>>, %arg8: memref<7x!tpu.dma_semaphore, #tpu.memory_space<semaphore_mem>>) attributes {dimension_semantics = [#tpu.dimension_semantics<core_parallel>, #tpu.dimension_semantics<subcore_parallel>], iteration_bounds = array<i64: 2, 16>, scalar_prefetch = 0 : i64, scratch_operands = 4 : i64, tpu.core_type = #tpu.core_type<sc_vector_subcore>, window_params = [{transform_indices = #map}, {transform_indices = #map1}, {transform_indices = #map}]} {
    %mul3A = arith.constant 2 : i32
    %mul3A_0 = arith.muli %arg1, %mul3A : i32
    %add3A = arith.addi %mul3A_0, %arg0 : i32
    "tpu.region"() ({
      %run_scoped3A = tpu.sem_alloc : memref<!tpu.dma_semaphore, #tpu.memory_space<semaphore_mem>>
      %dma_start3A_994 = arith.constant 0 : i32
      %dma_start3A_995 = arith.constant 0 : i32
      %dma_start3A_996 = tpu.memref_slice %arg2[%add3A, %dma_start3A_994, %dma_start3A_995] : memref<32x104x128xi32, #tpu.memory_space<hbm>> -> memref<1x104x128xi32, #tpu.memory_space<hbm>>
      %dma_start3A_997 = tpu.memref_squeeze %dma_start3A_996 : memref<1x104x128xi32, #tpu.memory_space<hbm>> -> memref<104x128xi32, #tpu.memory_space<hbm>>
      %dma_start3A_998 = arith.constant 0 : i32
      %dma_start3A_999 = arith.constant 0 : i32
      %dma_start3A_1000 = tpu.memref_slice %arg2[%add3A, %dma_start3A_998, %dma_start3A_999] : memref<32x104x128xi32, #tpu.memory_space<hbm>> -> memref<1x104x128xi32, #tpu.memory_space<hbm>>
      %dma_start3A_1001 = tpu.memref_squeeze %dma_start3A_1000 : memref<1x104x128xi32, #tpu.memory_space<hbm>> -> memref<104x128xi32, #tpu.memory_space<hbm>>
      tpu.enqueue_dma source(%dma_start3A_1001 : memref<104x128xi32, #tpu.memory_space<hbm>>) target(%arg5 : memref<104x128xi32, #tpu.memory_space<vmem>>) target_semaphore(%run_scoped3A : memref<!tpu.dma_semaphore, #tpu.memory_space<semaphore_mem>>)
      %dma_wait3A_1002 = arith.constant 0 : i32
      %dma_wait3A_1003 = arith.constant 0 : i32
      %dma_wait3A_1004 = tpu.memref_slice %arg2[%add3A, %dma_wait3A_1002, %dma_wait3A_1003] : memref<32x104x128xi32, #tpu.memory_space<hbm>> -> memref<1x104x128xi32, #tpu.memory_space<hbm>>
      %dma_wait3A_1005 = tpu.memref_squeeze %dma_wait3A_1004 : memref<1x104x128xi32, #tpu.memory_space<hbm>> -> memref<104x128xi32, #tpu.memory_space<hbm>>
      %dma_wait3A_1006 = arith.constant 0 : i32
      %dma_wait3A_1007 = arith.constant 0 : i32
      %dma_wait3A_1008 = tpu.memref_slice %arg2[%add3A, %dma_wait3A_1006, %dma_wait3A_1007] : memref<32x104x128xi32, #tpu.memory_space<hbm>> -> memref<1x104x128xi32, #tpu.memory_space<hbm>>
      %dma_wait3A_1009 = tpu.memref_squeeze %dma_wait3A_1008 : memref<1x104x128xi32, #tpu.memory_space<hbm>> -> memref<104x128xi32, #tpu.memory_space<hbm>>
      tpu.wait_dma2 semaphore(%run_scoped3A : memref<!tpu.dma_semaphore, #tpu.memory_space<semaphore_mem>>) src(%dma_wait3A_1009 : memref<104x128xi32, #tpu.memory_space<hbm>>) dst(%arg5 : memref<104x128xi32, #tpu.memory_space<vmem>>)
      tpu.yield
    }) : () -> ()
    %mul3A_1 = arith.constant 104 : i32
    %mul3A_2 = arith.muli %add3A, %mul3A_1 : i32
    %dma_start3A = arith.constant 0 : i32
    %dma_start3A_3 = arith.constant 0 : i32
    %dma_start3A_4 = arith.constant 0 : i32
    %dma_start3A_5 = arith.constant 0 : i32
    %dma_start3A_6 = arith.constant 0 : i32
    %dma_start3A_7 = arith.constant 0 : i32
    %dma_start3A_8 = tpu.memref_slice %arg6[%dma_start3A_3, %dma_start3A_4, %dma_start3A_6, %dma_start3A_7] : memref<7x1x128x128xf32, #tpu.memory_space<vmem>> -> memref<1x1x128x128xf32, #tpu.memory_space<vmem>>
    %dma_start3A_9 = tpu.memref_squeeze %dma_start3A_8 : memref<1x1x128x128xf32, #tpu.memory_space<vmem>> -> memref<128x128xf32, #tpu.memory_space<vmem>>
    %dma_start3A_10 = arith.constant 0 : i32
    %dma_start3A_11 = tpu.memref_slice %arg5[%dma_start3A, %dma_start3A_10] : memref<104x128xi32, #tpu.memory_space<vmem>> -> memref<1x128xi32, #tpu.memory_space<vmem>>
    %dma_start3A_12 = tpu.memref_squeeze %dma_start3A_11 : memref<1x128xi32, #tpu.memory_space<vmem>> -> memref<128xi32, #tpu.memory_space<vmem>>
    %dma_start3A_13 = arith.constant 0 : i32
    %dma_start3A_14 = arith.constant 0 : i32
    %dma_start3A_15 = tpu.memref_slice %arg3[%dma_start3A_13, %dma_start3A_14] : memref<100000x128xf32, #tpu.memory_space<hbm>> -> memref<100000x128xf32, #tpu.memory_space<hbm>>
    %dma_start3A_16 = tpu.memref_slice %arg7[%dma_start3A_5] : memref<7x!tpu.dma_semaphore, #tpu.memory_space<semaphore_mem>> -> memref<1x!tpu.dma_semaphore, #tpu.memory_space<semaphore_mem>>
    %dma_start3A_17 = tpu.memref_squeeze %dma_start3A_16 : memref<1x!tpu.dma_semaphore, #tpu.memory_space<semaphore_mem>> -> memref<!tpu.dma_semaphore, #tpu.memory_space<semaphore_mem>>
    tpu.enqueue_indirect_dma source(%dma_start3A_15 : memref<100000x128xf32, #tpu.memory_space<hbm>>) target(%dma_start3A_9 : memref<128x128xf32, #tpu.memory_space<vmem>>) offsets(%dma_start3A_12 : memref<128xi32, #tpu.memory_space<vmem>>) semaphore(%dma_start3A_17 : memref<!tpu.dma_semaphore, #tpu.memory_space<semaphore_mem>>)
    %dma_start3A_18 = arith.constant 1 : i32
    %dma_start3A_19 = arith.constant 1 : i32
    %dma_start3A_20 = arith.constant 0 : i32
    %dma_start3A_21 = arith.constant 1 : i32
    %dma_start3A_22 = arith.constant 0 : i32
    %dma_start3A_23 = arith.constant 0 : i32
    %dma_start3A_24 = tpu.memref_slice %arg6[%dma_start3A_19, %dma_start3A_20, %dma_start3A_22, %dma_start3A_23] : memref<7x1x128x128xf32, #tpu.memory_space<vmem>> -> memref<1x1x128x128xf32, #tpu.memory_space<vmem>>
    %dma_start3A_25 = tpu.memref_squeeze %dma_start3A_24 : memref<1x1x128x128xf32, #tpu.memory_space<vmem>> -> memref<128x128xf32, #tpu.memory_space<vmem>>
    %dma_start3A_26 = arith.constant 0 : i32
    %dma_start3A_27 = tpu.memref_slice %arg5[%dma_start3A_18, %dma_start3A_26] : memref<104x128xi32, #tpu.memory_space<vmem>> -> memref<1x128xi32, #tpu.memory_space<vmem>>
    %dma_start3A_28 = tpu.memref_squeeze %dma_start3A_27 : memref<1x128xi32, #tpu.memory_space<vmem>> -> memref<128xi32, #tpu.memory_space<vmem>>
    %dma_start3A_29 = arith.constant 0 : i32
    %dma_start3A_30 = arith.constant 0 : i32
    %dma_start3A_31 = tpu.memref_slice %arg3[%dma_start3A_29, %dma_start3A_30] : memref<100000x128xf32, #tpu.memory_space<hbm>> -> memref<100000x128xf32, #tpu.memory_space<hbm>>
    %dma_start3A_32 = tpu.memref_slice %arg7[%dma_start3A_21] : memref<7x!tpu.dma_semaphore, #tpu.memory_space<semaphore_mem>> -> memref<1x!tpu.dma_semaphore, #tpu.memory_space<semaphore_mem>>
    %dma_start3A_33 = tpu.memref_squeeze %dma_start3A_32 : memref<1x!tpu.dma_semaphore, #tpu.memory_space<semaphore_mem>> -> memref<!tpu.dma_semaphore, #tpu.memory_space<semaphore_mem>>
    tpu.enqueue_indirect_dma source(%dma_start3A_31 : memref<100000x128xf32, #tpu.memory_space<hbm>>) target(%dma_start3A_25 : memref<128x128xf32, #tpu.memory_space<vmem>>) offsets(%dma_start3A_28 : memref<128xi32, #tpu.memory_space<vmem>>) semaphore(%dma_start3A_33 : memref<!tpu.dma_semaphore, #tpu.memory_space<semaphore_mem>>)
    %dma_start3A_34 = arith.constant 2 : i32
    %dma_start3A_35 = arith.constant 2 : i32
    %dma_start3A_36 = arith.constant 0 : i32
    %dma_start3A_37 = arith.constant 2 : i32
    %dma_start3A_38 = arith.constant 0 : i32
    %dma_start3A_39 = arith.constant 0 : i32
    %dma_start3A_40 = tpu.memref_slice %arg6[%dma_start3A_35, %dma_start3A_36, %dma_start3A_38, %dma_start3A_39] : memref<7x1x128x128xf32, #tpu.memory_space<vmem>> -> memref<1x1x128x128xf32, #tpu.memory_space<vmem>>
    %dma_start3A_41 = tpu.memref_squeeze %dma_start3A_40 : memref<1x1x128x128xf32, #tpu.memory_space<vmem>> -> memref<128x128xf32, #tpu.memory_space<vmem>>
    %dma_start3A_42 = arith.constant 0 : i32
    %dma_start3A_43 = tpu.memref_slice %arg5[%dma_start3A_34, %dma_start3A_42] : memref<104x128xi32, #tpu.memory_space<vmem>> -> memref<1x128xi32, #tpu.memory_space<vmem>>
    %dma_start3A_44 = tpu.memref_squeeze %dma_start3A_43 : memref<1x128xi32, #tpu.memory_space<vmem>> -> memref<128xi32, #tpu.memory_space<vmem>>
    %dma_start3A_45 = arith.constant 0 : i32
    %dma_start3A_46 = arith.constant 0 : i32
    %dma_start3A_47 = tpu.memref_slice %arg3[%dma_start3A_45, %dma_start3A_46] : memref<100000x128xf32, #tpu.memory_space<hbm>> -> memref<100000x128xf32, #tpu.memory_space<hbm>>
    %dma_start3A_48 = tpu.memref_slice %arg7[%dma_start3A_37] : memref<7x!tpu.dma_semaphore, #tpu.memory_space<semaphore_mem>> -> memref<1x!tpu.dma_semaphore, #tpu.memory_space<semaphore_mem>>
    %dma_start3A_49 = tpu.memref_squeeze %dma_start3A_48 : memref<1x!tpu.dma_semaphore, #tpu.memory_space<semaphore_mem>> -> memref<!tpu.dma_semaphore, #tpu.memory_space<semaphore_mem>>
    tpu.enqueue_indirect_dma source(%dma_start3A_47 : memref<100000x128xf32, #tpu.memory_space<hbm>>) target(%dma_start3A_41 : memref<128x128xf32, #tpu.memory_space<vmem>>) offsets(%dma_start3A_44 : memref<128xi32, #tpu.memory_space<vmem>>) semaphore(%dma_start3A_49 : memref<!tpu.dma_semaphore, #tpu.memory_space<semaphore_mem>>)
    %dma_start3A_50 = arith.constant 3 : i32
    %dma_start3A_51 = arith.constant 3 : i32
    %dma_start3A_52 = arith.constant 0 : i32
    %dma_start3A_53 = arith.constant 3 : i32
    %dma_start3A_54 = arith.constant 0 : i32
    %dma_start3A_55 = arith.constant 0 : i32
    %dma_start3A_56 = tpu.memref_slice %arg6[%dma_start3A_51, %dma_start3A_52, %dma_start3A_54, %dma_start3A_55] : memref<7x1x128x128xf32, #tpu.memory_space<vmem>> -> memref<1x1x128x128xf32, #tpu.memory_space<vmem>>
    %dma_start3A_57 = tpu.memref_squeeze %dma_start3A_56 : memref<1x1x128x128xf32, #tpu.memory_space<vmem>> -> memref<128x128xf32, #tpu.memory_space<vmem>>
    %dma_start3A_58 = arith.constant 0 : i32
    %dma_start3A_59 = tpu.memref_slice %arg5[%dma_start3A_50, %dma_start3A_58] : memref<104x128xi32, #tpu.memory_space<vmem>> -> memref<1x128xi32, #tpu.memory_space<vmem>>
    %dma_start3A_60 = tpu.memref_squeeze %dma_start3A_59 : memref<1x128xi32, #tpu.memory_space<vmem>> -> memref<128xi32, #tpu.memory_space<vmem>>
    %dma_start3A_61 = arith.constant 0 : i32
    %dma_start3A_62 = arith.constant 0 : i32
    %dma_start3A_63 = tpu.memref_slice %arg3[%dma_start3A_61, %dma_start3A_62] : memref<100000x128xf32, #tpu.memory_space<hbm>> -> memref<100000x128xf32, #tpu.memory_space<hbm>>
    %dma_start3A_64 = tpu.memref_slice %arg7[%dma_start3A_53] : memref<7x!tpu.dma_semaphore, #tpu.memory_space<semaphore_mem>> -> memref<1x!tpu.dma_semaphore, #tpu.memory_space<semaphore_mem>>
    %dma_start3A_65 = tpu.memref_squeeze %dma_start3A_64 : memref<1x!tpu.dma_semaphore, #tpu.memory_space<semaphore_mem>> -> memref<!tpu.dma_semaphore, #tpu.memory_space<semaphore_mem>>
    tpu.enqueue_indirect_dma source(%dma_start3A_63 : memref<100000x128xf32, #tpu.memory_space<hbm>>) target(%dma_start3A_57 : memref<128x128xf32, #tpu.memory_space<vmem>>) offsets(%dma_start3A_60 : memref<128xi32, #tpu.memory_space<vmem>>) semaphore(%dma_start3A_65 : memref<!tpu.dma_semaphore, #tpu.memory_space<semaphore_mem>>)
    %dma_start3A_66 = arith.constant 4 : i32
    %dma_start3A_67 = arith.constant 4 : i32
    %dma_start3A_68 = arith.constant 0 : i32
    %dma_start3A_69 = arith.constant 4 : i32
    %dma_start3A_70 = arith.constant 0 : i32
    %dma_start3A_71 = arith.constant 0 : i32
    %dma_start3A_72 = tpu.memref_slice %arg6[%dma_start3A_67, %dma_start3A_68, %dma_start3A_70, %dma_start3A_71] : memref<7x1x128x128xf32, #tpu.memory_space<vmem>> -> memref<1x1x128x128xf32, #tpu.memory_space<vmem>>
    %dma_start3A_73 = tpu.memref_squeeze %dma_start3A_72 : memref<1x1x128x128xf32, #tpu.memory_space<vmem>> -> memref<128x128xf32, #tpu.memory_space<vmem>>
    %dma_start3A_74 = arith.constant 0 : i32
    %dma_start3A_75 = tpu.memref_slice %arg5[%dma_start3A_66, %dma_start3A_74] : memref<104x128xi32, #tpu.memory_space<vmem>> -> memref<1x128xi32, #tpu.memory_space<vmem>>
    %dma_start3A_76 = tpu.memref_squeeze %dma_start3A_75 : memref<1x128xi32, #tpu.memory_space<vmem>> -> memref<128xi32, #tpu.memory_space<vmem>>
    %dma_start3A_77 = arith.constant 0 : i32
    %dma_start3A_78 = arith.constant 0 : i32
    %dma_start3A_79 = tpu.memref_slice %arg3[%dma_start3A_77, %dma_start3A_78] : memref<100000x128xf32, #tpu.memory_space<hbm>> -> memref<100000x128xf32, #tpu.memory_space<hbm>>
    %dma_start3A_80 = tpu.memref_slice %arg7[%dma_start3A_69] : memref<7x!tpu.dma_semaphore, #tpu.memory_space<semaphore_mem>> -> memref<1x!tpu.dma_semaphore, #tpu.memory_space<semaphore_mem>>
    %dma_start3A_81 = tpu.memref_squeeze %dma_start3A_80 : memref<1x!tpu.dma_semaphore, #tpu.memory_space<semaphore_mem>> -> memref<!tpu.dma_semaphore, #tpu.memory_space<semaphore_mem>>
    tpu.enqueue_indirect_dma source(%dma_start3A_79 : memref<100000x128xf32, #tpu.memory_space<hbm>>) target(%dma_start3A_73 : memref<128x128xf32, #tpu.memory_space<vmem>>) offsets(%dma_start3A_76 : memref<128xi32, #tpu.memory_space<vmem>>) semaphore(%dma_start3A_81 : memref<!tpu.dma_semaphore, #tpu.memory_space<semaphore_mem>>)
    %dma_wait3A = arith.constant 0 : i32
    %dma_wait3A_82 = arith.constant 0 : i32
    %dma_wait3A_83 = arith.constant 0 : i32
    %dma_wait3A_84 = arith.constant 0 : i32
    %dma_wait3A_85 = arith.constant 0 : i32
    %dma_wait3A_86 = arith.constant 0 : i32
    %dma_wait3A_87 = tpu.memref_slice %arg6[%dma_wait3A_82, %dma_wait3A_83, %dma_wait3A_85, %dma_wait3A_86] : memref<7x1x128x128xf32, #tpu.memory_space<vmem>> -> memref<1x1x128x128xf32, #tpu.memory_space<vmem>>
    %dma_wait3A_88 = tpu.memref_squeeze %dma_wait3A_87 : memref<1x1x128x128xf32, #tpu.memory_space<vmem>> -> memref<128x128xf32, #tpu.memory_space<vmem>>
    %dma_wait3A_89 = arith.constant 0 : i32
    %dma_wait3A_90 = tpu.memref_slice %arg5[%dma_wait3A, %dma_wait3A_89] : memref<104x128xi32, #tpu.memory_space<vmem>> -> memref<1x128xi32, #tpu.memory_space<vmem>>
    %dma_wait3A_91 = tpu.memref_squeeze %dma_wait3A_90 : memref<1x128xi32, #tpu.memory_space<vmem>> -> memref<128xi32, #tpu.memory_space<vmem>>
    %dma_wait3A_92 = arith.constant 0 : i32
    %dma_wait3A_93 = arith.constant 0 : i32
    %dma_wait3A_94 = tpu.memref_slice %arg3[%dma_wait3A_92, %dma_wait3A_93] : memref<100000x128xf32, #tpu.memory_space<hbm>> -> memref<100000x128xf32, #tpu.memory_space<hbm>>
    %dma_wait3A_95 = tpu.memref_slice %arg7[%dma_wait3A_84] : memref<7x!tpu.dma_semaphore, #tpu.memory_space<semaphore_mem>> -> memref<1x!tpu.dma_semaphore, #tpu.memory_space<semaphore_mem>>
    %dma_wait3A_96 = tpu.memref_squeeze %dma_wait3A_95 : memref<1x!tpu.dma_semaphore, #tpu.memory_space<semaphore_mem>> -> memref<!tpu.dma_semaphore, #tpu.memory_space<semaphore_mem>>
    tpu.wait_indirect_dma semaphore(%dma_wait3A_96 : memref<!tpu.dma_semaphore, #tpu.memory_space<semaphore_mem>>) src(%dma_wait3A_94 : memref<100000x128xf32, #tpu.memory_space<hbm>>) dst(%dma_wait3A_88 : memref<128x128xf32, #tpu.memory_space<vmem>>)
    %add3A_97 = arith.constant 0 : i32
    %add3A_98 = arith.addi %mul3A_2, %add3A_97 : i32
    %dma_start3A_99 = arith.constant 0 : i32
    %dma_start3A_100 = arith.constant 0 : i32
    %dma_start3A_101 = arith.constant 0 : i32
    %dma_start3A_102 = arith.constant 0 : i32
    %dma_start3A_103 = arith.constant 0 : i32
    %dma_start3A_104 = tpu.memref_slice %arg6[%dma_start3A_99, %dma_start3A_101, %dma_start3A_102, %dma_start3A_103] : memref<7x1x128x128xf32, #tpu.memory_space<vmem>> -> memref<1x1x128x128xf32, #tpu.memory_space<vmem>>
    %dma_start3A_105 = tpu.memref_squeeze %dma_start3A_104 : memref<1x1x128x128xf32, #tpu.memory_space<vmem>> -> memref<1x128x128xf32, #tpu.memory_space<vmem>>
    %dma_start3A_106 = arith.constant 0 : i32
    %dma_start3A_107 = arith.constant 0 : i32
    %dma_start3A_108 = tpu.memref_slice %arg4[%add3A_98, %dma_start3A_106, %dma_start3A_107] : memref<3328x128x128xf32, #tpu.memory_space<hbm>> -> memref<1x128x128xf32, #tpu.memory_space<hbm>>
    %dma_start3A_109 = tpu.memref_slice %arg8[%dma_start3A_100] : memref<7x!tpu.dma_semaphore, #tpu.memory_space<semaphore_mem>> -> memref<1x!tpu.dma_semaphore, #tpu.memory_space<semaphore_mem>>
    %dma_start3A_110 = tpu.memref_squeeze %dma_start3A_109 : memref<1x!tpu.dma_semaphore, #tpu.memory_space<semaphore_mem>> -> memref<!tpu.dma_semaphore, #tpu.memory_space<semaphore_mem>>
    %dma_start3A_111 = arith.constant 0 : i32
    %dma_start3A_112 = arith.constant 0 : i32
    %dma_start3A_113 = tpu.memref_slice %arg4[%add3A_98, %dma_start3A_111, %dma_start3A_112] : memref<3328x128x128xf32, #tpu.memory_space<hbm>> -> memref<1x128x128xf32, #tpu.memory_space<hbm>>
    %dma_start3A_114 = arith.constant 0 : i32
    %dma_start3A_115 = arith.constant 0 : i32
    %dma_start3A_116 = arith.constant 0 : i32
    %dma_start3A_117 = tpu.memref_slice %arg6[%dma_start3A_99, %dma_start3A_114, %dma_start3A_115, %dma_start3A_116] : memref<7x1x128x128xf32, #tpu.memory_space<vmem>> -> memref<1x1x128x128xf32, #tpu.memory_space<vmem>>
    %dma_start3A_118 = tpu.memref_squeeze %dma_start3A_117 : memref<1x1x128x128xf32, #tpu.memory_space<vmem>> -> memref<1x128x128xf32, #tpu.memory_space<vmem>>
    tpu.enqueue_dma source(%dma_start3A_118 : memref<1x128x128xf32, #tpu.memory_space<vmem>>) target(%dma_start3A_113 : memref<1x128x128xf32, #tpu.memory_space<hbm>>) target_semaphore(%dma_start3A_110 : memref<!tpu.dma_semaphore, #tpu.memory_space<semaphore_mem>>)
    %dma_start3A_119 = arith.constant 5 : i32
    %dma_start3A_120 = arith.constant 5 : i32
    %dma_start3A_121 = arith.constant 0 : i32
    %dma_start3A_122 = arith.constant 5 : i32
    %dma_start3A_123 = arith.constant 0 : i32
    %dma_start3A_124 = arith.constant 0 : i32
    %dma_start3A_125 = tpu.memref_slice %arg6[%dma_start3A_120, %dma_start3A_121, %dma_start3A_123, %dma_start3A_124] : memref<7x1x128x128xf32, #tpu.memory_space<vmem>> -> memref<1x1x128x128xf32, #tpu.memory_space<vmem>>
    %dma_start3A_126 = tpu.memref_squeeze %dma_start3A_125 : memref<1x1x128x128xf32, #tpu.memory_space<vmem>> -> memref<128x128xf32, #tpu.memory_space<vmem>>
    %dma_start3A_127 = arith.constant 0 : i32
    %dma_start3A_128 = tpu.memref_slice %arg5[%dma_start3A_119, %dma_start3A_127] : memref<104x128xi32, #tpu.memory_space<vmem>> -> memref<1x128xi32, #tpu.memory_space<vmem>>
    %dma_start3A_129 = tpu.memref_squeeze %dma_start3A_128 : memref<1x128xi32, #tpu.memory_space<vmem>> -> memref<128xi32, #tpu.memory_space<vmem>>
    %dma_start3A_130 = arith.constant 0 : i32
    %dma_start3A_131 = arith.constant 0 : i32
    %dma_start3A_132 = tpu.memref_slice %arg3[%dma_start3A_130, %dma_start3A_131] : memref<100000x128xf32, #tpu.memory_space<hbm>> -> memref<100000x128xf32, #tpu.memory_space<hbm>>
    %dma_start3A_133 = tpu.memref_slice %arg7[%dma_start3A_122] : memref<7x!tpu.dma_semaphore, #tpu.memory_space<semaphore_mem>> -> memref<1x!tpu.dma_semaphore, #tpu.memory_space<semaphore_mem>>
    %dma_start3A_134 = tpu.memref_squeeze %dma_start3A_133 : memref<1x!tpu.dma_semaphore, #tpu.memory_space<semaphore_mem>> -> memref<!tpu.dma_semaphore, #tpu.memory_space<semaphore_mem>>
    tpu.enqueue_indirect_dma source(%dma_start3A_132 : memref<100000x128xf32, #tpu.memory_space<hbm>>) target(%dma_start3A_126 : memref<128x128xf32, #tpu.memory_space<vmem>>) offsets(%dma_start3A_129 : memref<128xi32, #tpu.memory_space<vmem>>) semaphore(%dma_start3A_134 : memref<!tpu.dma_semaphore, #tpu.memory_space<semaphore_mem>>)
    %dma_wait3A_135 = arith.constant 1 : i32
    %dma_wait3A_136 = arith.constant 1 : i32
    %dma_wait3A_137 = arith.constant 0 : i32
    %dma_wait3A_138 = arith.constant 1 : i32
    %dma_wait3A_139 = arith.constant 0 : i32
    %dma_wait3A_140 = arith.constant 0 : i32
    %dma_wait3A_141 = tpu.memref_slice %arg6[%dma_wait3A_136, %dma_wait3A_137, %dma_wait3A_139, %dma_wait3A_140] : memref<7x1x128x128xf32, #tpu.memory_space<vmem>> -> memref<1x1x128x128xf32, #tpu.memory_space<vmem>>
    %dma_wait3A_142 = tpu.memref_squeeze %dma_wait3A_141 : memref<1x1x128x128xf32, #tpu.memory_space<vmem>> -> memref<128x128xf32, #tpu.memory_space<vmem>>
    %dma_wait3A_143 = arith.constant 0 : i32
    %dma_wait3A_144 = tpu.memref_slice %arg5[%dma_wait3A_135, %dma_wait3A_143] : memref<104x128xi32, #tpu.memory_space<vmem>> -> memref<1x128xi32, #tpu.memory_space<vmem>>
    %dma_wait3A_145 = tpu.memref_squeeze %dma_wait3A_144 : memref<1x128xi32, #tpu.memory_space<vmem>> -> memref<128xi32, #tpu.memory_space<vmem>>
    %dma_wait3A_146 = arith.constant 0 : i32
    %dma_wait3A_147 = arith.constant 0 : i32
    %dma_wait3A_148 = tpu.memref_slice %arg3[%dma_wait3A_146, %dma_wait3A_147] : memref<100000x128xf32, #tpu.memory_space<hbm>> -> memref<100000x128xf32, #tpu.memory_space<hbm>>
    %dma_wait3A_149 = tpu.memref_slice %arg7[%dma_wait3A_138] : memref<7x!tpu.dma_semaphore, #tpu.memory_space<semaphore_mem>> -> memref<1x!tpu.dma_semaphore, #tpu.memory_space<semaphore_mem>>
    %dma_wait3A_150 = tpu.memref_squeeze %dma_wait3A_149 : memref<1x!tpu.dma_semaphore, #tpu.memory_space<semaphore_mem>> -> memref<!tpu.dma_semaphore, #tpu.memory_space<semaphore_mem>>
    tpu.wait_indirect_dma semaphore(%dma_wait3A_150 : memref<!tpu.dma_semaphore, #tpu.memory_space<semaphore_mem>>) src(%dma_wait3A_148 : memref<100000x128xf32, #tpu.memory_space<hbm>>) dst(%dma_wait3A_142 : memref<128x128xf32, #tpu.memory_space<vmem>>)
    %add3A_151 = arith.constant 1 : i32
    %add3A_152 = arith.addi %mul3A_2, %add3A_151 : i32
    %dma_start3A_153 = arith.constant 1 : i32
    %dma_start3A_154 = arith.constant 1 : i32
    %dma_start3A_155 = arith.constant 0 : i32
    %dma_start3A_156 = arith.constant 0 : i32
    %dma_start3A_157 = arith.constant 0 : i32
    %dma_start3A_158 = tpu.memref_slice %arg6[%dma_start3A_153, %dma_start3A_155, %dma_start3A_156, %dma_start3A_157] : memref<7x1x128x128xf32, #tpu.memory_space<vmem>> -> memref<1x1x128x128xf32, #tpu.memory_space<vmem>>
    %dma_start3A_159 = tpu.memref_squeeze %dma_start3A_158 : memref<1x1x128x128xf32, #tpu.memory_space<vmem>> -> memref<1x128x128xf32, #tpu.memory_space<vmem>>
    %dma_start3A_160 = arith.constant 0 : i32
    %dma_start3A_161 = arith.constant 0 : i32
    %dma_start3A_162 = tpu.memref_slice %arg4[%add3A_152, %dma_start3A_160, %dma_start3A_161] : memref<3328x128x128xf32, #tpu.memory_space<hbm>> -> memref<1x128x128xf32, #tpu.memory_space<hbm>>
    %dma_start3A_163 = tpu.memref_slice %arg8[%dma_start3A_154] : memref<7x!tpu.dma_semaphore, #tpu.memory_space<semaphore_mem>> -> memref<1x!tpu.dma_semaphore, #tpu.memory_space<semaphore_mem>>
    %dma_start3A_164 = tpu.memref_squeeze %dma_start3A_163 : memref<1x!tpu.dma_semaphore, #tpu.memory_space<semaphore_mem>> -> memref<!tpu.dma_semaphore, #tpu.memory_space<semaphore_mem>>
    %dma_start3A_165 = arith.constant 0 : i32
    %dma_start3A_166 = arith.constant 0 : i32
    %dma_start3A_167 = tpu.memref_slice %arg4[%add3A_152, %dma_start3A_165, %dma_start3A_166] : memref<3328x128x128xf32, #tpu.memory_space<hbm>> -> memref<1x128x128xf32, #tpu.memory_space<hbm>>
    %dma_start3A_168 = arith.constant 0 : i32
    %dma_start3A_169 = arith.constant 0 : i32
    %dma_start3A_170 = arith.constant 0 : i32
    %dma_start3A_171 = tpu.memref_slice %arg6[%dma_start3A_153, %dma_start3A_168, %dma_start3A_169, %dma_start3A_170] : memref<7x1x128x128xf32, #tpu.memory_space<vmem>> -> memref<1x1x128x128xf32, #tpu.memory_space<vmem>>
    %dma_start3A_172 = tpu.memref_squeeze %dma_start3A_171 : memref<1x1x128x128xf32, #tpu.memory_space<vmem>> -> memref<1x128x128xf32, #tpu.memory_space<vmem>>
    tpu.enqueue_dma source(%dma_start3A_172 : memref<1x128x128xf32, #tpu.memory_space<vmem>>) target(%dma_start3A_167 : memref<1x128x128xf32, #tpu.memory_space<hbm>>) target_semaphore(%dma_start3A_164 : memref<!tpu.dma_semaphore, #tpu.memory_space<semaphore_mem>>)
    %dma_start3A_173 = arith.constant 6 : i32
    %dma_start3A_174 = arith.constant 6 : i32
    %dma_start3A_175 = arith.constant 0 : i32
    %dma_start3A_176 = arith.constant 6 : i32
    %dma_start3A_177 = arith.constant 0 : i32
    %dma_start3A_178 = arith.constant 0 : i32
    %dma_start3A_179 = tpu.memref_slice %arg6[%dma_start3A_174, %dma_start3A_175, %dma_start3A_177, %dma_start3A_178] : memref<7x1x128x128xf32, #tpu.memory_space<vmem>> -> memref<1x1x128x128xf32, #tpu.memory_space<vmem>>
    %dma_start3A_180 = tpu.memref_squeeze %dma_start3A_179 : memref<1x1x128x128xf32, #tpu.memory_space<vmem>> -> memref<128x128xf32, #tpu.memory_space<vmem>>
    %dma_start3A_181 = arith.constant 0 : i32
    %dma_start3A_182 = tpu.memref_slice %arg5[%dma_start3A_173, %dma_start3A_181] : memref<104x128xi32, #tpu.memory_space<vmem>> -> memref<1x128xi32, #tpu.memory_space<vmem>>
    %dma_start3A_183 = tpu.memref_squeeze %dma_start3A_182 : memref<1x128xi32, #tpu.memory_space<vmem>> -> memref<128xi32, #tpu.memory_space<vmem>>
    %dma_start3A_184 = arith.constant 0 : i32
    %dma_start3A_185 = arith.constant 0 : i32
    %dma_start3A_186 = tpu.memref_slice %arg3[%dma_start3A_184, %dma_start3A_185] : memref<100000x128xf32, #tpu.memory_space<hbm>> -> memref<100000x128xf32, #tpu.memory_space<hbm>>
    %dma_start3A_187 = tpu.memref_slice %arg7[%dma_start3A_176] : memref<7x!tpu.dma_semaphore, #tpu.memory_space<semaphore_mem>> -> memref<1x!tpu.dma_semaphore, #tpu.memory_space<semaphore_mem>>
    %dma_start3A_188 = tpu.memref_squeeze %dma_start3A_187 : memref<1x!tpu.dma_semaphore, #tpu.memory_space<semaphore_mem>> -> memref<!tpu.dma_semaphore, #tpu.memory_space<semaphore_mem>>
    tpu.enqueue_indirect_dma source(%dma_start3A_186 : memref<100000x128xf32, #tpu.memory_space<hbm>>) target(%dma_start3A_180 : memref<128x128xf32, #tpu.memory_space<vmem>>) offsets(%dma_start3A_183 : memref<128xi32, #tpu.memory_space<vmem>>) semaphore(%dma_start3A_188 : memref<!tpu.dma_semaphore, #tpu.memory_space<semaphore_mem>>)
    %scan3A = arith.constant 0 : i32
    %scan3A_189 = arith.constant 0 : i32
    %scan3A_190 = arith.constant 13 : i32
    %scan3A_191 = arith.addi %scan3A_189, %scan3A_190 : i32
    %scan3A_192 = arith.constant 1 : i32
    scf.for %scan3A_994 = %scan3A_189 to %scan3A_191 step %scan3A_192  : i32 {
      %mul3A_995 = arith.constant 7 : i32
      %mul3A_996 = arith.muli %scan3A_994, %mul3A_995 : i32
      %add3A_997 = arith.constant 2 : i32
      %add3A_998 = arith.addi %add3A_997, %mul3A_996 : i32
      %add3A_999 = arith.constant 0 : i32
      %add3A_1000 = arith.addi %add3A_998, %add3A_999 : i32
      %dma_wait3A_1001 = arith.constant 2 : i32
      %dma_wait3A_1002 = arith.constant 0 : i32
      %dma_wait3A_1003 = arith.constant 2 : i32
      %dma_wait3A_1004 = arith.constant 0 : i32
      %dma_wait3A_1005 = arith.constant 0 : i32
      %dma_wait3A_1006 = tpu.memref_slice %arg6[%dma_wait3A_1001, %dma_wait3A_1002, %dma_wait3A_1004, %dma_wait3A_1005] : memref<7x1x128x128xf32, #tpu.memory_space<vmem>> -> memref<1x1x128x128xf32, #tpu.memory_space<vmem>>
      %dma_wait3A_1007 = tpu.memref_squeeze %dma_wait3A_1006 : memref<1x1x128x128xf32, #tpu.memory_space<vmem>> -> memref<128x128xf32, #tpu.memory_space<vmem>>
      %dma_wait3A_1008 = arith.constant 0 : i32
      %dma_wait3A_1009 = tpu.memref_slice %arg5[%add3A_1000, %dma_wait3A_1008] : memref<104x128xi32, #tpu.memory_space<vmem>> -> memref<1x128xi32, #tpu.memory_space<vmem>>
      %dma_wait3A_1010 = tpu.memref_squeeze %dma_wait3A_1009 : memref<1x128xi32, #tpu.memory_space<vmem>> -> memref<128xi32, #tpu.memory_space<vmem>>
      %dma_wait3A_1011 = arith.constant 0 : i32
      %dma_wait3A_1012 = arith.constant 0 : i32
      %dma_wait3A_1013 = tpu.memref_slice %arg3[%dma_wait3A_1011, %dma_wait3A_1012] : memref<100000x128xf32, #tpu.memory_space<hbm>> -> memref<100000x128xf32, #tpu.memory_space<hbm>>
      %dma_wait3A_1014 = tpu.memref_slice %arg7[%dma_wait3A_1003] : memref<7x!tpu.dma_semaphore, #tpu.memory_space<semaphore_mem>> -> memref<1x!tpu.dma_semaphore, #tpu.memory_space<semaphore_mem>>
      %dma_wait3A_1015 = tpu.memref_squeeze %dma_wait3A_1014 : memref<1x!tpu.dma_semaphore, #tpu.memory_space<semaphore_mem>> -> memref<!tpu.dma_semaphore, #tpu.memory_space<semaphore_mem>>
      tpu.wait_indirect_dma semaphore(%dma_wait3A_1015 : memref<!tpu.dma_semaphore, #tpu.memory_space<semaphore_mem>>) src(%dma_wait3A_1013 : memref<100000x128xf32, #tpu.memory_space<hbm>>) dst(%dma_wait3A_1007 : memref<128x128xf32, #tpu.memory_space<vmem>>)
      %add3A_1016 = arith.addi %mul3A_2, %add3A_1000 : i32
      %dma_start3A_1017 = arith.constant 2 : i32
      %dma_start3A_1018 = arith.constant 2 : i32
      %dma_start3A_1019 = arith.constant 0 : i32
      %dma_start3A_1020 = arith.constant 0 : i32
      %dma_start3A_1021 = arith.constant 0 : i32
      %dma_start3A_1022 = tpu.memref_slice %arg6[%dma_start3A_1017, %dma_start3A_1019, %dma_start3A_1020, %dma_start3A_1021] : memref<7x1x128x128xf32, #tpu.memory_space<vmem>> -> memref<1x1x128x128xf32, #tpu.memory_space<vmem>>
      %dma_start3A_1023 = tpu.memref_squeeze %dma_start3A_1022 : memref<1x1x128x128xf32, #tpu.memory_space<vmem>> -> memref<1x128x128xf32, #tpu.memory_space<vmem>>
      %dma_start3A_1024 = arith.constant 0 : i32
      %dma_start3A_1025 = arith.constant 0 : i32
      %dma_start3A_1026 = tpu.memref_slice %arg4[%add3A_1016, %dma_start3A_1024, %dma_start3A_1025] : memref<3328x128x128xf32, #tpu.memory_space<hbm>> -> memref<1x128x128xf32, #tpu.memory_space<hbm>>
      %dma_start3A_1027 = tpu.memref_slice %arg8[%dma_start3A_1018] : memref<7x!tpu.dma_semaphore, #tpu.memory_space<semaphore_mem>> -> memref<1x!tpu.dma_semaphore, #tpu.memory_space<semaphore_mem>>
      %dma_start3A_1028 = tpu.memref_squeeze %dma_start3A_1027 : memref<1x!tpu.dma_semaphore, #tpu.memory_space<semaphore_mem>> -> memref<!tpu.dma_semaphore, #tpu.memory_space<semaphore_mem>>
      %dma_start3A_1029 = arith.constant 0 : i32
      %dma_start3A_1030 = arith.constant 0 : i32
      %dma_start3A_1031 = tpu.memref_slice %arg4[%add3A_1016, %dma_start3A_1029, %dma_start3A_1030] : memref<3328x128x128xf32, #tpu.memory_space<hbm>> -> memref<1x128x128xf32, #tpu.memory_space<hbm>>
      %dma_start3A_1032 = arith.constant 0 : i32
      %dma_start3A_1033 = arith.constant 0 : i32
      %dma_start3A_1034 = arith.constant 0 : i32
      %dma_start3A_1035 = tpu.memref_slice %arg6[%dma_start3A_1017, %dma_start3A_1032, %dma_start3A_1033, %dma_start3A_1034] : memref<7x1x128x128xf32, #tpu.memory_space<vmem>> -> memref<1x1x128x128xf32, #tpu.memory_space<vmem>>
      %dma_start3A_1036 = tpu.memref_squeeze %dma_start3A_1035 : memref<1x1x128x128xf32, #tpu.memory_space<vmem>> -> memref<1x128x128xf32, #tpu.memory_space<vmem>>
      tpu.enqueue_dma source(%dma_start3A_1036 : memref<1x128x128xf32, #tpu.memory_space<vmem>>) target(%dma_start3A_1031 : memref<1x128x128xf32, #tpu.memory_space<hbm>>) target_semaphore(%dma_start3A_1028 : memref<!tpu.dma_semaphore, #tpu.memory_space<semaphore_mem>>)
      %sub3A = arith.constant 2 : i32
      %sub3A_1037 = arith.subi %add3A_1000, %sub3A : i32
      %add3A_1038 = arith.addi %mul3A_2, %sub3A_1037 : i32
      %dma_wait3A_1039 = arith.constant 0 : i32
      %dma_wait3A_1040 = arith.constant 0 : i32
      %dma_wait3A_1041 = arith.constant 0 : i32
      %dma_wait3A_1042 = arith.constant 0 : i32
      %dma_wait3A_1043 = arith.constant 0 : i32
      %dma_wait3A_1044 = tpu.memref_slice %arg6[%dma_wait3A_1039, %dma_wait3A_1041, %dma_wait3A_1042, %dma_wait3A_1043] : memref<7x1x128x128xf32, #tpu.memory_space<vmem>> -> memref<1x1x128x128xf32, #tpu.memory_space<vmem>>
      %dma_wait3A_1045 = tpu.memref_squeeze %dma_wait3A_1044 : memref<1x1x128x128xf32, #tpu.memory_space<vmem>> -> memref<1x128x128xf32, #tpu.memory_space<vmem>>
      %dma_wait3A_1046 = arith.constant 0 : i32
      %dma_wait3A_1047 = arith.constant 0 : i32
      %dma_wait3A_1048 = tpu.memref_slice %arg4[%add3A_1038, %dma_wait3A_1046, %dma_wait3A_1047] : memref<3328x128x128xf32, #tpu.memory_space<hbm>> -> memref<1x128x128xf32, #tpu.memory_space<hbm>>
      %dma_wait3A_1049 = tpu.memref_slice %arg8[%dma_wait3A_1040] : memref<7x!tpu.dma_semaphore, #tpu.memory_space<semaphore_mem>> -> memref<1x!tpu.dma_semaphore, #tpu.memory_space<semaphore_mem>>
      %dma_wait3A_1050 = tpu.memref_squeeze %dma_wait3A_1049 : memref<1x!tpu.dma_semaphore, #tpu.memory_space<semaphore_mem>> -> memref<!tpu.dma_semaphore, #tpu.memory_space<semaphore_mem>>
      %dma_wait3A_1051 = arith.constant 0 : i32
      %dma_wait3A_1052 = arith.constant 0 : i32
      %dma_wait3A_1053 = tpu.memref_slice %arg4[%add3A_1038, %dma_wait3A_1051, %dma_wait3A_1052] : memref<3328x128x128xf32, #tpu.memory_space<hbm>> -> memref<1x128x128xf32, #tpu.memory_space<hbm>>
      %dma_wait3A_1054 = arith.constant 0 : i32
      %dma_wait3A_1055 = arith.constant 0 : i32
      %dma_wait3A_1056 = arith.constant 0 : i32
      %dma_wait3A_1057 = tpu.memref_slice %arg6[%dma_wait3A_1039, %dma_wait3A_1054, %dma_wait3A_1055, %dma_wait3A_1056] : memref<7x1x128x128xf32, #tpu.memory_space<vmem>> -> memref<1x1x128x128xf32, #tpu.memory_space<vmem>>
      %dma_wait3A_1058 = tpu.memref_squeeze %dma_wait3A_1057 : memref<1x1x128x128xf32, #tpu.memory_space<vmem>> -> memref<1x128x128xf32, #tpu.memory_space<vmem>>
      tpu.wait_dma2 semaphore(%dma_wait3A_1050 : memref<!tpu.dma_semaphore, #tpu.memory_space<semaphore_mem>>) src(%dma_wait3A_1058 : memref<1x128x128xf32, #tpu.memory_space<vmem>>) dst(%dma_wait3A_1053 : memref<1x128x128xf32, #tpu.memory_space<hbm>>)
      %add3A_1059 = arith.constant 5 : i32
      %add3A_1060 = arith.addi %add3A_1000, %add3A_1059 : i32
      %dma_start3A_1061 = arith.constant 0 : i32
      %dma_start3A_1062 = arith.constant 0 : i32
      %dma_start3A_1063 = arith.constant 0 : i32
      %dma_start3A_1064 = arith.constant 0 : i32
      %dma_start3A_1065 = arith.constant 0 : i32
      %dma_start3A_1066 = tpu.memref_slice %arg6[%dma_start3A_1061, %dma_start3A_1062, %dma_start3A_1064, %dma_start3A_1065] : memref<7x1x128x128xf32, #tpu.memory_space<vmem>> -> memref<1x1x128x128xf32, #tpu.memory_space<vmem>>
      %dma_start3A_1067 = tpu.memref_squeeze %dma_start3A_1066 : memref<1x1x128x128xf32, #tpu.memory_space<vmem>> -> memref<128x128xf32, #tpu.memory_space<vmem>>
      %dma_start3A_1068 = arith.constant 0 : i32
      %dma_start3A_1069 = tpu.memref_slice %arg5[%add3A_1060, %dma_start3A_1068] : memref<104x128xi32, #tpu.memory_space<vmem>> -> memref<1x128xi32, #tpu.memory_space<vmem>>
      %dma_start3A_1070 = tpu.memref_squeeze %dma_start3A_1069 : memref<1x128xi32, #tpu.memory_space<vmem>> -> memref<128xi32, #tpu.memory_space<vmem>>
      %dma_start3A_1071 = arith.constant 0 : i32
      %dma_start3A_1072 = arith.constant 0 : i32
      %dma_start3A_1073 = tpu.memref_slice %arg3[%dma_start3A_1071, %dma_start3A_1072] : memref<100000x128xf32, #tpu.memory_space<hbm>> -> memref<100000x128xf32, #tpu.memory_space<hbm>>
      %dma_start3A_1074 = tpu.memref_slice %arg7[%dma_start3A_1063] : memref<7x!tpu.dma_semaphore, #tpu.memory_space<semaphore_mem>> -> memref<1x!tpu.dma_semaphore, #tpu.memory_space<semaphore_mem>>
      %dma_start3A_1075 = tpu.memref_squeeze %dma_start3A_1074 : memref<1x!tpu.dma_semaphore, #tpu.memory_space<semaphore_mem>> -> memref<!tpu.dma_semaphore, #tpu.memory_space<semaphore_mem>>
      tpu.enqueue_indirect_dma source(%dma_start3A_1073 : memref<100000x128xf32, #tpu.memory_space<hbm>>) target(%dma_start3A_1067 : memref<128x128xf32, #tpu.memory_space<vmem>>) offsets(%dma_start3A_1070 : memref<128xi32, #tpu.memory_space<vmem>>) semaphore(%dma_start3A_1075 : memref<!tpu.dma_semaphore, #tpu.memory_space<semaphore_mem>>)
      %mul3A_1076 = arith.constant 7 : i32
      %mul3A_1077 = arith.muli %scan3A_994, %mul3A_1076 : i32
      %add3A_1078 = arith.constant 2 : i32
      %add3A_1079 = arith.addi %add3A_1078, %mul3A_1077 : i32
      %add3A_1080 = arith.constant 1 : i32
      %add3A_1081 = arith.addi %add3A_1079, %add3A_1080 : i32
      %dma_wait3A_1082 = arith.constant 3 : i32
      %dma_wait3A_1083 = arith.constant 0 : i32
      %dma_wait3A_1084 = arith.constant 3 : i32
      %dma_wait3A_1085 = arith.constant 0 : i32
      %dma_wait3A_1086 = arith.constant 0 : i32
      %dma_wait3A_1087 = tpu.memref_slice %arg6[%dma_wait3A_1082, %dma_wait3A_1083, %dma_wait3A_1085, %dma_wait3A_1086] : memref<7x1x128x128xf32, #tpu.memory_space<vmem>> -> memref<1x1x128x128xf32, #tpu.memory_space<vmem>>
      %dma_wait3A_1088 = tpu.memref_squeeze %dma_wait3A_1087 : memref<1x1x128x128xf32, #tpu.memory_space<vmem>> -> memref<128x128xf32, #tpu.memory_space<vmem>>
      %dma_wait3A_1089 = arith.constant 0 : i32
      %dma_wait3A_1090 = tpu.memref_slice %arg5[%add3A_1081, %dma_wait3A_1089] : memref<104x128xi32, #tpu.memory_space<vmem>> -> memref<1x128xi32, #tpu.memory_space<vmem>>
      %dma_wait3A_1091 = tpu.memref_squeeze %dma_wait3A_1090 : memref<1x128xi32, #tpu.memory_space<vmem>> -> memref<128xi32, #tpu.memory_space<vmem>>
      %dma_wait3A_1092 = arith.constant 0 : i32
      %dma_wait3A_1093 = arith.constant 0 : i32
      %dma_wait3A_1094 = tpu.memref_slice %arg3[%dma_wait3A_1092, %dma_wait3A_1093] : memref<100000x128xf32, #tpu.memory_space<hbm>> -> memref<100000x128xf32, #tpu.memory_space<hbm>>
      %dma_wait3A_1095 = tpu.memref_slice %arg7[%dma_wait3A_1084] : memref<7x!tpu.dma_semaphore, #tpu.memory_space<semaphore_mem>> -> memref<1x!tpu.dma_semaphore, #tpu.memory_space<semaphore_mem>>
      %dma_wait3A_1096 = tpu.memref_squeeze %dma_wait3A_1095 : memref<1x!tpu.dma_semaphore, #tpu.memory_space<semaphore_mem>> -> memref<!tpu.dma_semaphore, #tpu.memory_space<semaphore_mem>>
      tpu.wait_indirect_dma semaphore(%dma_wait3A_1096 : memref<!tpu.dma_semaphore, #tpu.memory_space<semaphore_mem>>) src(%dma_wait3A_1094 : memref<100000x128xf32, #tpu.memory_space<hbm>>) dst(%dma_wait3A_1088 : memref<128x128xf32, #tpu.memory_space<vmem>>)
      %add3A_1097 = arith.addi %mul3A_2, %add3A_1081 : i32
      %dma_start3A_1098 = arith.constant 3 : i32
      %dma_start3A_1099 = arith.constant 3 : i32
      %dma_start3A_1100 = arith.constant 0 : i32
      %dma_start3A_1101 = arith.constant 0 : i32
      %dma_start3A_1102 = arith.constant 0 : i32
      %dma_start3A_1103 = tpu.memref_slice %arg6[%dma_start3A_1098, %dma_start3A_1100, %dma_start3A_1101, %dma_start3A_1102] : memref<7x1x128x128xf32, #tpu.memory_space<vmem>> -> memref<1x1x128x128xf32, #tpu.memory_space<vmem>>
      %dma_start3A_1104 = tpu.memref_squeeze %dma_start3A_1103 : memref<1x1x128x128xf32, #tpu.memory_space<vmem>> -> memref<1x128x128xf32, #tpu.memory_space<vmem>>
      %dma_start3A_1105 = arith.constant 0 : i32
      %dma_start3A_1106 = arith.constant 0 : i32
      %dma_start3A_1107 = tpu.memref_slice %arg4[%add3A_1097, %dma_start3A_1105, %dma_start3A_1106] : memref<3328x128x128xf32, #tpu.memory_space<hbm>> -> memref<1x128x128xf32, #tpu.memory_space<hbm>>
      %dma_start3A_1108 = tpu.memref_slice %arg8[%dma_start3A_1099] : memref<7x!tpu.dma_semaphore, #tpu.memory_space<semaphore_mem>> -> memref<1x!tpu.dma_semaphore, #tpu.memory_space<semaphore_mem>>
      %dma_start3A_1109 = tpu.memref_squeeze %dma_start3A_1108 : memref<1x!tpu.dma_semaphore, #tpu.memory_space<semaphore_mem>> -> memref<!tpu.dma_semaphore, #tpu.memory_space<semaphore_mem>>
      %dma_start3A_1110 = arith.constant 0 : i32
      %dma_start3A_1111 = arith.constant 0 : i32
      %dma_start3A_1112 = tpu.memref_slice %arg4[%add3A_1097, %dma_start3A_1110, %dma_start3A_1111] : memref<3328x128x128xf32, #tpu.memory_space<hbm>> -> memref<1x128x128xf32, #tpu.memory_space<hbm>>
      %dma_start3A_1113 = arith.constant 0 : i32
      %dma_start3A_1114 = arith.constant 0 : i32
      %dma_start3A_1115 = arith.constant 0 : i32
      %dma_start3A_1116 = tpu.memref_slice %arg6[%dma_start3A_1098, %dma_start3A_1113, %dma_start3A_1114, %dma_start3A_1115] : memref<7x1x128x128xf32, #tpu.memory_space<vmem>> -> memref<1x1x128x128xf32, #tpu.memory_space<vmem>>
      %dma_start3A_1117 = tpu.memref_squeeze %dma_start3A_1116 : memref<1x1x128x128xf32, #tpu.memory_space<vmem>> -> memref<1x128x128xf32, #tpu.memory_space<vmem>>
      tpu.enqueue_dma source(%dma_start3A_1117 : memref<1x128x128xf32, #tpu.memory_space<vmem>>) target(%dma_start3A_1112 : memref<1x128x128xf32, #tpu.memory_space<hbm>>) target_semaphore(%dma_start3A_1109 : memref<!tpu.dma_semaphore, #tpu.memory_space<semaphore_mem>>)
      %sub3A_1118 = arith.constant 2 : i32
      %sub3A_1119 = arith.subi %add3A_1081, %sub3A_1118 : i32
      %add3A_1120 = arith.addi %mul3A_2, %sub3A_1119 : i32
      %dma_wait3A_1121 = arith.constant 1 : i32
      %dma_wait3A_1122 = arith.constant 1 : i32
      %dma_wait3A_1123 = arith.constant 0 : i32
      %dma_wait3A_1124 = arith.constant 0 : i32
      %dma_wait3A_1125 = arith.constant 0 : i32
      %dma_wait3A_1126 = tpu.memref_slice %arg6[%dma_wait3A_1121, %dma_wait3A_1123, %dma_wait3A_1124, %dma_wait3A_1125] : memref<7x1x128x128xf32, #tpu.memory_space<vmem>> -> memref<1x1x128x128xf32, #tpu.memory_space<vmem>>
      %dma_wait3A_1127 = tpu.memref_squeeze %dma_wait3A_1126 : memref<1x1x128x128xf32, #tpu.memory_space<vmem>> -> memref<1x128x128xf32, #tpu.memory_space<vmem>>
      %dma_wait3A_1128 = arith.constant 0 : i32
      %dma_wait3A_1129 = arith.constant 0 : i32
      %dma_wait3A_1130 = tpu.memref_slice %arg4[%add3A_1120, %dma_wait3A_1128, %dma_wait3A_1129] : memref<3328x128x128xf32, #tpu.memory_space<hbm>> -> memref<1x128x128xf32, #tpu.memory_space<hbm>>
      %dma_wait3A_1131 = tpu.memref_slice %arg8[%dma_wait3A_1122] : memref<7x!tpu.dma_semaphore, #tpu.memory_space<semaphore_mem>> -> memref<1x!tpu.dma_semaphore, #tpu.memory_space<semaphore_mem>>
      %dma_wait3A_1132 = tpu.memref_squeeze %dma_wait3A_1131 : memref<1x!tpu.dma_semaphore, #tpu.memory_space<semaphore_mem>> -> memref<!tpu.dma_semaphore, #tpu.memory_space<semaphore_mem>>
      %dma_wait3A_1133 = arith.constant 0 : i32
      %dma_wait3A_1134 = arith.constant 0 : i32
      %dma_wait3A_1135 = tpu.memref_slice %arg4[%add3A_1120, %dma_wait3A_1133, %dma_wait3A_1134] : memref<3328x128x128xf32, #tpu.memory_space<hbm>> -> memref<1x128x128xf32, #tpu.memory_space<hbm>>
      %dma_wait3A_1136 = arith.constant 0 : i32
      %dma_wait3A_1137 = arith.constant 0 : i32
      %dma_wait3A_1138 = arith.constant 0 : i32
      %dma_wait3A_1139 = tpu.memref_slice %arg6[%dma_wait3A_1121, %dma_wait3A_1136, %dma_wait3A_1137, %dma_wait3A_1138] : memref<7x1x128x128xf32, #tpu.memory_space<vmem>> -> memref<1x1x128x128xf32, #tpu.memory_space<vmem>>
      %dma_wait3A_1140 = tpu.memref_squeeze %dma_wait3A_1139 : memref<1x1x128x128xf32, #tpu.memory_space<vmem>> -> memref<1x128x128xf32, #tpu.memory_space<vmem>>
      tpu.wait_dma2 semaphore(%dma_wait3A_1132 : memref<!tpu.dma_semaphore, #tpu.memory_space<semaphore_mem>>) src(%dma_wait3A_1140 : memref<1x128x128xf32, #tpu.memory_space<vmem>>) dst(%dma_wait3A_1135 : memref<1x128x128xf32, #tpu.memory_space<hbm>>)
      %add3A_1141 = arith.constant 5 : i32
      %add3A_1142 = arith.addi %add3A_1081, %add3A_1141 : i32
      %dma_start3A_1143 = arith.constant 1 : i32
      %dma_start3A_1144 = arith.constant 0 : i32
      %dma_start3A_1145 = arith.constant 1 : i32
      %dma_start3A_1146 = arith.constant 0 : i32
      %dma_start3A_1147 = arith.constant 0 : i32
      %dma_start3A_1148 = tpu.memref_slice %arg6[%dma_start3A_1143, %dma_start3A_1144, %dma_start3A_1146, %dma_start3A_1147] : memref<7x1x128x128xf32, #tpu.memory_space<vmem>> -> memref<1x1x128x128xf32, #tpu.memory_space<vmem>>
      %dma_start3A_1149 = tpu.memref_squeeze %dma_start3A_1148 : memref<1x1x128x128xf32, #tpu.memory_space<vmem>> -> memref<128x128xf32, #tpu.memory_space<vmem>>
      %dma_start3A_1150 = arith.constant 0 : i32
      %dma_start3A_1151 = tpu.memref_slice %arg5[%add3A_1142, %dma_start3A_1150] : memref<104x128xi32, #tpu.memory_space<vmem>> -> memref<1x128xi32, #tpu.memory_space<vmem>>
      %dma_start3A_1152 = tpu.memref_squeeze %dma_start3A_1151 : memref<1x128xi32, #tpu.memory_space<vmem>> -> memref<128xi32, #tpu.memory_space<vmem>>
      %dma_start3A_1153 = arith.constant 0 : i32
      %dma_start3A_1154 = arith.constant 0 : i32
      %dma_start3A_1155 = tpu.memref_slice %arg3[%dma_start3A_1153, %dma_start3A_1154] : memref<100000x128xf32, #tpu.memory_space<hbm>> -> memref<100000x128xf32, #tpu.memory_space<hbm>>
      %dma_start3A_1156 = tpu.memref_slice %arg7[%dma_start3A_1145] : memref<7x!tpu.dma_semaphore, #tpu.memory_space<semaphore_mem>> -> memref<1x!tpu.dma_semaphore, #tpu.memory_space<semaphore_mem>>
      %dma_start3A_1157 = tpu.memref_squeeze %dma_start3A_1156 : memref<1x!tpu.dma_semaphore, #tpu.memory_space<semaphore_mem>> -> memref<!tpu.dma_semaphore, #tpu.memory_space<semaphore_mem>>
      tpu.enqueue_indirect_dma source(%dma_start3A_1155 : memref<100000x128xf32, #tpu.memory_space<hbm>>) target(%dma_start3A_1149 : memref<128x128xf32, #tpu.memory_space<vmem>>) offsets(%dma_start3A_1152 : memref<128xi32, #tpu.memory_space<vmem>>) semaphore(%dma_start3A_1157 : memref<!tpu.dma_semaphore, #tpu.memory_space<semaphore_mem>>)
      %mul3A_1158 = arith.constant 7 : i32
      %mul3A_1159 = arith.muli %scan3A_994, %mul3A_1158 : i32
      %add3A_1160 = arith.constant 2 : i32
      %add3A_1161 = arith.addi %add3A_1160, %mul3A_1159 : i32
      %add3A_1162 = arith.constant 2 : i32
      %add3A_1163 = arith.addi %add3A_1161, %add3A_1162 : i32
      %dma_wait3A_1164 = arith.constant 4 : i32
      %dma_wait3A_1165 = arith.constant 0 : i32
      %dma_wait3A_1166 = arith.constant 4 : i32
      %dma_wait3A_1167 = arith.constant 0 : i32
      %dma_wait3A_1168 = arith.constant 0 : i32
      %dma_wait3A_1169 = tpu.memref_slice %arg6[%dma_wait3A_1164, %dma_wait3A_1165, %dma_wait3A_1167, %dma_wait3A_1168] : memref<7x1x128x128xf32, #tpu.memory_space<vmem>> -> memref<1x1x128x128xf32, #tpu.memory_space<vmem>>
      %dma_wait3A_1170 = tpu.memref_squeeze %dma_wait3A_1169 : memref<1x1x128x128xf32, #tpu.memory_space<vmem>> -> memref<128x128xf32, #tpu.memory_space<vmem>>
      %dma_wait3A_1171 = arith.constant 0 : i32
      %dma_wait3A_1172 = tpu.memref_slice %arg5[%add3A_1163, %dma_wait3A_1171] : memref<104x128xi32, #tpu.memory_space<vmem>> -> memref<1x128xi32, #tpu.memory_space<vmem>>
      %dma_wait3A_1173 = tpu.memref_squeeze %dma_wait3A_1172 : memref<1x128xi32, #tpu.memory_space<vmem>> -> memref<128xi32, #tpu.memory_space<vmem>>
      %dma_wait3A_1174 = arith.constant 0 : i32
      %dma_wait3A_1175 = arith.constant 0 : i32
      %dma_wait3A_1176 = tpu.memref_slice %arg3[%dma_wait3A_1174, %dma_wait3A_1175] : memref<100000x128xf32, #tpu.memory_space<hbm>> -> memref<100000x128xf32, #tpu.memory_space<hbm>>
      %dma_wait3A_1177 = tpu.memref_slice %arg7[%dma_wait3A_1166] : memref<7x!tpu.dma_semaphore, #tpu.memory_space<semaphore_mem>> -> memref<1x!tpu.dma_semaphore, #tpu.memory_space<semaphore_mem>>
      %dma_wait3A_1178 = tpu.memref_squeeze %dma_wait3A_1177 : memref<1x!tpu.dma_semaphore, #tpu.memory_space<semaphore_mem>> -> memref<!tpu.dma_semaphore, #tpu.memory_space<semaphore_mem>>
      tpu.wait_indirect_dma semaphore(%dma_wait3A_1178 : memref<!tpu.dma_semaphore, #tpu.memory_space<semaphore_mem>>) src(%dma_wait3A_1176 : memref<100000x128xf32, #tpu.memory_space<hbm>>) dst(%dma_wait3A_1170 : memref<128x128xf32, #tpu.memory_space<vmem>>)
      %add3A_1179 = arith.addi %mul3A_2, %add3A_1163 : i32
      %dma_start3A_1180 = arith.constant 4 : i32
      %dma_start3A_1181 = arith.constant 4 : i32
      %dma_start3A_1182 = arith.constant 0 : i32
      %dma_start3A_1183 = arith.constant 0 : i32
      %dma_start3A_1184 = arith.constant 0 : i32
      %dma_start3A_1185 = tpu.memref_slice %arg6[%dma_start3A_1180, %dma_start3A_1182, %dma_start3A_1183, %dma_start3A_1184] : memref<7x1x128x128xf32, #tpu.memory_space<vmem>> -> memref<1x1x128x128xf32, #tpu.memory_space<vmem>>
      %dma_start3A_1186 = tpu.memref_squeeze %dma_start3A_1185 : memref<1x1x128x128xf32, #tpu.memory_space<vmem>> -> memref<1x128x128xf32, #tpu.memory_space<vmem>>
      %dma_start3A_1187 = arith.constant 0 : i32
      %dma_start3A_1188 = arith.constant 0 : i32
      %dma_start3A_1189 = tpu.memref_slice %arg4[%add3A_1179, %dma_start3A_1187, %dma_start3A_1188] : memref<3328x128x128xf32, #tpu.memory_space<hbm>> -> memref<1x128x128xf32, #tpu.memory_space<hbm>>
      %dma_start3A_1190 = tpu.memref_slice %arg8[%dma_start3A_1181] : memref<7x!tpu.dma_semaphore, #tpu.memory_space<semaphore_mem>> -> memref<1x!tpu.dma_semaphore, #tpu.memory_space<semaphore_mem>>
      %dma_start3A_1191 = tpu.memref_squeeze %dma_start3A_1190 : memref<1x!tpu.dma_semaphore, #tpu.memory_space<semaphore_mem>> -> memref<!tpu.dma_semaphore, #tpu.memory_space<semaphore_mem>>
      %dma_start3A_1192 = arith.constant 0 : i32
      %dma_start3A_1193 = arith.constant 0 : i32
      %dma_start3A_1194 = tpu.memref_slice %arg4[%add3A_1179, %dma_start3A_1192, %dma_start3A_1193] : memref<3328x128x128xf32, #tpu.memory_space<hbm>> -> memref<1x128x128xf32, #tpu.memory_space<hbm>>
      %dma_start3A_1195 = arith.constant 0 : i32
      %dma_start3A_1196 = arith.constant 0 : i32
      %dma_start3A_1197 = arith.constant 0 : i32
      %dma_start3A_1198 = tpu.memref_slice %arg6[%dma_start3A_1180, %dma_start3A_1195, %dma_start3A_1196, %dma_start3A_1197] : memref<7x1x128x128xf32, #tpu.memory_space<vmem>> -> memref<1x1x128x128xf32, #tpu.memory_space<vmem>>
      %dma_start3A_1199 = tpu.memref_squeeze %dma_start3A_1198 : memref<1x1x128x128xf32, #tpu.memory_space<vmem>> -> memref<1x128x128xf32, #tpu.memory_space<vmem>>
      tpu.enqueue_dma source(%dma_start3A_1199 : memref<1x128x128xf32, #tpu.memory_space<vmem>>) target(%dma_start3A_1194 : memref<1x128x128xf32, #tpu.memory_space<hbm>>) target_semaphore(%dma_start3A_1191 : memref<!tpu.dma_semaphore, #tpu.memory_space<semaphore_mem>>)
      %sub3A_1200 = arith.constant 2 : i32
      %sub3A_1201 = arith.subi %add3A_1163, %sub3A_1200 : i32
      %add3A_1202 = arith.addi %mul3A_2, %sub3A_1201 : i32
      %dma_wait3A_1203 = arith.constant 2 : i32
      %dma_wait3A_1204 = arith.constant 2 : i32
      %dma_wait3A_1205 = arith.constant 0 : i32
      %dma_wait3A_1206 = arith.constant 0 : i32
      %dma_wait3A_1207 = arith.constant 0 : i32
      %dma_wait3A_1208 = tpu.memref_slice %arg6[%dma_wait3A_1203, %dma_wait3A_1205, %dma_wait3A_1206, %dma_wait3A_1207] : memref<7x1x128x128xf32, #tpu.memory_space<vmem>> -> memref<1x1x128x128xf32, #tpu.memory_space<vmem>>
      %dma_wait3A_1209 = tpu.memref_squeeze %dma_wait3A_1208 : memref<1x1x128x128xf32, #tpu.memory_space<vmem>> -> memref<1x128x128xf32, #tpu.memory_space<vmem>>
      %dma_wait3A_1210 = arith.constant 0 : i32
      %dma_wait3A_1211 = arith.constant 0 : i32
      %dma_wait3A_1212 = tpu.memref_slice %arg4[%add3A_1202, %dma_wait3A_1210, %dma_wait3A_1211] : memref<3328x128x128xf32, #tpu.memory_space<hbm>> -> memref<1x128x128xf32, #tpu.memory_space<hbm>>
      %dma_wait3A_1213 = tpu.memref_slice %arg8[%dma_wait3A_1204] : memref<7x!tpu.dma_semaphore, #tpu.memory_space<semaphore_mem>> -> memref<1x!tpu.dma_semaphore, #tpu.memory_space<semaphore_mem>>
      %dma_wait3A_1214 = tpu.memref_squeeze %dma_wait3A_1213 : memref<1x!tpu.dma_semaphore, #tpu.memory_space<semaphore_mem>> -> memref<!tpu.dma_semaphore, #tpu.memory_space<semaphore_mem>>
      %dma_wait3A_1215 = arith.constant 0 : i32
      %dma_wait3A_1216 = arith.constant 0 : i32
      %dma_wait3A_1217 = tpu.memref_slice %arg4[%add3A_1202, %dma_wait3A_1215, %dma_wait3A_1216] : memref<3328x128x128xf32, #tpu.memory_space<hbm>> -> memref<1x128x128xf32, #tpu.memory_space<hbm>>
      %dma_wait3A_1218 = arith.constant 0 : i32
      %dma_wait3A_1219 = arith.constant 0 : i32
      %dma_wait3A_1220 = arith.constant 0 : i32
      %dma_wait3A_1221 = tpu.memref_slice %arg6[%dma_wait3A_1203, %dma_wait3A_1218, %dma_wait3A_1219, %dma_wait3A_1220] : memref<7x1x128x128xf32, #tpu.memory_space<vmem>> -> memref<1x1x128x128xf32, #tpu.memory_space<vmem>>
      %dma_wait3A_1222 = tpu.memref_squeeze %dma_wait3A_1221 : memref<1x1x128x128xf32, #tpu.memory_space<vmem>> -> memref<1x128x128xf32, #tpu.memory_space<vmem>>
      tpu.wait_dma2 semaphore(%dma_wait3A_1214 : memref<!tpu.dma_semaphore, #tpu.memory_space<semaphore_mem>>) src(%dma_wait3A_1222 : memref<1x128x128xf32, #tpu.memory_space<vmem>>) dst(%dma_wait3A_1217 : memref<1x128x128xf32, #tpu.memory_space<hbm>>)
      %add3A_1223 = arith.constant 5 : i32
      %add3A_1224 = arith.addi %add3A_1163, %add3A_1223 : i32
      %dma_start3A_1225 = arith.constant 2 : i32
      %dma_start3A_1226 = arith.constant 0 : i32
      %dma_start3A_1227 = arith.constant 2 : i32
      %dma_start3A_1228 = arith.constant 0 : i32
      %dma_start3A_1229 = arith.constant 0 : i32
      %dma_start3A_1230 = tpu.memref_slice %arg6[%dma_start3A_1225, %dma_start3A_1226, %dma_start3A_1228, %dma_start3A_1229] : memref<7x1x128x128xf32, #tpu.memory_space<vmem>> -> memref<1x1x128x128xf32, #tpu.memory_space<vmem>>
      %dma_start3A_1231 = tpu.memref_squeeze %dma_start3A_1230 : memref<1x1x128x128xf32, #tpu.memory_space<vmem>> -> memref<128x128xf32, #tpu.memory_space<vmem>>
      %dma_start3A_1232 = arith.constant 0 : i32
      %dma_start3A_1233 = tpu.memref_slice %arg5[%add3A_1224, %dma_start3A_1232] : memref<104x128xi32, #tpu.memory_space<vmem>> -> memref<1x128xi32, #tpu.memory_space<vmem>>
      %dma_start3A_1234 = tpu.memref_squeeze %dma_start3A_1233 : memref<1x128xi32, #tpu.memory_space<vmem>> -> memref<128xi32, #tpu.memory_space<vmem>>
      %dma_start3A_1235 = arith.constant 0 : i32
      %dma_start3A_1236 = arith.constant 0 : i32
      %dma_start3A_1237 = tpu.memref_slice %arg3[%dma_start3A_1235, %dma_start3A_1236] : memref<100000x128xf32, #tpu.memory_space<hbm>> -> memref<100000x128xf32, #tpu.memory_space<hbm>>
      %dma_start3A_1238 = tpu.memref_slice %arg7[%dma_start3A_1227] : memref<7x!tpu.dma_semaphore, #tpu.memory_space<semaphore_mem>> -> memref<1x!tpu.dma_semaphore, #tpu.memory_space<semaphore_mem>>
      %dma_start3A_1239 = tpu.memref_squeeze %dma_start3A_1238 : memref<1x!tpu.dma_semaphore, #tpu.memory_space<semaphore_mem>> -> memref<!tpu.dma_semaphore, #tpu.memory_space<semaphore_mem>>
      tpu.enqueue_indirect_dma source(%dma_start3A_1237 : memref<100000x128xf32, #tpu.memory_space<hbm>>) target(%dma_start3A_1231 : memref<128x128xf32, #tpu.memory_space<vmem>>) offsets(%dma_start3A_1234 : memref<128xi32, #tpu.memory_space<vmem>>) semaphore(%dma_start3A_1239 : memref<!tpu.dma_semaphore, #tpu.memory_space<semaphore_mem>>)
      %mul3A_1240 = arith.constant 7 : i32
      %mul3A_1241 = arith.muli %scan3A_994, %mul3A_1240 : i32
      %add3A_1242 = arith.constant 2 : i32
      %add3A_1243 = arith.addi %add3A_1242, %mul3A_1241 : i32
      %add3A_1244 = arith.constant 3 : i32
      %add3A_1245 = arith.addi %add3A_1243, %add3A_1244 : i32
      %dma_wait3A_1246 = arith.constant 5 : i32
      %dma_wait3A_1247 = arith.constant 0 : i32
      %dma_wait3A_1248 = arith.constant 5 : i32
      %dma_wait3A_1249 = arith.constant 0 : i32
      %dma_wait3A_1250 = arith.constant 0 : i32
      %dma_wait3A_1251 = tpu.memref_slice %arg6[%dma_wait3A_1246, %dma_wait3A_1247, %dma_wait3A_1249, %dma_wait3A_1250] : memref<7x1x128x128xf32, #tpu.memory_space<vmem>> -> memref<1x1x128x128xf32, #tpu.memory_space<vmem>>
      %dma_wait3A_1252 = tpu.memref_squeeze %dma_wait3A_1251 : memref<1x1x128x128xf32, #tpu.memory_space<vmem>> -> memref<128x128xf32, #tpu.memory_space<vmem>>
      %dma_wait3A_1253 = arith.constant 0 : i32
      %dma_wait3A_1254 = tpu.memref_slice %arg5[%add3A_1245, %dma_wait3A_1253] : memref<104x128xi32, #tpu.memory_space<vmem>> -> memref<1x128xi32, #tpu.memory_space<vmem>>
      %dma_wait3A_1255 = tpu.memref_squeeze %dma_wait3A_1254 : memref<1x128xi32, #tpu.memory_space<vmem>> -> memref<128xi32, #tpu.memory_space<vmem>>
      %dma_wait3A_1256 = arith.constant 0 : i32
      %dma_wait3A_1257 = arith.constant 0 : i32
      %dma_wait3A_1258 = tpu.memref_slice %arg3[%dma_wait3A_1256, %dma_wait3A_1257] : memref<100000x128xf32, #tpu.memory_space<hbm>> -> memref<100000x128xf32, #tpu.memory_space<hbm>>
      %dma_wait3A_1259 = tpu.memref_slice %arg7[%dma_wait3A_1248] : memref<7x!tpu.dma_semaphore, #tpu.memory_space<semaphore_mem>> -> memref<1x!tpu.dma_semaphore, #tpu.memory_space<semaphore_mem>>
      %dma_wait3A_1260 = tpu.memref_squeeze %dma_wait3A_1259 : memref<1x!tpu.dma_semaphore, #tpu.memory_space<semaphore_mem>> -> memref<!tpu.dma_semaphore, #tpu.memory_space<semaphore_mem>>
      tpu.wait_indirect_dma semaphore(%dma_wait3A_1260 : memref<!tpu.dma_semaphore, #tpu.memory_space<semaphore_mem>>) src(%dma_wait3A_1258 : memref<100000x128xf32, #tpu.memory_space<hbm>>) dst(%dma_wait3A_1252 : memref<128x128xf32, #tpu.memory_space<vmem>>)
      %add3A_1261 = arith.addi %mul3A_2, %add3A_1245 : i32
      %dma_start3A_1262 = arith.constant 5 : i32
      %dma_start3A_1263 = arith.constant 5 : i32
      %dma_start3A_1264 = arith.constant 0 : i32
      %dma_start3A_1265 = arith.constant 0 : i32
      %dma_start3A_1266 = arith.constant 0 : i32
      %dma_start3A_1267 = tpu.memref_slice %arg6[%dma_start3A_1262, %dma_start3A_1264, %dma_start3A_1265, %dma_start3A_1266] : memref<7x1x128x128xf32, #tpu.memory_space<vmem>> -> memref<1x1x128x128xf32, #tpu.memory_space<vmem>>
      %dma_start3A_1268 = tpu.memref_squeeze %dma_start3A_1267 : memref<1x1x128x128xf32, #tpu.memory_space<vmem>> -> memref<1x128x128xf32, #tpu.memory_space<vmem>>
      %dma_start3A_1269 = arith.constant 0 : i32
      %dma_start3A_1270 = arith.constant 0 : i32
      %dma_start3A_1271 = tpu.memref_slice %arg4[%add3A_1261, %dma_start3A_1269, %dma_start3A_1270] : memref<3328x128x128xf32, #tpu.memory_space<hbm>> -> memref<1x128x128xf32, #tpu.memory_space<hbm>>
      %dma_start3A_1272 = tpu.memref_slice %arg8[%dma_start3A_1263] : memref<7x!tpu.dma_semaphore, #tpu.memory_space<semaphore_mem>> -> memref<1x!tpu.dma_semaphore, #tpu.memory_space<semaphore_mem>>
      %dma_start3A_1273 = tpu.memref_squeeze %dma_start3A_1272 : memref<1x!tpu.dma_semaphore, #tpu.memory_space<semaphore_mem>> -> memref<!tpu.dma_semaphore, #tpu.memory_space<semaphore_mem>>
      %dma_start3A_1274 = arith.constant 0 : i32
      %dma_start3A_1275 = arith.constant 0 : i32
      %dma_start3A_1276 = tpu.memref_slice %arg4[%add3A_1261, %dma_start3A_1274, %dma_start3A_1275] : memref<3328x128x128xf32, #tpu.memory_space<hbm>> -> memref<1x128x128xf32, #tpu.memory_space<hbm>>
      %dma_start3A_1277 = arith.constant 0 : i32
      %dma_start3A_1278 = arith.constant 0 : i32
      %dma_start3A_1279 = arith.constant 0 : i32
      %dma_start3A_1280 = tpu.memref_slice %arg6[%dma_start3A_1262, %dma_start3A_1277, %dma_start3A_1278, %dma_start3A_1279] : memref<7x1x128x128xf32, #tpu.memory_space<vmem>> -> memref<1x1x128x128xf32, #tpu.memory_space<vmem>>
      %dma_start3A_1281 = tpu.memref_squeeze %dma_start3A_1280 : memref<1x1x128x128xf32, #tpu.memory_space<vmem>> -> memref<1x128x128xf32, #tpu.memory_space<vmem>>
      tpu.enqueue_dma source(%dma_start3A_1281 : memref<1x128x128xf32, #tpu.memory_space<vmem>>) target(%dma_start3A_1276 : memref<1x128x128xf32, #tpu.memory_space<hbm>>) target_semaphore(%dma_start3A_1273 : memref<!tpu.dma_semaphore, #tpu.memory_space<semaphore_mem>>)
      %sub3A_1282 = arith.constant 2 : i32
      %sub3A_1283 = arith.subi %add3A_1245, %sub3A_1282 : i32
      %add3A_1284 = arith.addi %mul3A_2, %sub3A_1283 : i32
      %dma_wait3A_1285 = arith.constant 3 : i32
      %dma_wait3A_1286 = arith.constant 3 : i32
      %dma_wait3A_1287 = arith.constant 0 : i32
      %dma_wait3A_1288 = arith.constant 0 : i32
      %dma_wait3A_1289 = arith.constant 0 : i32
      %dma_wait3A_1290 = tpu.memref_slice %arg6[%dma_wait3A_1285, %dma_wait3A_1287, %dma_wait3A_1288, %dma_wait3A_1289] : memref<7x1x128x128xf32, #tpu.memory_space<vmem>> -> memref<1x1x128x128xf32, #tpu.memory_space<vmem>>
      %dma_wait3A_1291 = tpu.memref_squeeze %dma_wait3A_1290 : memref<1x1x128x128xf32, #tpu.memory_space<vmem>> -> memref<1x128x128xf32, #tpu.memory_space<vmem>>
      %dma_wait3A_1292 = arith.constant 0 : i32
      %dma_wait3A_1293 = arith.constant 0 : i32
      %dma_wait3A_1294 = tpu.memref_slice %arg4[%add3A_1284, %dma_wait3A_1292, %dma_wait3A_1293] : memref<3328x128x128xf32, #tpu.memory_space<hbm>> -> memref<1x128x128xf32, #tpu.memory_space<hbm>>
      %dma_wait3A_1295 = tpu.memref_slice %arg8[%dma_wait3A_1286] : memref<7x!tpu.dma_semaphore, #tpu.memory_space<semaphore_mem>> -> memref<1x!tpu.dma_semaphore, #tpu.memory_space<semaphore_mem>>
      %dma_wait3A_1296 = tpu.memref_squeeze %dma_wait3A_1295 : memref<1x!tpu.dma_semaphore, #tpu.memory_space<semaphore_mem>> -> memref<!tpu.dma_semaphore, #tpu.memory_space<semaphore_mem>>
      %dma_wait3A_1297 = arith.constant 0 : i32
      %dma_wait3A_1298 = arith.constant 0 : i32
      %dma_wait3A_1299 = tpu.memref_slice %arg4[%add3A_1284, %dma_wait3A_1297, %dma_wait3A_1298] : memref<3328x128x128xf32, #tpu.memory_space<hbm>> -> memref<1x128x128xf32, #tpu.memory_space<hbm>>
      %dma_wait3A_1300 = arith.constant 0 : i32
      %dma_wait3A_1301 = arith.constant 0 : i32
      %dma_wait3A_1302 = arith.constant 0 : i32
      %dma_wait3A_1303 = tpu.memref_slice %arg6[%dma_wait3A_1285, %dma_wait3A_1300, %dma_wait3A_1301, %dma_wait3A_1302] : memref<7x1x128x128xf32, #tpu.memory_space<vmem>> -> memref<1x1x128x128xf32, #tpu.memory_space<vmem>>
      %dma_wait3A_1304 = tpu.memref_squeeze %dma_wait3A_1303 : memref<1x1x128x128xf32, #tpu.memory_space<vmem>> -> memref<1x128x128xf32, #tpu.memory_space<vmem>>
      tpu.wait_dma2 semaphore(%dma_wait3A_1296 : memref<!tpu.dma_semaphore, #tpu.memory_space<semaphore_mem>>) src(%dma_wait3A_1304 : memref<1x128x128xf32, #tpu.memory_space<vmem>>) dst(%dma_wait3A_1299 : memref<1x128x128xf32, #tpu.memory_space<hbm>>)
      %add3A_1305 = arith.constant 5 : i32
      %add3A_1306 = arith.addi %add3A_1245, %add3A_1305 : i32
      %dma_start3A_1307 = arith.constant 3 : i32
      %dma_start3A_1308 = arith.constant 0 : i32
      %dma_start3A_1309 = arith.constant 3 : i32
      %dma_start3A_1310 = arith.constant 0 : i32
      %dma_start3A_1311 = arith.constant 0 : i32
      %dma_start3A_1312 = tpu.memref_slice %arg6[%dma_start3A_1307, %dma_start3A_1308, %dma_start3A_1310, %dma_start3A_1311] : memref<7x1x128x128xf32, #tpu.memory_space<vmem>> -> memref<1x1x128x128xf32, #tpu.memory_space<vmem>>
      %dma_start3A_1313 = tpu.memref_squeeze %dma_start3A_1312 : memref<1x1x128x128xf32, #tpu.memory_space<vmem>> -> memref<128x128xf32, #tpu.memory_space<vmem>>
      %dma_start3A_1314 = arith.constant 0 : i32
      %dma_start3A_1315 = tpu.memref_slice %arg5[%add3A_1306, %dma_start3A_1314] : memref<104x128xi32, #tpu.memory_space<vmem>> -> memref<1x128xi32, #tpu.memory_space<vmem>>
      %dma_start3A_1316 = tpu.memref_squeeze %dma_start3A_1315 : memref<1x128xi32, #tpu.memory_space<vmem>> -> memref<128xi32, #tpu.memory_space<vmem>>
      %dma_start3A_1317 = arith.constant 0 : i32
      %dma_start3A_1318 = arith.constant 0 : i32
      %dma_start3A_1319 = tpu.memref_slice %arg3[%dma_start3A_1317, %dma_start3A_1318] : memref<100000x128xf32, #tpu.memory_space<hbm>> -> memref<100000x128xf32, #tpu.memory_space<hbm>>
      %dma_start3A_1320 = tpu.memref_slice %arg7[%dma_start3A_1309] : memref<7x!tpu.dma_semaphore, #tpu.memory_space<semaphore_mem>> -> memref<1x!tpu.dma_semaphore, #tpu.memory_space<semaphore_mem>>
      %dma_start3A_1321 = tpu.memref_squeeze %dma_start3A_1320 : memref<1x!tpu.dma_semaphore, #tpu.memory_space<semaphore_mem>> -> memref<!tpu.dma_semaphore, #tpu.memory_space<semaphore_mem>>
      tpu.enqueue_indirect_dma source(%dma_start3A_1319 : memref<100000x128xf32, #tpu.memory_space<hbm>>) target(%dma_start3A_1313 : memref<128x128xf32, #tpu.memory_space<vmem>>) offsets(%dma_start3A_1316 : memref<128xi32, #tpu.memory_space<vmem>>) semaphore(%dma_start3A_1321 : memref<!tpu.dma_semaphore, #tpu.memory_space<semaphore_mem>>)
      %mul3A_1322 = arith.constant 7 : i32
      %mul3A_1323 = arith.muli %scan3A_994, %mul3A_1322 : i32
      %add3A_1324 = arith.constant 2 : i32
      %add3A_1325 = arith.addi %add3A_1324, %mul3A_1323 : i32
      %add3A_1326 = arith.constant 4 : i32
      %add3A_1327 = arith.addi %add3A_1325, %add3A_1326 : i32
      %dma_wait3A_1328 = arith.constant 6 : i32
      %dma_wait3A_1329 = arith.constant 0 : i32
      %dma_wait3A_1330 = arith.constant 6 : i32
      %dma_wait3A_1331 = arith.constant 0 : i32
      %dma_wait3A_1332 = arith.constant 0 : i32
      %dma_wait3A_1333 = tpu.memref_slice %arg6[%dma_wait3A_1328, %dma_wait3A_1329, %dma_wait3A_1331, %dma_wait3A_1332] : memref<7x1x128x128xf32, #tpu.memory_space<vmem>> -> memref<1x1x128x128xf32, #tpu.memory_space<vmem>>
      %dma_wait3A_1334 = tpu.memref_squeeze %dma_wait3A_1333 : memref<1x1x128x128xf32, #tpu.memory_space<vmem>> -> memref<128x128xf32, #tpu.memory_space<vmem>>
      %dma_wait3A_1335 = arith.constant 0 : i32
      %dma_wait3A_1336 = tpu.memref_slice %arg5[%add3A_1327, %dma_wait3A_1335] : memref<104x128xi32, #tpu.memory_space<vmem>> -> memref<1x128xi32, #tpu.memory_space<vmem>>
      %dma_wait3A_1337 = tpu.memref_squeeze %dma_wait3A_1336 : memref<1x128xi32, #tpu.memory_space<vmem>> -> memref<128xi32, #tpu.memory_space<vmem>>
      %dma_wait3A_1338 = arith.constant 0 : i32
      %dma_wait3A_1339 = arith.constant 0 : i32
      %dma_wait3A_1340 = tpu.memref_slice %arg3[%dma_wait3A_1338, %dma_wait3A_1339] : memref<100000x128xf32, #tpu.memory_space<hbm>> -> memref<100000x128xf32, #tpu.memory_space<hbm>>
      %dma_wait3A_1341 = tpu.memref_slice %arg7[%dma_wait3A_1330] : memref<7x!tpu.dma_semaphore, #tpu.memory_space<semaphore_mem>> -> memref<1x!tpu.dma_semaphore, #tpu.memory_space<semaphore_mem>>
      %dma_wait3A_1342 = tpu.memref_squeeze %dma_wait3A_1341 : memref<1x!tpu.dma_semaphore, #tpu.memory_space<semaphore_mem>> -> memref<!tpu.dma_semaphore, #tpu.memory_space<semaphore_mem>>
      tpu.wait_indirect_dma semaphore(%dma_wait3A_1342 : memref<!tpu.dma_semaphore, #tpu.memory_space<semaphore_mem>>) src(%dma_wait3A_1340 : memref<100000x128xf32, #tpu.memory_space<hbm>>) dst(%dma_wait3A_1334 : memref<128x128xf32, #tpu.memory_space<vmem>>)
      %add3A_1343 = arith.addi %mul3A_2, %add3A_1327 : i32
      %dma_start3A_1344 = arith.constant 6 : i32
      %dma_start3A_1345 = arith.constant 6 : i32
      %dma_start3A_1346 = arith.constant 0 : i32
      %dma_start3A_1347 = arith.constant 0 : i32
      %dma_start3A_1348 = arith.constant 0 : i32
      %dma_start3A_1349 = tpu.memref_slice %arg6[%dma_start3A_1344, %dma_start3A_1346, %dma_start3A_1347, %dma_start3A_1348] : memref<7x1x128x128xf32, #tpu.memory_space<vmem>> -> memref<1x1x128x128xf32, #tpu.memory_space<vmem>>
      %dma_start3A_1350 = tpu.memref_squeeze %dma_start3A_1349 : memref<1x1x128x128xf32, #tpu.memory_space<vmem>> -> memref<1x128x128xf32, #tpu.memory_space<vmem>>
      %dma_start3A_1351 = arith.constant 0 : i32
      %dma_start3A_1352 = arith.constant 0 : i32
      %dma_start3A_1353 = tpu.memref_slice %arg4[%add3A_1343, %dma_start3A_1351, %dma_start3A_1352] : memref<3328x128x128xf32, #tpu.memory_space<hbm>> -> memref<1x128x128xf32, #tpu.memory_space<hbm>>
      %dma_start3A_1354 = tpu.memref_slice %arg8[%dma_start3A_1345] : memref<7x!tpu.dma_semaphore, #tpu.memory_space<semaphore_mem>> -> memref<1x!tpu.dma_semaphore, #tpu.memory_space<semaphore_mem>>
      %dma_start3A_1355 = tpu.memref_squeeze %dma_start3A_1354 : memref<1x!tpu.dma_semaphore, #tpu.memory_space<semaphore_mem>> -> memref<!tpu.dma_semaphore, #tpu.memory_space<semaphore_mem>>
      %dma_start3A_1356 = arith.constant 0 : i32
      %dma_start3A_1357 = arith.constant 0 : i32
      %dma_start3A_1358 = tpu.memref_slice %arg4[%add3A_1343, %dma_start3A_1356, %dma_start3A_1357] : memref<3328x128x128xf32, #tpu.memory_space<hbm>> -> memref<1x128x128xf32, #tpu.memory_space<hbm>>
      %dma_start3A_1359 = arith.constant 0 : i32
      %dma_start3A_1360 = arith.constant 0 : i32
      %dma_start3A_1361 = arith.constant 0 : i32
      %dma_start3A_1362 = tpu.memref_slice %arg6[%dma_start3A_1344, %dma_start3A_1359, %dma_start3A_1360, %dma_start3A_1361] : memref<7x1x128x128xf32, #tpu.memory_space<vmem>> -> memref<1x1x128x128xf32, #tpu.memory_space<vmem>>
      %dma_start3A_1363 = tpu.memref_squeeze %dma_start3A_1362 : memref<1x1x128x128xf32, #tpu.memory_space<vmem>> -> memref<1x128x128xf32, #tpu.memory_space<vmem>>
      tpu.enqueue_dma source(%dma_start3A_1363 : memref<1x128x128xf32, #tpu.memory_space<vmem>>) target(%dma_start3A_1358 : memref<1x128x128xf32, #tpu.memory_space<hbm>>) target_semaphore(%dma_start3A_1355 : memref<!tpu.dma_semaphore, #tpu.memory_space<semaphore_mem>>)
      %sub3A_1364 = arith.constant 2 : i32
      %sub3A_1365 = arith.subi %add3A_1327, %sub3A_1364 : i32
      %add3A_1366 = arith.addi %mul3A_2, %sub3A_1365 : i32
      %dma_wait3A_1367 = arith.constant 4 : i32
      %dma_wait3A_1368 = arith.constant 4 : i32
      %dma_wait3A_1369 = arith.constant 0 : i32
      %dma_wait3A_1370 = arith.constant 0 : i32
      %dma_wait3A_1371 = arith.constant 0 : i32
      %dma_wait3A_1372 = tpu.memref_slice %arg6[%dma_wait3A_1367, %dma_wait3A_1369, %dma_wait3A_1370, %dma_wait3A_1371] : memref<7x1x128x128xf32, #tpu.memory_space<vmem>> -> memref<1x1x128x128xf32, #tpu.memory_space<vmem>>
      %dma_wait3A_1373 = tpu.memref_squeeze %dma_wait3A_1372 : memref<1x1x128x128xf32, #tpu.memory_space<vmem>> -> memref<1x128x128xf32, #tpu.memory_space<vmem>>
      %dma_wait3A_1374 = arith.constant 0 : i32
      %dma_wait3A_1375 = arith.constant 0 : i32
      %dma_wait3A_1376 = tpu.memref_slice %arg4[%add3A_1366, %dma_wait3A_1374, %dma_wait3A_1375] : memref<3328x128x128xf32, #tpu.memory_space<hbm>> -> memref<1x128x128xf32, #tpu.memory_space<hbm>>
      %dma_wait3A_1377 = tpu.memref_slice %arg8[%dma_wait3A_1368] : memref<7x!tpu.dma_semaphore, #tpu.memory_space<semaphore_mem>> -> memref<1x!tpu.dma_semaphore, #tpu.memory_space<semaphore_mem>>
      %dma_wait3A_1378 = tpu.memref_squeeze %dma_wait3A_1377 : memref<1x!tpu.dma_semaphore, #tpu.memory_space<semaphore_mem>> -> memref<!tpu.dma_semaphore, #tpu.memory_space<semaphore_mem>>
      %dma_wait3A_1379 = arith.constant 0 : i32
      %dma_wait3A_1380 = arith.constant 0 : i32
      %dma_wait3A_1381 = tpu.memref_slice %arg4[%add3A_1366, %dma_wait3A_1379, %dma_wait3A_1380] : memref<3328x128x128xf32, #tpu.memory_space<hbm>> -> memref<1x128x128xf32, #tpu.memory_space<hbm>>
      %dma_wait3A_1382 = arith.constant 0 : i32
      %dma_wait3A_1383 = arith.constant 0 : i32
      %dma_wait3A_1384 = arith.constant 0 : i32
      %dma_wait3A_1385 = tpu.memref_slice %arg6[%dma_wait3A_1367, %dma_wait3A_1382, %dma_wait3A_1383, %dma_wait3A_1384] : memref<7x1x128x128xf32, #tpu.memory_space<vmem>> -> memref<1x1x128x128xf32, #tpu.memory_space<vmem>>
      %dma_wait3A_1386 = tpu.memref_squeeze %dma_wait3A_1385 : memref<1x1x128x128xf32, #tpu.memory_space<vmem>> -> memref<1x128x128xf32, #tpu.memory_space<vmem>>
      tpu.wait_dma2 semaphore(%dma_wait3A_1378 : memref<!tpu.dma_semaphore, #tpu.memory_space<semaphore_mem>>) src(%dma_wait3A_1386 : memref<1x128x128xf32, #tpu.memory_space<vmem>>) dst(%dma_wait3A_1381 : memref<1x128x128xf32, #tpu.memory_space<hbm>>)
      %add3A_1387 = arith.constant 5 : i32
      %add3A_1388 = arith.addi %add3A_1327, %add3A_1387 : i32
      %dma_start3A_1389 = arith.constant 4 : i32
      %dma_start3A_1390 = arith.constant 0 : i32
      %dma_start3A_1391 = arith.constant 4 : i32
      %dma_start3A_1392 = arith.constant 0 : i32
      %dma_start3A_1393 = arith.constant 0 : i32
      %dma_start3A_1394 = tpu.memref_slice %arg6[%dma_start3A_1389, %dma_start3A_1390, %dma_start3A_1392, %dma_start3A_1393] : memref<7x1x128x128xf32, #tpu.memory_space<vmem>> -> memref<1x1x128x128xf32, #tpu.memory_space<vmem>>
      %dma_start3A_1395 = tpu.memref_squeeze %dma_start3A_1394 : memref<1x1x128x128xf32, #tpu.memory_space<vmem>> -> memref<128x128xf32, #tpu.memory_space<vmem>>
      %dma_start3A_1396 = arith.constant 0 : i32
      %dma_start3A_1397 = tpu.memref_slice %arg5[%add3A_1388, %dma_start3A_1396] : memref<104x128xi32, #tpu.memory_space<vmem>> -> memref<1x128xi32, #tpu.memory_space<vmem>>
      %dma_start3A_1398 = tpu.memref_squeeze %dma_start3A_1397 : memref<1x128xi32, #tpu.memory_space<vmem>> -> memref<128xi32, #tpu.memory_space<vmem>>
      %dma_start3A_1399 = arith.constant 0 : i32
      %dma_start3A_1400 = arith.constant 0 : i32
      %dma_start3A_1401 = tpu.memref_slice %arg3[%dma_start3A_1399, %dma_start3A_1400] : memref<100000x128xf32, #tpu.memory_space<hbm>> -> memref<100000x128xf32, #tpu.memory_space<hbm>>
      %dma_start3A_1402 = tpu.memref_slice %arg7[%dma_start3A_1391] : memref<7x!tpu.dma_semaphore, #tpu.memory_space<semaphore_mem>> -> memref<1x!tpu.dma_semaphore, #tpu.memory_space<semaphore_mem>>
      %dma_start3A_1403 = tpu.memref_squeeze %dma_start3A_1402 : memref<1x!tpu.dma_semaphore, #tpu.memory_space<semaphore_mem>> -> memref<!tpu.dma_semaphore, #tpu.memory_space<semaphore_mem>>
      tpu.enqueue_indirect_dma source(%dma_start3A_1401 : memref<100000x128xf32, #tpu.memory_space<hbm>>) target(%dma_start3A_1395 : memref<128x128xf32, #tpu.memory_space<vmem>>) offsets(%dma_start3A_1398 : memref<128xi32, #tpu.memory_space<vmem>>) semaphore(%dma_start3A_1403 : memref<!tpu.dma_semaphore, #tpu.memory_space<semaphore_mem>>)
      %mul3A_1404 = arith.constant 7 : i32
      %mul3A_1405 = arith.muli %scan3A_994, %mul3A_1404 : i32
      %add3A_1406 = arith.constant 2 : i32
      %add3A_1407 = arith.addi %add3A_1406, %mul3A_1405 : i32
      %add3A_1408 = arith.constant 5 : i32
      %add3A_1409 = arith.addi %add3A_1407, %add3A_1408 : i32
      %dma_wait3A_1410 = arith.constant 0 : i32
      %dma_wait3A_1411 = arith.constant 0 : i32
      %dma_wait3A_1412 = arith.constant 0 : i32
      %dma_wait3A_1413 = arith.constant 0 : i32
      %dma_wait3A_1414 = arith.constant 0 : i32
      %dma_wait3A_1415 = tpu.memref_slice %arg6[%dma_wait3A_1410, %dma_wait3A_1411, %dma_wait3A_1413, %dma_wait3A_1414] : memref<7x1x128x128xf32, #tpu.memory_space<vmem>> -> memref<1x1x128x128xf32, #tpu.memory_space<vmem>>
      %dma_wait3A_1416 = tpu.memref_squeeze %dma_wait3A_1415 : memref<1x1x128x128xf32, #tpu.memory_space<vmem>> -> memref<128x128xf32, #tpu.memory_space<vmem>>
      %dma_wait3A_1417 = arith.constant 0 : i32
      %dma_wait3A_1418 = tpu.memref_slice %arg5[%add3A_1409, %dma_wait3A_1417] : memref<104x128xi32, #tpu.memory_space<vmem>> -> memref<1x128xi32, #tpu.memory_space<vmem>>
      %dma_wait3A_1419 = tpu.memref_squeeze %dma_wait3A_1418 : memref<1x128xi32, #tpu.memory_space<vmem>> -> memref<128xi32, #tpu.memory_space<vmem>>
      %dma_wait3A_1420 = arith.constant 0 : i32
      %dma_wait3A_1421 = arith.constant 0 : i32
      %dma_wait3A_1422 = tpu.memref_slice %arg3[%dma_wait3A_1420, %dma_wait3A_1421] : memref<100000x128xf32, #tpu.memory_space<hbm>> -> memref<100000x128xf32, #tpu.memory_space<hbm>>
      %dma_wait3A_1423 = tpu.memref_slice %arg7[%dma_wait3A_1412] : memref<7x!tpu.dma_semaphore, #tpu.memory_space<semaphore_mem>> -> memref<1x!tpu.dma_semaphore, #tpu.memory_space<semaphore_mem>>
      %dma_wait3A_1424 = tpu.memref_squeeze %dma_wait3A_1423 : memref<1x!tpu.dma_semaphore, #tpu.memory_space<semaphore_mem>> -> memref<!tpu.dma_semaphore, #tpu.memory_space<semaphore_mem>>
      tpu.wait_indirect_dma semaphore(%dma_wait3A_1424 : memref<!tpu.dma_semaphore, #tpu.memory_space<semaphore_mem>>) src(%dma_wait3A_1422 : memref<100000x128xf32, #tpu.memory_space<hbm>>) dst(%dma_wait3A_1416 : memref<128x128xf32, #tpu.memory_space<vmem>>)
      %add3A_1425 = arith.addi %mul3A_2, %add3A_1409 : i32
      %dma_start3A_1426 = arith.constant 0 : i32
      %dma_start3A_1427 = arith.constant 0 : i32
      %dma_start3A_1428 = arith.constant 0 : i32
      %dma_start3A_1429 = arith.constant 0 : i32
      %dma_start3A_1430 = arith.constant 0 : i32
      %dma_start3A_1431 = tpu.memref_slice %arg6[%dma_start3A_1426, %dma_start3A_1428, %dma_start3A_1429, %dma_start3A_1430] : memref<7x1x128x128xf32, #tpu.memory_space<vmem>> -> memref<1x1x128x128xf32, #tpu.memory_space<vmem>>
      %dma_start3A_1432 = tpu.memref_squeeze %dma_start3A_1431 : memref<1x1x128x128xf32, #tpu.memory_space<vmem>> -> memref<1x128x128xf32, #tpu.memory_space<vmem>>
      %dma_start3A_1433 = arith.constant 0 : i32
      %dma_start3A_1434 = arith.constant 0 : i32
      %dma_start3A_1435 = tpu.memref_slice %arg4[%add3A_1425, %dma_start3A_1433, %dma_start3A_1434] : memref<3328x128x128xf32, #tpu.memory_space<hbm>> -> memref<1x128x128xf32, #tpu.memory_space<hbm>>
      %dma_start3A_1436 = tpu.memref_slice %arg8[%dma_start3A_1427] : memref<7x!tpu.dma_semaphore, #tpu.memory_space<semaphore_mem>> -> memref<1x!tpu.dma_semaphore, #tpu.memory_space<semaphore_mem>>
      %dma_start3A_1437 = tpu.memref_squeeze %dma_start3A_1436 : memref<1x!tpu.dma_semaphore, #tpu.memory_space<semaphore_mem>> -> memref<!tpu.dma_semaphore, #tpu.memory_space<semaphore_mem>>
      %dma_start3A_1438 = arith.constant 0 : i32
      %dma_start3A_1439 = arith.constant 0 : i32
      %dma_start3A_1440 = tpu.memref_slice %arg4[%add3A_1425, %dma_start3A_1438, %dma_start3A_1439] : memref<3328x128x128xf32, #tpu.memory_space<hbm>> -> memref<1x128x128xf32, #tpu.memory_space<hbm>>
      %dma_start3A_1441 = arith.constant 0 : i32
      %dma_start3A_1442 = arith.constant 0 : i32
      %dma_start3A_1443 = arith.constant 0 : i32
      %dma_start3A_1444 = tpu.memref_slice %arg6[%dma_start3A_1426, %dma_start3A_1441, %dma_start3A_1442, %dma_start3A_1443] : memref<7x1x128x128xf32, #tpu.memory_space<vmem>> -> memref<1x1x128x128xf32, #tpu.memory_space<vmem>>
      %dma_start3A_1445 = tpu.memref_squeeze %dma_start3A_1444 : memref<1x1x128x128xf32, #tpu.memory_space<vmem>> -> memref<1x128x128xf32, #tpu.memory_space<vmem>>
      tpu.enqueue_dma source(%dma_start3A_1445 : memref<1x128x128xf32, #tpu.memory_space<vmem>>) target(%dma_start3A_1440 : memref<1x128x128xf32, #tpu.memory_space<hbm>>) target_semaphore(%dma_start3A_1437 : memref<!tpu.dma_semaphore, #tpu.memory_space<semaphore_mem>>)
      %sub3A_1446 = arith.constant 2 : i32
      %sub3A_1447 = arith.subi %add3A_1409, %sub3A_1446 : i32
      %add3A_1448 = arith.addi %mul3A_2, %sub3A_1447 : i32
      %dma_wait3A_1449 = arith.constant 5 : i32
      %dma_wait3A_1450 = arith.constant 5 : i32
      %dma_wait3A_1451 = arith.constant 0 : i32
      %dma_wait3A_1452 = arith.constant 0 : i32
      %dma_wait3A_1453 = arith.constant 0 : i32
      %dma_wait3A_1454 = tpu.memref_slice %arg6[%dma_wait3A_1449, %dma_wait3A_1451, %dma_wait3A_1452, %dma_wait3A_1453] : memref<7x1x128x128xf32, #tpu.memory_space<vmem>> -> memref<1x1x128x128xf32, #tpu.memory_space<vmem>>
      %dma_wait3A_1455 = tpu.memref_squeeze %dma_wait3A_1454 : memref<1x1x128x128xf32, #tpu.memory_space<vmem>> -> memref<1x128x128xf32, #tpu.memory_space<vmem>>
      %dma_wait3A_1456 = arith.constant 0 : i32
      %dma_wait3A_1457 = arith.constant 0 : i32
      %dma_wait3A_1458 = tpu.memref_slice %arg4[%add3A_1448, %dma_wait3A_1456, %dma_wait3A_1457] : memref<3328x128x128xf32, #tpu.memory_space<hbm>> -> memref<1x128x128xf32, #tpu.memory_space<hbm>>
      %dma_wait3A_1459 = tpu.memref_slice %arg8[%dma_wait3A_1450] : memref<7x!tpu.dma_semaphore, #tpu.memory_space<semaphore_mem>> -> memref<1x!tpu.dma_semaphore, #tpu.memory_space<semaphore_mem>>
      %dma_wait3A_1460 = tpu.memref_squeeze %dma_wait3A_1459 : memref<1x!tpu.dma_semaphore, #tpu.memory_space<semaphore_mem>> -> memref<!tpu.dma_semaphore, #tpu.memory_space<semaphore_mem>>
      %dma_wait3A_1461 = arith.constant 0 : i32
      %dma_wait3A_1462 = arith.constant 0 : i32
      %dma_wait3A_1463 = tpu.memref_slice %arg4[%add3A_1448, %dma_wait3A_1461, %dma_wait3A_1462] : memref<3328x128x128xf32, #tpu.memory_space<hbm>> -> memref<1x128x128xf32, #tpu.memory_space<hbm>>
      %dma_wait3A_1464 = arith.constant 0 : i32
      %dma_wait3A_1465 = arith.constant 0 : i32
      %dma_wait3A_1466 = arith.constant 0 : i32
      %dma_wait3A_1467 = tpu.memref_slice %arg6[%dma_wait3A_1449, %dma_wait3A_1464, %dma_wait3A_1465, %dma_wait3A_1466] : memref<7x1x128x128xf32, #tpu.memory_space<vmem>> -> memref<1x1x128x128xf32, #tpu.memory_space<vmem>>
      %dma_wait3A_1468 = tpu.memref_squeeze %dma_wait3A_1467 : memref<1x1x128x128xf32, #tpu.memory_space<vmem>> -> memref<1x128x128xf32, #tpu.memory_space<vmem>>
      tpu.wait_dma2 semaphore(%dma_wait3A_1460 : memref<!tpu.dma_semaphore, #tpu.memory_space<semaphore_mem>>) src(%dma_wait3A_1468 : memref<1x128x128xf32, #tpu.memory_space<vmem>>) dst(%dma_wait3A_1463 : memref<1x128x128xf32, #tpu.memory_space<hbm>>)
      %add3A_1469 = arith.constant 5 : i32
      %add3A_1470 = arith.addi %add3A_1409, %add3A_1469 : i32
      %dma_start3A_1471 = arith.constant 5 : i32
      %dma_start3A_1472 = arith.constant 0 : i32
      %dma_start3A_1473 = arith.constant 5 : i32
      %dma_start3A_1474 = arith.constant 0 : i32
      %dma_start3A_1475 = arith.constant 0 : i32
      %dma_start3A_1476 = tpu.memref_slice %arg6[%dma_start3A_1471, %dma_start3A_1472, %dma_start3A_1474, %dma_start3A_1475] : memref<7x1x128x128xf32, #tpu.memory_space<vmem>> -> memref<1x1x128x128xf32, #tpu.memory_space<vmem>>
      %dma_start3A_1477 = tpu.memref_squeeze %dma_start3A_1476 : memref<1x1x128x128xf32, #tpu.memory_space<vmem>> -> memref<128x128xf32, #tpu.memory_space<vmem>>
      %dma_start3A_1478 = arith.constant 0 : i32
      %dma_start3A_1479 = tpu.memref_slice %arg5[%add3A_1470, %dma_start3A_1478] : memref<104x128xi32, #tpu.memory_space<vmem>> -> memref<1x128xi32, #tpu.memory_space<vmem>>
      %dma_start3A_1480 = tpu.memref_squeeze %dma_start3A_1479 : memref<1x128xi32, #tpu.memory_space<vmem>> -> memref<128xi32, #tpu.memory_space<vmem>>
      %dma_start3A_1481 = arith.constant 0 : i32
      %dma_start3A_1482 = arith.constant 0 : i32
      %dma_start3A_1483 = tpu.memref_slice %arg3[%dma_start3A_1481, %dma_start3A_1482] : memref<100000x128xf32, #tpu.memory_space<hbm>> -> memref<100000x128xf32, #tpu.memory_space<hbm>>
      %dma_start3A_1484 = tpu.memref_slice %arg7[%dma_start3A_1473] : memref<7x!tpu.dma_semaphore, #tpu.memory_space<semaphore_mem>> -> memref<1x!tpu.dma_semaphore, #tpu.memory_space<semaphore_mem>>
      %dma_start3A_1485 = tpu.memref_squeeze %dma_start3A_1484 : memref<1x!tpu.dma_semaphore, #tpu.memory_space<semaphore_mem>> -> memref<!tpu.dma_semaphore, #tpu.memory_space<semaphore_mem>>
      tpu.enqueue_indirect_dma source(%dma_start3A_1483 : memref<100000x128xf32, #tpu.memory_space<hbm>>) target(%dma_start3A_1477 : memref<128x128xf32, #tpu.memory_space<vmem>>) offsets(%dma_start3A_1480 : memref<128xi32, #tpu.memory_space<vmem>>) semaphore(%dma_start3A_1485 : memref<!tpu.dma_semaphore, #tpu.memory_space<semaphore_mem>>)
      %mul3A_1486 = arith.constant 7 : i32
      %mul3A_1487 = arith.muli %scan3A_994, %mul3A_1486 : i32
      %add3A_1488 = arith.constant 2 : i32
      %add3A_1489 = arith.addi %add3A_1488, %mul3A_1487 : i32
      %add3A_1490 = arith.constant 6 : i32
      %add3A_1491 = arith.addi %add3A_1489, %add3A_1490 : i32
      %dma_wait3A_1492 = arith.constant 1 : i32
      %dma_wait3A_1493 = arith.constant 0 : i32
      %dma_wait3A_1494 = arith.constant 1 : i32
      %dma_wait3A_1495 = arith.constant 0 : i32
      %dma_wait3A_1496 = arith.constant 0 : i32
      %dma_wait3A_1497 = tpu.memref_slice %arg6[%dma_wait3A_1492, %dma_wait3A_1493, %dma_wait3A_1495, %dma_wait3A_1496] : memref<7x1x128x128xf32, #tpu.memory_space<vmem>> -> memref<1x1x128x128xf32, #tpu.memory_space<vmem>>
      %dma_wait3A_1498 = tpu.memref_squeeze %dma_wait3A_1497 : memref<1x1x128x128xf32, #tpu.memory_space<vmem>> -> memref<128x128xf32, #tpu.memory_space<vmem>>
      %dma_wait3A_1499 = arith.constant 0 : i32
      %dma_wait3A_1500 = tpu.memref_slice %arg5[%add3A_1491, %dma_wait3A_1499] : memref<104x128xi32, #tpu.memory_space<vmem>> -> memref<1x128xi32, #tpu.memory_space<vmem>>
      %dma_wait3A_1501 = tpu.memref_squeeze %dma_wait3A_1500 : memref<1x128xi32, #tpu.memory_space<vmem>> -> memref<128xi32, #tpu.memory_space<vmem>>
      %dma_wait3A_1502 = arith.constant 0 : i32
      %dma_wait3A_1503 = arith.constant 0 : i32
      %dma_wait3A_1504 = tpu.memref_slice %arg3[%dma_wait3A_1502, %dma_wait3A_1503] : memref<100000x128xf32, #tpu.memory_space<hbm>> -> memref<100000x128xf32, #tpu.memory_space<hbm>>
      %dma_wait3A_1505 = tpu.memref_slice %arg7[%dma_wait3A_1494] : memref<7x!tpu.dma_semaphore, #tpu.memory_space<semaphore_mem>> -> memref<1x!tpu.dma_semaphore, #tpu.memory_space<semaphore_mem>>
      %dma_wait3A_1506 = tpu.memref_squeeze %dma_wait3A_1505 : memref<1x!tpu.dma_semaphore, #tpu.memory_space<semaphore_mem>> -> memref<!tpu.dma_semaphore, #tpu.memory_space<semaphore_mem>>
      tpu.wait_indirect_dma semaphore(%dma_wait3A_1506 : memref<!tpu.dma_semaphore, #tpu.memory_space<semaphore_mem>>) src(%dma_wait3A_1504 : memref<100000x128xf32, #tpu.memory_space<hbm>>) dst(%dma_wait3A_1498 : memref<128x128xf32, #tpu.memory_space<vmem>>)
      %add3A_1507 = arith.addi %mul3A_2, %add3A_1491 : i32
      %dma_start3A_1508 = arith.constant 1 : i32
      %dma_start3A_1509 = arith.constant 1 : i32
      %dma_start3A_1510 = arith.constant 0 : i32
      %dma_start3A_1511 = arith.constant 0 : i32
      %dma_start3A_1512 = arith.constant 0 : i32
      %dma_start3A_1513 = tpu.memref_slice %arg6[%dma_start3A_1508, %dma_start3A_1510, %dma_start3A_1511, %dma_start3A_1512] : memref<7x1x128x128xf32, #tpu.memory_space<vmem>> -> memref<1x1x128x128xf32, #tpu.memory_space<vmem>>
      %dma_start3A_1514 = tpu.memref_squeeze %dma_start3A_1513 : memref<1x1x128x128xf32, #tpu.memory_space<vmem>> -> memref<1x128x128xf32, #tpu.memory_space<vmem>>
      %dma_start3A_1515 = arith.constant 0 : i32
      %dma_start3A_1516 = arith.constant 0 : i32
      %dma_start3A_1517 = tpu.memref_slice %arg4[%add3A_1507, %dma_start3A_1515, %dma_start3A_1516] : memref<3328x128x128xf32, #tpu.memory_space<hbm>> -> memref<1x128x128xf32, #tpu.memory_space<hbm>>
      %dma_start3A_1518 = tpu.memref_slice %arg8[%dma_start3A_1509] : memref<7x!tpu.dma_semaphore, #tpu.memory_space<semaphore_mem>> -> memref<1x!tpu.dma_semaphore, #tpu.memory_space<semaphore_mem>>
      %dma_start3A_1519 = tpu.memref_squeeze %dma_start3A_1518 : memref<1x!tpu.dma_semaphore, #tpu.memory_space<semaphore_mem>> -> memref<!tpu.dma_semaphore, #tpu.memory_space<semaphore_mem>>
      %dma_start3A_1520 = arith.constant 0 : i32
      %dma_start3A_1521 = arith.constant 0 : i32
      %dma_start3A_1522 = tpu.memref_slice %arg4[%add3A_1507, %dma_start3A_1520, %dma_start3A_1521] : memref<3328x128x128xf32, #tpu.memory_space<hbm>> -> memref<1x128x128xf32, #tpu.memory_space<hbm>>
      %dma_start3A_1523 = arith.constant 0 : i32
      %dma_start3A_1524 = arith.constant 0 : i32
      %dma_start3A_1525 = arith.constant 0 : i32
      %dma_start3A_1526 = tpu.memref_slice %arg6[%dma_start3A_1508, %dma_start3A_1523, %dma_start3A_1524, %dma_start3A_1525] : memref<7x1x128x128xf32, #tpu.memory_space<vmem>> -> memref<1x1x128x128xf32, #tpu.memory_space<vmem>>
      %dma_start3A_1527 = tpu.memref_squeeze %dma_start3A_1526 : memref<1x1x128x128xf32, #tpu.memory_space<vmem>> -> memref<1x128x128xf32, #tpu.memory_space<vmem>>
      tpu.enqueue_dma source(%dma_start3A_1527 : memref<1x128x128xf32, #tpu.memory_space<vmem>>) target(%dma_start3A_1522 : memref<1x128x128xf32, #tpu.memory_space<hbm>>) target_semaphore(%dma_start3A_1519 : memref<!tpu.dma_semaphore, #tpu.memory_space<semaphore_mem>>)
      %sub3A_1528 = arith.constant 2 : i32
      %sub3A_1529 = arith.subi %add3A_1491, %sub3A_1528 : i32
      %add3A_1530 = arith.addi %mul3A_2, %sub3A_1529 : i32
      %dma_wait3A_1531 = arith.constant 6 : i32
      %dma_wait3A_1532 = arith.constant 6 : i32
      %dma_wait3A_1533 = arith.constant 0 : i32
      %dma_wait3A_1534 = arith.constant 0 : i32
      %dma_wait3A_1535 = arith.constant 0 : i32
      %dma_wait3A_1536 = tpu.memref_slice %arg6[%dma_wait3A_1531, %dma_wait3A_1533, %dma_wait3A_1534, %dma_wait3A_1535] : memref<7x1x128x128xf32, #tpu.memory_space<vmem>> -> memref<1x1x128x128xf32, #tpu.memory_space<vmem>>
      %dma_wait3A_1537 = tpu.memref_squeeze %dma_wait3A_1536 : memref<1x1x128x128xf32, #tpu.memory_space<vmem>> -> memref<1x128x128xf32, #tpu.memory_space<vmem>>
      %dma_wait3A_1538 = arith.constant 0 : i32
      %dma_wait3A_1539 = arith.constant 0 : i32
      %dma_wait3A_1540 = tpu.memref_slice %arg4[%add3A_1530, %dma_wait3A_1538, %dma_wait3A_1539] : memref<3328x128x128xf32, #tpu.memory_space<hbm>> -> memref<1x128x128xf32, #tpu.memory_space<hbm>>
      %dma_wait3A_1541 = tpu.memref_slice %arg8[%dma_wait3A_1532] : memref<7x!tpu.dma_semaphore, #tpu.memory_space<semaphore_mem>> -> memref<1x!tpu.dma_semaphore, #tpu.memory_space<semaphore_mem>>
      %dma_wait3A_1542 = tpu.memref_squeeze %dma_wait3A_1541 : memref<1x!tpu.dma_semaphore, #tpu.memory_space<semaphore_mem>> -> memref<!tpu.dma_semaphore, #tpu.memory_space<semaphore_mem>>
      %dma_wait3A_1543 = arith.constant 0 : i32
      %dma_wait3A_1544 = arith.constant 0 : i32
      %dma_wait3A_1545 = tpu.memref_slice %arg4[%add3A_1530, %dma_wait3A_1543, %dma_wait3A_1544] : memref<3328x128x128xf32, #tpu.memory_space<hbm>> -> memref<1x128x128xf32, #tpu.memory_space<hbm>>
      %dma_wait3A_1546 = arith.constant 0 : i32
      %dma_wait3A_1547 = arith.constant 0 : i32
      %dma_wait3A_1548 = arith.constant 0 : i32
      %dma_wait3A_1549 = tpu.memref_slice %arg6[%dma_wait3A_1531, %dma_wait3A_1546, %dma_wait3A_1547, %dma_wait3A_1548] : memref<7x1x128x128xf32, #tpu.memory_space<vmem>> -> memref<1x1x128x128xf32, #tpu.memory_space<vmem>>
      %dma_wait3A_1550 = tpu.memref_squeeze %dma_wait3A_1549 : memref<1x1x128x128xf32, #tpu.memory_space<vmem>> -> memref<1x128x128xf32, #tpu.memory_space<vmem>>
      tpu.wait_dma2 semaphore(%dma_wait3A_1542 : memref<!tpu.dma_semaphore, #tpu.memory_space<semaphore_mem>>) src(%dma_wait3A_1550 : memref<1x128x128xf32, #tpu.memory_space<vmem>>) dst(%dma_wait3A_1545 : memref<1x128x128xf32, #tpu.memory_space<hbm>>)
      %add3A_1551 = arith.constant 5 : i32
      %add3A_1552 = arith.addi %add3A_1491, %add3A_1551 : i32
      %dma_start3A_1553 = arith.constant 6 : i32
      %dma_start3A_1554 = arith.constant 0 : i32
      %dma_start3A_1555 = arith.constant 6 : i32
      %dma_start3A_1556 = arith.constant 0 : i32
      %dma_start3A_1557 = arith.constant 0 : i32
      %dma_start3A_1558 = tpu.memref_slice %arg6[%dma_start3A_1553, %dma_start3A_1554, %dma_start3A_1556, %dma_start3A_1557] : memref<7x1x128x128xf32, #tpu.memory_space<vmem>> -> memref<1x1x128x128xf32, #tpu.memory_space<vmem>>
      %dma_start3A_1559 = tpu.memref_squeeze %dma_start3A_1558 : memref<1x1x128x128xf32, #tpu.memory_space<vmem>> -> memref<128x128xf32, #tpu.memory_space<vmem>>
      %dma_start3A_1560 = arith.constant 0 : i32
      %dma_start3A_1561 = tpu.memref_slice %arg5[%add3A_1552, %dma_start3A_1560] : memref<104x128xi32, #tpu.memory_space<vmem>> -> memref<1x128xi32, #tpu.memory_space<vmem>>
      %dma_start3A_1562 = tpu.memref_squeeze %dma_start3A_1561 : memref<1x128xi32, #tpu.memory_space<vmem>> -> memref<128xi32, #tpu.memory_space<vmem>>
      %dma_start3A_1563 = arith.constant 0 : i32
      %dma_start3A_1564 = arith.constant 0 : i32
      %dma_start3A_1565 = tpu.memref_slice %arg3[%dma_start3A_1563, %dma_start3A_1564] : memref<100000x128xf32, #tpu.memory_space<hbm>> -> memref<100000x128xf32, #tpu.memory_space<hbm>>
      %dma_start3A_1566 = tpu.memref_slice %arg7[%dma_start3A_1555] : memref<7x!tpu.dma_semaphore, #tpu.memory_space<semaphore_mem>> -> memref<1x!tpu.dma_semaphore, #tpu.memory_space<semaphore_mem>>
      %dma_start3A_1567 = tpu.memref_squeeze %dma_start3A_1566 : memref<1x!tpu.dma_semaphore, #tpu.memory_space<semaphore_mem>> -> memref<!tpu.dma_semaphore, #tpu.memory_space<semaphore_mem>>
      tpu.enqueue_indirect_dma source(%dma_start3A_1565 : memref<100000x128xf32, #tpu.memory_space<hbm>>) target(%dma_start3A_1559 : memref<128x128xf32, #tpu.memory_space<vmem>>) offsets(%dma_start3A_1562 : memref<128xi32, #tpu.memory_space<vmem>>) semaphore(%dma_start3A_1567 : memref<!tpu.dma_semaphore, #tpu.memory_space<semaphore_mem>>)
    }
    %scan3A_193 = arith.constant 13 : i32
    %dma_wait3A_194 = arith.constant 93 : i32
    %dma_wait3A_195 = arith.constant 2 : i32
    %dma_wait3A_196 = arith.constant 0 : i32
    %dma_wait3A_197 = arith.constant 2 : i32
    %dma_wait3A_198 = arith.constant 0 : i32
    %dma_wait3A_199 = arith.constant 0 : i32
    %dma_wait3A_200 = tpu.memref_slice %arg6[%dma_wait3A_195, %dma_wait3A_196, %dma_wait3A_198, %dma_wait3A_199] : memref<7x1x128x128xf32, #tpu.memory_space<vmem>> -> memref<1x1x128x128xf32, #tpu.memory_space<vmem>>
    %dma_wait3A_201 = tpu.memref_squeeze %dma_wait3A_200 : memref<1x1x128x128xf32, #tpu.memory_space<vmem>> -> memref<128x128xf32, #tpu.memory_space<vmem>>
    %dma_wait3A_202 = arith.constant 0 : i32
    %dma_wait3A_203 = tpu.memref_slice %arg5[%dma_wait3A_194, %dma_wait3A_202] : memref<104x128xi32, #tpu.memory_space<vmem>> -> memref<1x128xi32, #tpu.memory_space<vmem>>
    %dma_wait3A_204 = tpu.memref_squeeze %dma_wait3A_203 : memref<1x128xi32, #tpu.memory_space<vmem>> -> memref<128xi32, #tpu.memory_space<vmem>>
    %dma_wait3A_205 = arith.constant 0 : i32
    %dma_wait3A_206 = arith.constant 0 : i32
    %dma_wait3A_207 = tpu.memref_slice %arg3[%dma_wait3A_205, %dma_wait3A_206] : memref<100000x128xf32, #tpu.memory_space<hbm>> -> memref<100000x128xf32, #tpu.memory_space<hbm>>
    %dma_wait3A_208 = tpu.memref_slice %arg7[%dma_wait3A_197] : memref<7x!tpu.dma_semaphore, #tpu.memory_space<semaphore_mem>> -> memref<1x!tpu.dma_semaphore, #tpu.memory_space<semaphore_mem>>
    %dma_wait3A_209 = tpu.memref_squeeze %dma_wait3A_208 : memref<1x!tpu.dma_semaphore, #tpu.memory_space<semaphore_mem>> -> memref<!tpu.dma_semaphore, #tpu.memory_space<semaphore_mem>>
    tpu.wait_indirect_dma semaphore(%dma_wait3A_209 : memref<!tpu.dma_semaphore, #tpu.memory_space<semaphore_mem>>) src(%dma_wait3A_207 : memref<100000x128xf32, #tpu.memory_space<hbm>>) dst(%dma_wait3A_201 : memref<128x128xf32, #tpu.memory_space<vmem>>)
    %add3A_210 = arith.constant 93 : i32
    %add3A_211 = arith.addi %mul3A_2, %add3A_210 : i32
    %dma_start3A_212 = arith.constant 2 : i32
    %dma_start3A_213 = arith.constant 2 : i32
    %dma_start3A_214 = arith.constant 0 : i32
    %dma_start3A_215 = arith.constant 0 : i32
    %dma_start3A_216 = arith.constant 0 : i32
    %dma_start3A_217 = tpu.memref_slice %arg6[%dma_start3A_212, %dma_start3A_214, %dma_start3A_215, %dma_start3A_216] : memref<7x1x128x128xf32, #tpu.memory_space<vmem>> -> memref<1x1x128x128xf32, #tpu.memory_space<vmem>>
    %dma_start3A_218 = tpu.memref_squeeze %dma_start3A_217 : memref<1x1x128x128xf32, #tpu.memory_space<vmem>> -> memref<1x128x128xf32, #tpu.memory_space<vmem>>
    %dma_start3A_219 = arith.constant 0 : i32
    %dma_start3A_220 = arith.constant 0 : i32
    %dma_start3A_221 = tpu.memref_slice %arg4[%add3A_211, %dma_start3A_219, %dma_start3A_220] : memref<3328x128x128xf32, #tpu.memory_space<hbm>> -> memref<1x128x128xf32, #tpu.memory_space<hbm>>
    %dma_start3A_222 = tpu.memref_slice %arg8[%dma_start3A_213] : memref<7x!tpu.dma_semaphore, #tpu.memory_space<semaphore_mem>> -> memref<1x!tpu.dma_semaphore, #tpu.memory_space<semaphore_mem>>
    %dma_start3A_223 = tpu.memref_squeeze %dma_start3A_222 : memref<1x!tpu.dma_semaphore, #tpu.memory_space<semaphore_mem>> -> memref<!tpu.dma_semaphore, #tpu.memory_space<semaphore_mem>>
    %dma_start3A_224 = arith.constant 0 : i32
    %dma_start3A_225 = arith.constant 0 : i32
    %dma_start3A_226 = tpu.memref_slice %arg4[%add3A_211, %dma_start3A_224, %dma_start3A_225] : memref<3328x128x128xf32, #tpu.memory_space<hbm>> -> memref<1x128x128xf32, #tpu.memory_space<hbm>>
    %dma_start3A_227 = arith.constant 0 : i32
    %dma_start3A_228 = arith.constant 0 : i32
    %dma_start3A_229 = arith.constant 0 : i32
    %dma_start3A_230 = tpu.memref_slice %arg6[%dma_start3A_212, %dma_start3A_227, %dma_start3A_228, %dma_start3A_229] : memref<7x1x128x128xf32, #tpu.memory_space<vmem>> -> memref<1x1x128x128xf32, #tpu.memory_space<vmem>>
    %dma_start3A_231 = tpu.memref_squeeze %dma_start3A_230 : memref<1x1x128x128xf32, #tpu.memory_space<vmem>> -> memref<1x128x128xf32, #tpu.memory_space<vmem>>
    tpu.enqueue_dma source(%dma_start3A_231 : memref<1x128x128xf32, #tpu.memory_space<vmem>>) target(%dma_start3A_226 : memref<1x128x128xf32, #tpu.memory_space<hbm>>) target_semaphore(%dma_start3A_223 : memref<!tpu.dma_semaphore, #tpu.memory_space<semaphore_mem>>)
    %add3A_232 = arith.constant 91 : i32
    %add3A_233 = arith.addi %mul3A_2, %add3A_232 : i32
    %dma_wait3A_234 = arith.constant 0 : i32
    %dma_wait3A_235 = arith.constant 0 : i32
    %dma_wait3A_236 = arith.constant 0 : i32
    %dma_wait3A_237 = arith.constant 0 : i32
    %dma_wait3A_238 = arith.constant 0 : i32
    %dma_wait3A_239 = tpu.memref_slice %arg6[%dma_wait3A_234, %dma_wait3A_236, %dma_wait3A_237, %dma_wait3A_238] : memref<7x1x128x128xf32, #tpu.memory_space<vmem>> -> memref<1x1x128x128xf32, #tpu.memory_space<vmem>>
    %dma_wait3A_240 = tpu.memref_squeeze %dma_wait3A_239 : memref<1x1x128x128xf32, #tpu.memory_space<vmem>> -> memref<1x128x128xf32, #tpu.memory_space<vmem>>
    %dma_wait3A_241 = arith.constant 0 : i32
    %dma_wait3A_242 = arith.constant 0 : i32
    %dma_wait3A_243 = tpu.memref_slice %arg4[%add3A_233, %dma_wait3A_241, %dma_wait3A_242] : memref<3328x128x128xf32, #tpu.memory_space<hbm>> -> memref<1x128x128xf32, #tpu.memory_space<hbm>>
    %dma_wait3A_244 = tpu.memref_slice %arg8[%dma_wait3A_235] : memref<7x!tpu.dma_semaphore, #tpu.memory_space<semaphore_mem>> -> memref<1x!tpu.dma_semaphore, #tpu.memory_space<semaphore_mem>>
    %dma_wait3A_245 = tpu.memref_squeeze %dma_wait3A_244 : memref<1x!tpu.dma_semaphore, #tpu.memory_space<semaphore_mem>> -> memref<!tpu.dma_semaphore, #tpu.memory_space<semaphore_mem>>
    %dma_wait3A_246 = arith.constant 0 : i32
    %dma_wait3A_247 = arith.constant 0 : i32
    %dma_wait3A_248 = tpu.memref_slice %arg4[%add3A_233, %dma_wait3A_246, %dma_wait3A_247] : memref<3328x128x128xf32, #tpu.memory_space<hbm>> -> memref<1x128x128xf32, #tpu.memory_space<hbm>>
    %dma_wait3A_249 = arith.constant 0 : i32
    %dma_wait3A_250 = arith.constant 0 : i32
    %dma_wait3A_251 = arith.constant 0 : i32
    %dma_wait3A_252 = tpu.memref_slice %arg6[%dma_wait3A_234, %dma_wait3A_249, %dma_wait3A_250, %dma_wait3A_251] : memref<7x1x128x128xf32, #tpu.memory_space<vmem>> -> memref<1x1x128x128xf32, #tpu.memory_space<vmem>>
    %dma_wait3A_253 = tpu.memref_squeeze %dma_wait3A_252 : memref<1x1x128x128xf32, #tpu.memory_space<vmem>> -> memref<1x128x128xf32, #tpu.memory_space<vmem>>
    tpu.wait_dma2 semaphore(%dma_wait3A_245 : memref<!tpu.dma_semaphore, #tpu.memory_space<semaphore_mem>>) src(%dma_wait3A_253 : memref<1x128x128xf32, #tpu.memory_space<vmem>>) dst(%dma_wait3A_248 : memref<1x128x128xf32, #tpu.memory_space<hbm>>)
    %dma_start3A_254 = arith.constant 98 : i32
    %dma_start3A_255 = arith.constant 0 : i32
    %dma_start3A_256 = arith.constant 0 : i32
    %dma_start3A_257 = arith.constant 0 : i32
    %dma_start3A_258 = arith.constant 0 : i32
    %dma_start3A_259 = arith.constant 0 : i32
    %dma_start3A_260 = tpu.memref_slice %arg6[%dma_start3A_255, %dma_start3A_256, %dma_start3A_258, %dma_start3A_259] : memref<7x1x128x128xf32, #tpu.memory_space<vmem>> -> memref<1x1x128x128xf32, #tpu.memory_space<vmem>>
    %dma_start3A_261 = tpu.memref_squeeze %dma_start3A_260 : memref<1x1x128x128xf32, #tpu.memory_space<vmem>> -> memref<128x128xf32, #tpu.memory_space<vmem>>
    %dma_start3A_262 = arith.constant 0 : i32
    %dma_start3A_263 = tpu.memref_slice %arg5[%dma_start3A_254, %dma_start3A_262] : memref<104x128xi32, #tpu.memory_space<vmem>> -> memref<1x128xi32, #tpu.memory_space<vmem>>
    %dma_start3A_264 = tpu.memref_squeeze %dma_start3A_263 : memref<1x128xi32, #tpu.memory_space<vmem>> -> memref<128xi32, #tpu.memory_space<vmem>>
    %dma_start3A_265 = arith.constant 0 : i32
    %dma_start3A_266 = arith.constant 0 : i32
    %dma_start3A_267 = tpu.memref_slice %arg3[%dma_start3A_265, %dma_start3A_266] : memref<100000x128xf32, #tpu.memory_space<hbm>> -> memref<100000x128xf32, #tpu.memory_space<hbm>>
    %dma_start3A_268 = tpu.memref_slice %arg7[%dma_start3A_257] : memref<7x!tpu.dma_semaphore, #tpu.memory_space<semaphore_mem>> -> memref<1x!tpu.dma_semaphore, #tpu.memory_space<semaphore_mem>>
    %dma_start3A_269 = tpu.memref_squeeze %dma_start3A_268 : memref<1x!tpu.dma_semaphore, #tpu.memory_space<semaphore_mem>> -> memref<!tpu.dma_semaphore, #tpu.memory_space<semaphore_mem>>
    tpu.enqueue_indirect_dma source(%dma_start3A_267 : memref<100000x128xf32, #tpu.memory_space<hbm>>) target(%dma_start3A_261 : memref<128x128xf32, #tpu.memory_space<vmem>>) offsets(%dma_start3A_264 : memref<128xi32, #tpu.memory_space<vmem>>) semaphore(%dma_start3A_269 : memref<!tpu.dma_semaphore, #tpu.memory_space<semaphore_mem>>)
    %dma_wait3A_270 = arith.constant 94 : i32
    %dma_wait3A_271 = arith.constant 3 : i32
    %dma_wait3A_272 = arith.constant 0 : i32
    %dma_wait3A_273 = arith.constant 3 : i32
    %dma_wait3A_274 = arith.constant 0 : i32
    %dma_wait3A_275 = arith.constant 0 : i32
    %dma_wait3A_276 = tpu.memref_slice %arg6[%dma_wait3A_271, %dma_wait3A_272, %dma_wait3A_274, %dma_wait3A_275] : memref<7x1x128x128xf32, #tpu.memory_space<vmem>> -> memref<1x1x128x128xf32, #tpu.memory_space<vmem>>
    %dma_wait3A_277 = tpu.memref_squeeze %dma_wait3A_276 : memref<1x1x128x128xf32, #tpu.memory_space<vmem>> -> memref<128x128xf32, #tpu.memory_space<vmem>>
    %dma_wait3A_278 = arith.constant 0 : i32
    %dma_wait3A_279 = tpu.memref_slice %arg5[%dma_wait3A_270, %dma_wait3A_278] : memref<104x128xi32, #tpu.memory_space<vmem>> -> memref<1x128xi32, #tpu.memory_space<vmem>>
    %dma_wait3A_280 = tpu.memref_squeeze %dma_wait3A_279 : memref<1x128xi32, #tpu.memory_space<vmem>> -> memref<128xi32, #tpu.memory_space<vmem>>
    %dma_wait3A_281 = arith.constant 0 : i32
    %dma_wait3A_282 = arith.constant 0 : i32
    %dma_wait3A_283 = tpu.memref_slice %arg3[%dma_wait3A_281, %dma_wait3A_282] : memref<100000x128xf32, #tpu.memory_space<hbm>> -> memref<100000x128xf32, #tpu.memory_space<hbm>>
    %dma_wait3A_284 = tpu.memref_slice %arg7[%dma_wait3A_273] : memref<7x!tpu.dma_semaphore, #tpu.memory_space<semaphore_mem>> -> memref<1x!tpu.dma_semaphore, #tpu.memory_space<semaphore_mem>>
    %dma_wait3A_285 = tpu.memref_squeeze %dma_wait3A_284 : memref<1x!tpu.dma_semaphore, #tpu.memory_space<semaphore_mem>> -> memref<!tpu.dma_semaphore, #tpu.memory_space<semaphore_mem>>
    tpu.wait_indirect_dma semaphore(%dma_wait3A_285 : memref<!tpu.dma_semaphore, #tpu.memory_space<semaphore_mem>>) src(%dma_wait3A_283 : memref<100000x128xf32, #tpu.memory_space<hbm>>) dst(%dma_wait3A_277 : memref<128x128xf32, #tpu.memory_space<vmem>>)
    %add3A_286 = arith.constant 94 : i32
    %add3A_287 = arith.addi %mul3A_2, %add3A_286 : i32
    %dma_start3A_288 = arith.constant 3 : i32
    %dma_start3A_289 = arith.constant 3 : i32
    %dma_start3A_290 = arith.constant 0 : i32
    %dma_start3A_291 = arith.constant 0 : i32
    %dma_start3A_292 = arith.constant 0 : i32
    %dma_start3A_293 = tpu.memref_slice %arg6[%dma_start3A_288, %dma_start3A_290, %dma_start3A_291, %dma_start3A_292] : memref<7x1x128x128xf32, #tpu.memory_space<vmem>> -> memref<1x1x128x128xf32, #tpu.memory_space<vmem>>
    %dma_start3A_294 = tpu.memref_squeeze %dma_start3A_293 : memref<1x1x128x128xf32, #tpu.memory_space<vmem>> -> memref<1x128x128xf32, #tpu.memory_space<vmem>>
    %dma_start3A_295 = arith.constant 0 : i32
    %dma_start3A_296 = arith.constant 0 : i32
    %dma_start3A_297 = tpu.memref_slice %arg4[%add3A_287, %dma_start3A_295, %dma_start3A_296] : memref<3328x128x128xf32, #tpu.memory_space<hbm>> -> memref<1x128x128xf32, #tpu.memory_space<hbm>>
    %dma_start3A_298 = tpu.memref_slice %arg8[%dma_start3A_289] : memref<7x!tpu.dma_semaphore, #tpu.memory_space<semaphore_mem>> -> memref<1x!tpu.dma_semaphore, #tpu.memory_space<semaphore_mem>>
    %dma_start3A_299 = tpu.memref_squeeze %dma_start3A_298 : memref<1x!tpu.dma_semaphore, #tpu.memory_space<semaphore_mem>> -> memref<!tpu.dma_semaphore, #tpu.memory_space<semaphore_mem>>
    %dma_start3A_300 = arith.constant 0 : i32
    %dma_start3A_301 = arith.constant 0 : i32
    %dma_start3A_302 = tpu.memref_slice %arg4[%add3A_287, %dma_start3A_300, %dma_start3A_301] : memref<3328x128x128xf32, #tpu.memory_space<hbm>> -> memref<1x128x128xf32, #tpu.memory_space<hbm>>
    %dma_start3A_303 = arith.constant 0 : i32
    %dma_start3A_304 = arith.constant 0 : i32
    %dma_start3A_305 = arith.constant 0 : i32
    %dma_start3A_306 = tpu.memref_slice %arg6[%dma_start3A_288, %dma_start3A_303, %dma_start3A_304, %dma_start3A_305] : memref<7x1x128x128xf32, #tpu.memory_space<vmem>> -> memref<1x1x128x128xf32, #tpu.memory_space<vmem>>
    %dma_start3A_307 = tpu.memref_squeeze %dma_start3A_306 : memref<1x1x128x128xf32, #tpu.memory_space<vmem>> -> memref<1x128x128xf32, #tpu.memory_space<vmem>>
    tpu.enqueue_dma source(%dma_start3A_307 : memref<1x128x128xf32, #tpu.memory_space<vmem>>) target(%dma_start3A_302 : memref<1x128x128xf32, #tpu.memory_space<hbm>>) target_semaphore(%dma_start3A_299 : memref<!tpu.dma_semaphore, #tpu.memory_space<semaphore_mem>>)
    %add3A_308 = arith.constant 92 : i32
    %add3A_309 = arith.addi %mul3A_2, %add3A_308 : i32
    %dma_wait3A_310 = arith.constant 1 : i32
    %dma_wait3A_311 = arith.constant 1 : i32
    %dma_wait3A_312 = arith.constant 0 : i32
    %dma_wait3A_313 = arith.constant 0 : i32
    %dma_wait3A_314 = arith.constant 0 : i32
    %dma_wait3A_315 = tpu.memref_slice %arg6[%dma_wait3A_310, %dma_wait3A_312, %dma_wait3A_313, %dma_wait3A_314] : memref<7x1x128x128xf32, #tpu.memory_space<vmem>> -> memref<1x1x128x128xf32, #tpu.memory_space<vmem>>
    %dma_wait3A_316 = tpu.memref_squeeze %dma_wait3A_315 : memref<1x1x128x128xf32, #tpu.memory_space<vmem>> -> memref<1x128x128xf32, #tpu.memory_space<vmem>>
    %dma_wait3A_317 = arith.constant 0 : i32
    %dma_wait3A_318 = arith.constant 0 : i32
    %dma_wait3A_319 = tpu.memref_slice %arg4[%add3A_309, %dma_wait3A_317, %dma_wait3A_318] : memref<3328x128x128xf32, #tpu.memory_space<hbm>> -> memref<1x128x128xf32, #tpu.memory_space<hbm>>
    %dma_wait3A_320 = tpu.memref_slice %arg8[%dma_wait3A_311] : memref<7x!tpu.dma_semaphore, #tpu.memory_space<semaphore_mem>> -> memref<1x!tpu.dma_semaphore, #tpu.memory_space<semaphore_mem>>
    %dma_wait3A_321 = tpu.memref_squeeze %dma_wait3A_320 : memref<1x!tpu.dma_semaphore, #tpu.memory_space<semaphore_mem>> -> memref<!tpu.dma_semaphore, #tpu.memory_space<semaphore_mem>>
    %dma_wait3A_322 = arith.constant 0 : i32
    %dma_wait3A_323 = arith.constant 0 : i32
    %dma_wait3A_324 = tpu.memref_slice %arg4[%add3A_309, %dma_wait3A_322, %dma_wait3A_323] : memref<3328x128x128xf32, #tpu.memory_space<hbm>> -> memref<1x128x128xf32, #tpu.memory_space<hbm>>
    %dma_wait3A_325 = arith.constant 0 : i32
    %dma_wait3A_326 = arith.constant 0 : i32
    %dma_wait3A_327 = arith.constant 0 : i32
    %dma_wait3A_328 = tpu.memref_slice %arg6[%dma_wait3A_310, %dma_wait3A_325, %dma_wait3A_326, %dma_wait3A_327] : memref<7x1x128x128xf32, #tpu.memory_space<vmem>> -> memref<1x1x128x128xf32, #tpu.memory_space<vmem>>
    %dma_wait3A_329 = tpu.memref_squeeze %dma_wait3A_328 : memref<1x1x128x128xf32, #tpu.memory_space<vmem>> -> memref<1x128x128xf32, #tpu.memory_space<vmem>>
    tpu.wait_dma2 semaphore(%dma_wait3A_321 : memref<!tpu.dma_semaphore, #tpu.memory_space<semaphore_mem>>) src(%dma_wait3A_329 : memref<1x128x128xf32, #tpu.memory_space<vmem>>) dst(%dma_wait3A_324 : memref<1x128x128xf32, #tpu.memory_space<hbm>>)
    %dma_start3A_330 = arith.constant 99 : i32
    %dma_start3A_331 = arith.constant 1 : i32
    %dma_start3A_332 = arith.constant 0 : i32
    %dma_start3A_333 = arith.constant 1 : i32
    %dma_start3A_334 = arith.constant 0 : i32
    %dma_start3A_335 = arith.constant 0 : i32
    %dma_start3A_336 = tpu.memref_slice %arg6[%dma_start3A_331, %dma_start3A_332, %dma_start3A_334, %dma_start3A_335] : memref<7x1x128x128xf32, #tpu.memory_space<vmem>> -> memref<1x1x128x128xf32, #tpu.memory_space<vmem>>
    %dma_start3A_337 = tpu.memref_squeeze %dma_start3A_336 : memref<1x1x128x128xf32, #tpu.memory_space<vmem>> -> memref<128x128xf32, #tpu.memory_space<vmem>>
    %dma_start3A_338 = arith.constant 0 : i32
    %dma_start3A_339 = tpu.memref_slice %arg5[%dma_start3A_330, %dma_start3A_338] : memref<104x128xi32, #tpu.memory_space<vmem>> -> memref<1x128xi32, #tpu.memory_space<vmem>>
    %dma_start3A_340 = tpu.memref_squeeze %dma_start3A_339 : memref<1x128xi32, #tpu.memory_space<vmem>> -> memref<128xi32, #tpu.memory_space<vmem>>
    %dma_start3A_341 = arith.constant 0 : i32
    %dma_start3A_342 = arith.constant 0 : i32
    %dma_start3A_343 = tpu.memref_slice %arg3[%dma_start3A_341, %dma_start3A_342] : memref<100000x128xf32, #tpu.memory_space<hbm>> -> memref<100000x128xf32, #tpu.memory_space<hbm>>
    %dma_start3A_344 = tpu.memref_slice %arg7[%dma_start3A_333] : memref<7x!tpu.dma_semaphore, #tpu.memory_space<semaphore_mem>> -> memref<1x!tpu.dma_semaphore, #tpu.memory_space<semaphore_mem>>
    %dma_start3A_345 = tpu.memref_squeeze %dma_start3A_344 : memref<1x!tpu.dma_semaphore, #tpu.memory_space<semaphore_mem>> -> memref<!tpu.dma_semaphore, #tpu.memory_space<semaphore_mem>>
    tpu.enqueue_indirect_dma source(%dma_start3A_343 : memref<100000x128xf32, #tpu.memory_space<hbm>>) target(%dma_start3A_337 : memref<128x128xf32, #tpu.memory_space<vmem>>) offsets(%dma_start3A_340 : memref<128xi32, #tpu.memory_space<vmem>>) semaphore(%dma_start3A_345 : memref<!tpu.dma_semaphore, #tpu.memory_space<semaphore_mem>>)
    %dma_wait3A_346 = arith.constant 95 : i32
    %dma_wait3A_347 = arith.constant 4 : i32
    %dma_wait3A_348 = arith.constant 0 : i32
    %dma_wait3A_349 = arith.constant 4 : i32
    %dma_wait3A_350 = arith.constant 0 : i32
    %dma_wait3A_351 = arith.constant 0 : i32
    %dma_wait3A_352 = tpu.memref_slice %arg6[%dma_wait3A_347, %dma_wait3A_348, %dma_wait3A_350, %dma_wait3A_351] : memref<7x1x128x128xf32, #tpu.memory_space<vmem>> -> memref<1x1x128x128xf32, #tpu.memory_space<vmem>>
    %dma_wait3A_353 = tpu.memref_squeeze %dma_wait3A_352 : memref<1x1x128x128xf32, #tpu.memory_space<vmem>> -> memref<128x128xf32, #tpu.memory_space<vmem>>
    %dma_wait3A_354 = arith.constant 0 : i32
    %dma_wait3A_355 = tpu.memref_slice %arg5[%dma_wait3A_346, %dma_wait3A_354] : memref<104x128xi32, #tpu.memory_space<vmem>> -> memref<1x128xi32, #tpu.memory_space<vmem>>
    %dma_wait3A_356 = tpu.memref_squeeze %dma_wait3A_355 : memref<1x128xi32, #tpu.memory_space<vmem>> -> memref<128xi32, #tpu.memory_space<vmem>>
    %dma_wait3A_357 = arith.constant 0 : i32
    %dma_wait3A_358 = arith.constant 0 : i32
    %dma_wait3A_359 = tpu.memref_slice %arg3[%dma_wait3A_357, %dma_wait3A_358] : memref<100000x128xf32, #tpu.memory_space<hbm>> -> memref<100000x128xf32, #tpu.memory_space<hbm>>
    %dma_wait3A_360 = tpu.memref_slice %arg7[%dma_wait3A_349] : memref<7x!tpu.dma_semaphore, #tpu.memory_space<semaphore_mem>> -> memref<1x!tpu.dma_semaphore, #tpu.memory_space<semaphore_mem>>
    %dma_wait3A_361 = tpu.memref_squeeze %dma_wait3A_360 : memref<1x!tpu.dma_semaphore, #tpu.memory_space<semaphore_mem>> -> memref<!tpu.dma_semaphore, #tpu.memory_space<semaphore_mem>>
    tpu.wait_indirect_dma semaphore(%dma_wait3A_361 : memref<!tpu.dma_semaphore, #tpu.memory_space<semaphore_mem>>) src(%dma_wait3A_359 : memref<100000x128xf32, #tpu.memory_space<hbm>>) dst(%dma_wait3A_353 : memref<128x128xf32, #tpu.memory_space<vmem>>)
    %add3A_362 = arith.constant 95 : i32
    %add3A_363 = arith.addi %mul3A_2, %add3A_362 : i32
    %dma_start3A_364 = arith.constant 4 : i32
    %dma_start3A_365 = arith.constant 4 : i32
    %dma_start3A_366 = arith.constant 0 : i32
    %dma_start3A_367 = arith.constant 0 : i32
    %dma_start3A_368 = arith.constant 0 : i32
    %dma_start3A_369 = tpu.memref_slice %arg6[%dma_start3A_364, %dma_start3A_366, %dma_start3A_367, %dma_start3A_368] : memref<7x1x128x128xf32, #tpu.memory_space<vmem>> -> memref<1x1x128x128xf32, #tpu.memory_space<vmem>>
    %dma_start3A_370 = tpu.memref_squeeze %dma_start3A_369 : memref<1x1x128x128xf32, #tpu.memory_space<vmem>> -> memref<1x128x128xf32, #tpu.memory_space<vmem>>
    %dma_start3A_371 = arith.constant 0 : i32
    %dma_start3A_372 = arith.constant 0 : i32
    %dma_start3A_373 = tpu.memref_slice %arg4[%add3A_363, %dma_start3A_371, %dma_start3A_372] : memref<3328x128x128xf32, #tpu.memory_space<hbm>> -> memref<1x128x128xf32, #tpu.memory_space<hbm>>
    %dma_start3A_374 = tpu.memref_slice %arg8[%dma_start3A_365] : memref<7x!tpu.dma_semaphore, #tpu.memory_space<semaphore_mem>> -> memref<1x!tpu.dma_semaphore, #tpu.memory_space<semaphore_mem>>
    %dma_start3A_375 = tpu.memref_squeeze %dma_start3A_374 : memref<1x!tpu.dma_semaphore, #tpu.memory_space<semaphore_mem>> -> memref<!tpu.dma_semaphore, #tpu.memory_space<semaphore_mem>>
    %dma_start3A_376 = arith.constant 0 : i32
    %dma_start3A_377 = arith.constant 0 : i32
    %dma_start3A_378 = tpu.memref_slice %arg4[%add3A_363, %dma_start3A_376, %dma_start3A_377] : memref<3328x128x128xf32, #tpu.memory_space<hbm>> -> memref<1x128x128xf32, #tpu.memory_space<hbm>>
    %dma_start3A_379 = arith.constant 0 : i32
    %dma_start3A_380 = arith.constant 0 : i32
    %dma_start3A_381 = arith.constant 0 : i32
    %dma_start3A_382 = tpu.memref_slice %arg6[%dma_start3A_364, %dma_start3A_379, %dma_start3A_380, %dma_start3A_381] : memref<7x1x128x128xf32, #tpu.memory_space<vmem>> -> memref<1x1x128x128xf32, #tpu.memory_space<vmem>>
    %dma_start3A_383 = tpu.memref_squeeze %dma_start3A_382 : memref<1x1x128x128xf32, #tpu.memory_space<vmem>> -> memref<1x128x128xf32, #tpu.memory_space<vmem>>
    tpu.enqueue_dma source(%dma_start3A_383 : memref<1x128x128xf32, #tpu.memory_space<vmem>>) target(%dma_start3A_378 : memref<1x128x128xf32, #tpu.memory_space<hbm>>) target_semaphore(%dma_start3A_375 : memref<!tpu.dma_semaphore, #tpu.memory_space<semaphore_mem>>)
    %add3A_384 = arith.constant 93 : i32
    %add3A_385 = arith.addi %mul3A_2, %add3A_384 : i32
    %dma_wait3A_386 = arith.constant 2 : i32
    %dma_wait3A_387 = arith.constant 2 : i32
    %dma_wait3A_388 = arith.constant 0 : i32
    %dma_wait3A_389 = arith.constant 0 : i32
    %dma_wait3A_390 = arith.constant 0 : i32
    %dma_wait3A_391 = tpu.memref_slice %arg6[%dma_wait3A_386, %dma_wait3A_388, %dma_wait3A_389, %dma_wait3A_390] : memref<7x1x128x128xf32, #tpu.memory_space<vmem>> -> memref<1x1x128x128xf32, #tpu.memory_space<vmem>>
    %dma_wait3A_392 = tpu.memref_squeeze %dma_wait3A_391 : memref<1x1x128x128xf32, #tpu.memory_space<vmem>> -> memref<1x128x128xf32, #tpu.memory_space<vmem>>
    %dma_wait3A_393 = arith.constant 0 : i32
    %dma_wait3A_394 = arith.constant 0 : i32
    %dma_wait3A_395 = tpu.memref_slice %arg4[%add3A_385, %dma_wait3A_393, %dma_wait3A_394] : memref<3328x128x128xf32, #tpu.memory_space<hbm>> -> memref<1x128x128xf32, #tpu.memory_space<hbm>>
    %dma_wait3A_396 = tpu.memref_slice %arg8[%dma_wait3A_387] : memref<7x!tpu.dma_semaphore, #tpu.memory_space<semaphore_mem>> -> memref<1x!tpu.dma_semaphore, #tpu.memory_space<semaphore_mem>>
    %dma_wait3A_397 = tpu.memref_squeeze %dma_wait3A_396 : memref<1x!tpu.dma_semaphore, #tpu.memory_space<semaphore_mem>> -> memref<!tpu.dma_semaphore, #tpu.memory_space<semaphore_mem>>
    %dma_wait3A_398 = arith.constant 0 : i32
    %dma_wait3A_399 = arith.constant 0 : i32
    %dma_wait3A_400 = tpu.memref_slice %arg4[%add3A_385, %dma_wait3A_398, %dma_wait3A_399] : memref<3328x128x128xf32, #tpu.memory_space<hbm>> -> memref<1x128x128xf32, #tpu.memory_space<hbm>>
    %dma_wait3A_401 = arith.constant 0 : i32
    %dma_wait3A_402 = arith.constant 0 : i32
    %dma_wait3A_403 = arith.constant 0 : i32
    %dma_wait3A_404 = tpu.memref_slice %arg6[%dma_wait3A_386, %dma_wait3A_401, %dma_wait3A_402, %dma_wait3A_403] : memref<7x1x128x128xf32, #tpu.memory_space<vmem>> -> memref<1x1x128x128xf32, #tpu.memory_space<vmem>>
    %dma_wait3A_405 = tpu.memref_squeeze %dma_wait3A_404 : memref<1x1x128x128xf32, #tpu.memory_space<vmem>> -> memref<1x128x128xf32, #tpu.memory_space<vmem>>
    tpu.wait_dma2 semaphore(%dma_wait3A_397 : memref<!tpu.dma_semaphore, #tpu.memory_space<semaphore_mem>>) src(%dma_wait3A_405 : memref<1x128x128xf32, #tpu.memory_space<vmem>>) dst(%dma_wait3A_400 : memref<1x128x128xf32, #tpu.memory_space<hbm>>)
    %dma_start3A_406 = arith.constant 100 : i32
    %dma_start3A_407 = arith.constant 2 : i32
    %dma_start3A_408 = arith.constant 0 : i32
    %dma_start3A_409 = arith.constant 2 : i32
    %dma_start3A_410 = arith.constant 0 : i32
    %dma_start3A_411 = arith.constant 0 : i32
    %dma_start3A_412 = tpu.memref_slice %arg6[%dma_start3A_407, %dma_start3A_408, %dma_start3A_410, %dma_start3A_411] : memref<7x1x128x128xf32, #tpu.memory_space<vmem>> -> memref<1x1x128x128xf32, #tpu.memory_space<vmem>>
    %dma_start3A_413 = tpu.memref_squeeze %dma_start3A_412 : memref<1x1x128x128xf32, #tpu.memory_space<vmem>> -> memref<128x128xf32, #tpu.memory_space<vmem>>
    %dma_start3A_414 = arith.constant 0 : i32
    %dma_start3A_415 = tpu.memref_slice %arg5[%dma_start3A_406, %dma_start3A_414] : memref<104x128xi32, #tpu.memory_space<vmem>> -> memref<1x128xi32, #tpu.memory_space<vmem>>
    %dma_start3A_416 = tpu.memref_squeeze %dma_start3A_415 : memref<1x128xi32, #tpu.memory_space<vmem>> -> memref<128xi32, #tpu.memory_space<vmem>>
    %dma_start3A_417 = arith.constant 0 : i32
    %dma_start3A_418 = arith.constant 0 : i32
    %dma_start3A_419 = tpu.memref_slice %arg3[%dma_start3A_417, %dma_start3A_418] : memref<100000x128xf32, #tpu.memory_space<hbm>> -> memref<100000x128xf32, #tpu.memory_space<hbm>>
    %dma_start3A_420 = tpu.memref_slice %arg7[%dma_start3A_409] : memref<7x!tpu.dma_semaphore, #tpu.memory_space<semaphore_mem>> -> memref<1x!tpu.dma_semaphore, #tpu.memory_space<semaphore_mem>>
    %dma_start3A_421 = tpu.memref_squeeze %dma_start3A_420 : memref<1x!tpu.dma_semaphore, #tpu.memory_space<semaphore_mem>> -> memref<!tpu.dma_semaphore, #tpu.memory_space<semaphore_mem>>
    tpu.enqueue_indirect_dma source(%dma_start3A_419 : memref<100000x128xf32, #tpu.memory_space<hbm>>) target(%dma_start3A_413 : memref<128x128xf32, #tpu.memory_space<vmem>>) offsets(%dma_start3A_416 : memref<128xi32, #tpu.memory_space<vmem>>) semaphore(%dma_start3A_421 : memref<!tpu.dma_semaphore, #tpu.memory_space<semaphore_mem>>)
    %dma_wait3A_422 = arith.constant 96 : i32
    %dma_wait3A_423 = arith.constant 5 : i32
    %dma_wait3A_424 = arith.constant 0 : i32
    %dma_wait3A_425 = arith.constant 5 : i32
    %dma_wait3A_426 = arith.constant 0 : i32
    %dma_wait3A_427 = arith.constant 0 : i32
    %dma_wait3A_428 = tpu.memref_slice %arg6[%dma_wait3A_423, %dma_wait3A_424, %dma_wait3A_426, %dma_wait3A_427] : memref<7x1x128x128xf32, #tpu.memory_space<vmem>> -> memref<1x1x128x128xf32, #tpu.memory_space<vmem>>
    %dma_wait3A_429 = tpu.memref_squeeze %dma_wait3A_428 : memref<1x1x128x128xf32, #tpu.memory_space<vmem>> -> memref<128x128xf32, #tpu.memory_space<vmem>>
    %dma_wait3A_430 = arith.constant 0 : i32
    %dma_wait3A_431 = tpu.memref_slice %arg5[%dma_wait3A_422, %dma_wait3A_430] : memref<104x128xi32, #tpu.memory_space<vmem>> -> memref<1x128xi32, #tpu.memory_space<vmem>>
    %dma_wait3A_432 = tpu.memref_squeeze %dma_wait3A_431 : memref<1x128xi32, #tpu.memory_space<vmem>> -> memref<128xi32, #tpu.memory_space<vmem>>
    %dma_wait3A_433 = arith.constant 0 : i32
    %dma_wait3A_434 = arith.constant 0 : i32
    %dma_wait3A_435 = tpu.memref_slice %arg3[%dma_wait3A_433, %dma_wait3A_434] : memref<100000x128xf32, #tpu.memory_space<hbm>> -> memref<100000x128xf32, #tpu.memory_space<hbm>>
    %dma_wait3A_436 = tpu.memref_slice %arg7[%dma_wait3A_425] : memref<7x!tpu.dma_semaphore, #tpu.memory_space<semaphore_mem>> -> memref<1x!tpu.dma_semaphore, #tpu.memory_space<semaphore_mem>>
    %dma_wait3A_437 = tpu.memref_squeeze %dma_wait3A_436 : memref<1x!tpu.dma_semaphore, #tpu.memory_space<semaphore_mem>> -> memref<!tpu.dma_semaphore, #tpu.memory_space<semaphore_mem>>
    tpu.wait_indirect_dma semaphore(%dma_wait3A_437 : memref<!tpu.dma_semaphore, #tpu.memory_space<semaphore_mem>>) src(%dma_wait3A_435 : memref<100000x128xf32, #tpu.memory_space<hbm>>) dst(%dma_wait3A_429 : memref<128x128xf32, #tpu.memory_space<vmem>>)
    %add3A_438 = arith.constant 96 : i32
    %add3A_439 = arith.addi %mul3A_2, %add3A_438 : i32
    %dma_start3A_440 = arith.constant 5 : i32
    %dma_start3A_441 = arith.constant 5 : i32
    %dma_start3A_442 = arith.constant 0 : i32
    %dma_start3A_443 = arith.constant 0 : i32
    %dma_start3A_444 = arith.constant 0 : i32
    %dma_start3A_445 = tpu.memref_slice %arg6[%dma_start3A_440, %dma_start3A_442, %dma_start3A_443, %dma_start3A_444] : memref<7x1x128x128xf32, #tpu.memory_space<vmem>> -> memref<1x1x128x128xf32, #tpu.memory_space<vmem>>
    %dma_start3A_446 = tpu.memref_squeeze %dma_start3A_445 : memref<1x1x128x128xf32, #tpu.memory_space<vmem>> -> memref<1x128x128xf32, #tpu.memory_space<vmem>>
    %dma_start3A_447 = arith.constant 0 : i32
    %dma_start3A_448 = arith.constant 0 : i32
    %dma_start3A_449 = tpu.memref_slice %arg4[%add3A_439, %dma_start3A_447, %dma_start3A_448] : memref<3328x128x128xf32, #tpu.memory_space<hbm>> -> memref<1x128x128xf32, #tpu.memory_space<hbm>>
    %dma_start3A_450 = tpu.memref_slice %arg8[%dma_start3A_441] : memref<7x!tpu.dma_semaphore, #tpu.memory_space<semaphore_mem>> -> memref<1x!tpu.dma_semaphore, #tpu.memory_space<semaphore_mem>>
    %dma_start3A_451 = tpu.memref_squeeze %dma_start3A_450 : memref<1x!tpu.dma_semaphore, #tpu.memory_space<semaphore_mem>> -> memref<!tpu.dma_semaphore, #tpu.memory_space<semaphore_mem>>
    %dma_start3A_452 = arith.constant 0 : i32
    %dma_start3A_453 = arith.constant 0 : i32
    %dma_start3A_454 = tpu.memref_slice %arg4[%add3A_439, %dma_start3A_452, %dma_start3A_453] : memref<3328x128x128xf32, #tpu.memory_space<hbm>> -> memref<1x128x128xf32, #tpu.memory_space<hbm>>
    %dma_start3A_455 = arith.constant 0 : i32
    %dma_start3A_456 = arith.constant 0 : i32
    %dma_start3A_457 = arith.constant 0 : i32
    %dma_start3A_458 = tpu.memref_slice %arg6[%dma_start3A_440, %dma_start3A_455, %dma_start3A_456, %dma_start3A_457] : memref<7x1x128x128xf32, #tpu.memory_space<vmem>> -> memref<1x1x128x128xf32, #tpu.memory_space<vmem>>
    %dma_start3A_459 = tpu.memref_squeeze %dma_start3A_458 : memref<1x1x128x128xf32, #tpu.memory_space<vmem>> -> memref<1x128x128xf32, #tpu.memory_space<vmem>>
    tpu.enqueue_dma source(%dma_start3A_459 : memref<1x128x128xf32, #tpu.memory_space<vmem>>) target(%dma_start3A_454 : memref<1x128x128xf32, #tpu.memory_space<hbm>>) target_semaphore(%dma_start3A_451 : memref<!tpu.dma_semaphore, #tpu.memory_space<semaphore_mem>>)
    %add3A_460 = arith.constant 94 : i32
    %add3A_461 = arith.addi %mul3A_2, %add3A_460 : i32
    %dma_wait3A_462 = arith.constant 3 : i32
    %dma_wait3A_463 = arith.constant 3 : i32
    %dma_wait3A_464 = arith.constant 0 : i32
    %dma_wait3A_465 = arith.constant 0 : i32
    %dma_wait3A_466 = arith.constant 0 : i32
    %dma_wait3A_467 = tpu.memref_slice %arg6[%dma_wait3A_462, %dma_wait3A_464, %dma_wait3A_465, %dma_wait3A_466] : memref<7x1x128x128xf32, #tpu.memory_space<vmem>> -> memref<1x1x128x128xf32, #tpu.memory_space<vmem>>
    %dma_wait3A_468 = tpu.memref_squeeze %dma_wait3A_467 : memref<1x1x128x128xf32, #tpu.memory_space<vmem>> -> memref<1x128x128xf32, #tpu.memory_space<vmem>>
    %dma_wait3A_469 = arith.constant 0 : i32
    %dma_wait3A_470 = arith.constant 0 : i32
    %dma_wait3A_471 = tpu.memref_slice %arg4[%add3A_461, %dma_wait3A_469, %dma_wait3A_470] : memref<3328x128x128xf32, #tpu.memory_space<hbm>> -> memref<1x128x128xf32, #tpu.memory_space<hbm>>
    %dma_wait3A_472 = tpu.memref_slice %arg8[%dma_wait3A_463] : memref<7x!tpu.dma_semaphore, #tpu.memory_space<semaphore_mem>> -> memref<1x!tpu.dma_semaphore, #tpu.memory_space<semaphore_mem>>
    %dma_wait3A_473 = tpu.memref_squeeze %dma_wait3A_472 : memref<1x!tpu.dma_semaphore, #tpu.memory_space<semaphore_mem>> -> memref<!tpu.dma_semaphore, #tpu.memory_space<semaphore_mem>>
    %dma_wait3A_474 = arith.constant 0 : i32
    %dma_wait3A_475 = arith.constant 0 : i32
    %dma_wait3A_476 = tpu.memref_slice %arg4[%add3A_461, %dma_wait3A_474, %dma_wait3A_475] : memref<3328x128x128xf32, #tpu.memory_space<hbm>> -> memref<1x128x128xf32, #tpu.memory_space<hbm>>
    %dma_wait3A_477 = arith.constant 0 : i32
    %dma_wait3A_478 = arith.constant 0 : i32
    %dma_wait3A_479 = arith.constant 0 : i32
    %dma_wait3A_480 = tpu.memref_slice %arg6[%dma_wait3A_462, %dma_wait3A_477, %dma_wait3A_478, %dma_wait3A_479] : memref<7x1x128x128xf32, #tpu.memory_space<vmem>> -> memref<1x1x128x128xf32, #tpu.memory_space<vmem>>
    %dma_wait3A_481 = tpu.memref_squeeze %dma_wait3A_480 : memref<1x1x128x128xf32, #tpu.memory_space<vmem>> -> memref<1x128x128xf32, #tpu.memory_space<vmem>>
    tpu.wait_dma2 semaphore(%dma_wait3A_473 : memref<!tpu.dma_semaphore, #tpu.memory_space<semaphore_mem>>) src(%dma_wait3A_481 : memref<1x128x128xf32, #tpu.memory_space<vmem>>) dst(%dma_wait3A_476 : memref<1x128x128xf32, #tpu.memory_space<hbm>>)
    %dma_start3A_482 = arith.constant 101 : i32
    %dma_start3A_483 = arith.constant 3 : i32
    %dma_start3A_484 = arith.constant 0 : i32
    %dma_start3A_485 = arith.constant 3 : i32
    %dma_start3A_486 = arith.constant 0 : i32
    %dma_start3A_487 = arith.constant 0 : i32
    %dma_start3A_488 = tpu.memref_slice %arg6[%dma_start3A_483, %dma_start3A_484, %dma_start3A_486, %dma_start3A_487] : memref<7x1x128x128xf32, #tpu.memory_space<vmem>> -> memref<1x1x128x128xf32, #tpu.memory_space<vmem>>
    %dma_start3A_489 = tpu.memref_squeeze %dma_start3A_488 : memref<1x1x128x128xf32, #tpu.memory_space<vmem>> -> memref<128x128xf32, #tpu.memory_space<vmem>>
    %dma_start3A_490 = arith.constant 0 : i32
    %dma_start3A_491 = tpu.memref_slice %arg5[%dma_start3A_482, %dma_start3A_490] : memref<104x128xi32, #tpu.memory_space<vmem>> -> memref<1x128xi32, #tpu.memory_space<vmem>>
    %dma_start3A_492 = tpu.memref_squeeze %dma_start3A_491 : memref<1x128xi32, #tpu.memory_space<vmem>> -> memref<128xi32, #tpu.memory_space<vmem>>
    %dma_start3A_493 = arith.constant 0 : i32
    %dma_start3A_494 = arith.constant 0 : i32
    %dma_start3A_495 = tpu.memref_slice %arg3[%dma_start3A_493, %dma_start3A_494] : memref<100000x128xf32, #tpu.memory_space<hbm>> -> memref<100000x128xf32, #tpu.memory_space<hbm>>
    %dma_start3A_496 = tpu.memref_slice %arg7[%dma_start3A_485] : memref<7x!tpu.dma_semaphore, #tpu.memory_space<semaphore_mem>> -> memref<1x!tpu.dma_semaphore, #tpu.memory_space<semaphore_mem>>
    %dma_start3A_497 = tpu.memref_squeeze %dma_start3A_496 : memref<1x!tpu.dma_semaphore, #tpu.memory_space<semaphore_mem>> -> memref<!tpu.dma_semaphore, #tpu.memory_space<semaphore_mem>>
    tpu.enqueue_indirect_dma source(%dma_start3A_495 : memref<100000x128xf32, #tpu.memory_space<hbm>>) target(%dma_start3A_489 : memref<128x128xf32, #tpu.memory_space<vmem>>) offsets(%dma_start3A_492 : memref<128xi32, #tpu.memory_space<vmem>>) semaphore(%dma_start3A_497 : memref<!tpu.dma_semaphore, #tpu.memory_space<semaphore_mem>>)
    %dma_wait3A_498 = arith.constant 97 : i32
    %dma_wait3A_499 = arith.constant 6 : i32
    %dma_wait3A_500 = arith.constant 0 : i32
    %dma_wait3A_501 = arith.constant 6 : i32
    %dma_wait3A_502 = arith.constant 0 : i32
    %dma_wait3A_503 = arith.constant 0 : i32
    %dma_wait3A_504 = tpu.memref_slice %arg6[%dma_wait3A_499, %dma_wait3A_500, %dma_wait3A_502, %dma_wait3A_503] : memref<7x1x128x128xf32, #tpu.memory_space<vmem>> -> memref<1x1x128x128xf32, #tpu.memory_space<vmem>>
    %dma_wait3A_505 = tpu.memref_squeeze %dma_wait3A_504 : memref<1x1x128x128xf32, #tpu.memory_space<vmem>> -> memref<128x128xf32, #tpu.memory_space<vmem>>
    %dma_wait3A_506 = arith.constant 0 : i32
    %dma_wait3A_507 = tpu.memref_slice %arg5[%dma_wait3A_498, %dma_wait3A_506] : memref<104x128xi32, #tpu.memory_space<vmem>> -> memref<1x128xi32, #tpu.memory_space<vmem>>
    %dma_wait3A_508 = tpu.memref_squeeze %dma_wait3A_507 : memref<1x128xi32, #tpu.memory_space<vmem>> -> memref<128xi32, #tpu.memory_space<vmem>>
    %dma_wait3A_509 = arith.constant 0 : i32
    %dma_wait3A_510 = arith.constant 0 : i32
    %dma_wait3A_511 = tpu.memref_slice %arg3[%dma_wait3A_509, %dma_wait3A_510] : memref<100000x128xf32, #tpu.memory_space<hbm>> -> memref<100000x128xf32, #tpu.memory_space<hbm>>
    %dma_wait3A_512 = tpu.memref_slice %arg7[%dma_wait3A_501] : memref<7x!tpu.dma_semaphore, #tpu.memory_space<semaphore_mem>> -> memref<1x!tpu.dma_semaphore, #tpu.memory_space<semaphore_mem>>
    %dma_wait3A_513 = tpu.memref_squeeze %dma_wait3A_512 : memref<1x!tpu.dma_semaphore, #tpu.memory_space<semaphore_mem>> -> memref<!tpu.dma_semaphore, #tpu.memory_space<semaphore_mem>>
    tpu.wait_indirect_dma semaphore(%dma_wait3A_513 : memref<!tpu.dma_semaphore, #tpu.memory_space<semaphore_mem>>) src(%dma_wait3A_511 : memref<100000x128xf32, #tpu.memory_space<hbm>>) dst(%dma_wait3A_505 : memref<128x128xf32, #tpu.memory_space<vmem>>)
    %add3A_514 = arith.constant 97 : i32
    %add3A_515 = arith.addi %mul3A_2, %add3A_514 : i32
    %dma_start3A_516 = arith.constant 6 : i32
    %dma_start3A_517 = arith.constant 6 : i32
    %dma_start3A_518 = arith.constant 0 : i32
    %dma_start3A_519 = arith.constant 0 : i32
    %dma_start3A_520 = arith.constant 0 : i32
    %dma_start3A_521 = tpu.memref_slice %arg6[%dma_start3A_516, %dma_start3A_518, %dma_start3A_519, %dma_start3A_520] : memref<7x1x128x128xf32, #tpu.memory_space<vmem>> -> memref<1x1x128x128xf32, #tpu.memory_space<vmem>>
    %dma_start3A_522 = tpu.memref_squeeze %dma_start3A_521 : memref<1x1x128x128xf32, #tpu.memory_space<vmem>> -> memref<1x128x128xf32, #tpu.memory_space<vmem>>
    %dma_start3A_523 = arith.constant 0 : i32
    %dma_start3A_524 = arith.constant 0 : i32
    %dma_start3A_525 = tpu.memref_slice %arg4[%add3A_515, %dma_start3A_523, %dma_start3A_524] : memref<3328x128x128xf32, #tpu.memory_space<hbm>> -> memref<1x128x128xf32, #tpu.memory_space<hbm>>
    %dma_start3A_526 = tpu.memref_slice %arg8[%dma_start3A_517] : memref<7x!tpu.dma_semaphore, #tpu.memory_space<semaphore_mem>> -> memref<1x!tpu.dma_semaphore, #tpu.memory_space<semaphore_mem>>
    %dma_start3A_527 = tpu.memref_squeeze %dma_start3A_526 : memref<1x!tpu.dma_semaphore, #tpu.memory_space<semaphore_mem>> -> memref<!tpu.dma_semaphore, #tpu.memory_space<semaphore_mem>>
    %dma_start3A_528 = arith.constant 0 : i32
    %dma_start3A_529 = arith.constant 0 : i32
    %dma_start3A_530 = tpu.memref_slice %arg4[%add3A_515, %dma_start3A_528, %dma_start3A_529] : memref<3328x128x128xf32, #tpu.memory_space<hbm>> -> memref<1x128x128xf32, #tpu.memory_space<hbm>>
    %dma_start3A_531 = arith.constant 0 : i32
    %dma_start3A_532 = arith.constant 0 : i32
    %dma_start3A_533 = arith.constant 0 : i32
    %dma_start3A_534 = tpu.memref_slice %arg6[%dma_start3A_516, %dma_start3A_531, %dma_start3A_532, %dma_start3A_533] : memref<7x1x128x128xf32, #tpu.memory_space<vmem>> -> memref<1x1x128x128xf32, #tpu.memory_space<vmem>>
    %dma_start3A_535 = tpu.memref_squeeze %dma_start3A_534 : memref<1x1x128x128xf32, #tpu.memory_space<vmem>> -> memref<1x128x128xf32, #tpu.memory_space<vmem>>
    tpu.enqueue_dma source(%dma_start3A_535 : memref<1x128x128xf32, #tpu.memory_space<vmem>>) target(%dma_start3A_530 : memref<1x128x128xf32, #tpu.memory_space<hbm>>) target_semaphore(%dma_start3A_527 : memref<!tpu.dma_semaphore, #tpu.memory_space<semaphore_mem>>)
    %add3A_536 = arith.constant 95 : i32
    %add3A_537 = arith.addi %mul3A_2, %add3A_536 : i32
    %dma_wait3A_538 = arith.constant 4 : i32
    %dma_wait3A_539 = arith.constant 4 : i32
    %dma_wait3A_540 = arith.constant 0 : i32
    %dma_wait3A_541 = arith.constant 0 : i32
    %dma_wait3A_542 = arith.constant 0 : i32
    %dma_wait3A_543 = tpu.memref_slice %arg6[%dma_wait3A_538, %dma_wait3A_540, %dma_wait3A_541, %dma_wait3A_542] : memref<7x1x128x128xf32, #tpu.memory_space<vmem>> -> memref<1x1x128x128xf32, #tpu.memory_space<vmem>>
    %dma_wait3A_544 = tpu.memref_squeeze %dma_wait3A_543 : memref<1x1x128x128xf32, #tpu.memory_space<vmem>> -> memref<1x128x128xf32, #tpu.memory_space<vmem>>
    %dma_wait3A_545 = arith.constant 0 : i32
    %dma_wait3A_546 = arith.constant 0 : i32
    %dma_wait3A_547 = tpu.memref_slice %arg4[%add3A_537, %dma_wait3A_545, %dma_wait3A_546] : memref<3328x128x128xf32, #tpu.memory_space<hbm>> -> memref<1x128x128xf32, #tpu.memory_space<hbm>>
    %dma_wait3A_548 = tpu.memref_slice %arg8[%dma_wait3A_539] : memref<7x!tpu.dma_semaphore, #tpu.memory_space<semaphore_mem>> -> memref<1x!tpu.dma_semaphore, #tpu.memory_space<semaphore_mem>>
    %dma_wait3A_549 = tpu.memref_squeeze %dma_wait3A_548 : memref<1x!tpu.dma_semaphore, #tpu.memory_space<semaphore_mem>> -> memref<!tpu.dma_semaphore, #tpu.memory_space<semaphore_mem>>
    %dma_wait3A_550 = arith.constant 0 : i32
    %dma_wait3A_551 = arith.constant 0 : i32
    %dma_wait3A_552 = tpu.memref_slice %arg4[%add3A_537, %dma_wait3A_550, %dma_wait3A_551] : memref<3328x128x128xf32, #tpu.memory_space<hbm>> -> memref<1x128x128xf32, #tpu.memory_space<hbm>>
    %dma_wait3A_553 = arith.constant 0 : i32
    %dma_wait3A_554 = arith.constant 0 : i32
    %dma_wait3A_555 = arith.constant 0 : i32
    %dma_wait3A_556 = tpu.memref_slice %arg6[%dma_wait3A_538, %dma_wait3A_553, %dma_wait3A_554, %dma_wait3A_555] : memref<7x1x128x128xf32, #tpu.memory_space<vmem>> -> memref<1x1x128x128xf32, #tpu.memory_space<vmem>>
    %dma_wait3A_557 = tpu.memref_squeeze %dma_wait3A_556 : memref<1x1x128x128xf32, #tpu.memory_space<vmem>> -> memref<1x128x128xf32, #tpu.memory_space<vmem>>
    tpu.wait_dma2 semaphore(%dma_wait3A_549 : memref<!tpu.dma_semaphore, #tpu.memory_space<semaphore_mem>>) src(%dma_wait3A_557 : memref<1x128x128xf32, #tpu.memory_space<vmem>>) dst(%dma_wait3A_552 : memref<1x128x128xf32, #tpu.memory_space<hbm>>)
    %dma_start3A_558 = arith.constant 102 : i32
    %dma_start3A_559 = arith.constant 4 : i32
    %dma_start3A_560 = arith.constant 0 : i32
    %dma_start3A_561 = arith.constant 4 : i32
    %dma_start3A_562 = arith.constant 0 : i32
    %dma_start3A_563 = arith.constant 0 : i32
    %dma_start3A_564 = tpu.memref_slice %arg6[%dma_start3A_559, %dma_start3A_560, %dma_start3A_562, %dma_start3A_563] : memref<7x1x128x128xf32, #tpu.memory_space<vmem>> -> memref<1x1x128x128xf32, #tpu.memory_space<vmem>>
    %dma_start3A_565 = tpu.memref_squeeze %dma_start3A_564 : memref<1x1x128x128xf32, #tpu.memory_space<vmem>> -> memref<128x128xf32, #tpu.memory_space<vmem>>
    %dma_start3A_566 = arith.constant 0 : i32
    %dma_start3A_567 = tpu.memref_slice %arg5[%dma_start3A_558, %dma_start3A_566] : memref<104x128xi32, #tpu.memory_space<vmem>> -> memref<1x128xi32, #tpu.memory_space<vmem>>
    %dma_start3A_568 = tpu.memref_squeeze %dma_start3A_567 : memref<1x128xi32, #tpu.memory_space<vmem>> -> memref<128xi32, #tpu.memory_space<vmem>>
    %dma_start3A_569 = arith.constant 0 : i32
    %dma_start3A_570 = arith.constant 0 : i32
    %dma_start3A_571 = tpu.memref_slice %arg3[%dma_start3A_569, %dma_start3A_570] : memref<100000x128xf32, #tpu.memory_space<hbm>> -> memref<100000x128xf32, #tpu.memory_space<hbm>>
    %dma_start3A_572 = tpu.memref_slice %arg7[%dma_start3A_561] : memref<7x!tpu.dma_semaphore, #tpu.memory_space<semaphore_mem>> -> memref<1x!tpu.dma_semaphore, #tpu.memory_space<semaphore_mem>>
    %dma_start3A_573 = tpu.memref_squeeze %dma_start3A_572 : memref<1x!tpu.dma_semaphore, #tpu.memory_space<semaphore_mem>> -> memref<!tpu.dma_semaphore, #tpu.memory_space<semaphore_mem>>
    tpu.enqueue_indirect_dma source(%dma_start3A_571 : memref<100000x128xf32, #tpu.memory_space<hbm>>) target(%dma_start3A_565 : memref<128x128xf32, #tpu.memory_space<vmem>>) offsets(%dma_start3A_568 : memref<128xi32, #tpu.memory_space<vmem>>) semaphore(%dma_start3A_573 : memref<!tpu.dma_semaphore, #tpu.memory_space<semaphore_mem>>)
    %dma_wait3A_574 = arith.constant 98 : i32
    %dma_wait3A_575 = arith.constant 0 : i32
    %dma_wait3A_576 = arith.constant 0 : i32
    %dma_wait3A_577 = arith.constant 0 : i32
    %dma_wait3A_578 = arith.constant 0 : i32
    %dma_wait3A_579 = arith.constant 0 : i32
    %dma_wait3A_580 = tpu.memref_slice %arg6[%dma_wait3A_575, %dma_wait3A_576, %dma_wait3A_578, %dma_wait3A_579] : memref<7x1x128x128xf32, #tpu.memory_space<vmem>> -> memref<1x1x128x128xf32, #tpu.memory_space<vmem>>
    %dma_wait3A_581 = tpu.memref_squeeze %dma_wait3A_580 : memref<1x1x128x128xf32, #tpu.memory_space<vmem>> -> memref<128x128xf32, #tpu.memory_space<vmem>>
    %dma_wait3A_582 = arith.constant 0 : i32
    %dma_wait3A_583 = tpu.memref_slice %arg5[%dma_wait3A_574, %dma_wait3A_582] : memref<104x128xi32, #tpu.memory_space<vmem>> -> memref<1x128xi32, #tpu.memory_space<vmem>>
    %dma_wait3A_584 = tpu.memref_squeeze %dma_wait3A_583 : memref<1x128xi32, #tpu.memory_space<vmem>> -> memref<128xi32, #tpu.memory_space<vmem>>
    %dma_wait3A_585 = arith.constant 0 : i32
    %dma_wait3A_586 = arith.constant 0 : i32
    %dma_wait3A_587 = tpu.memref_slice %arg3[%dma_wait3A_585, %dma_wait3A_586] : memref<100000x128xf32, #tpu.memory_space<hbm>> -> memref<100000x128xf32, #tpu.memory_space<hbm>>
    %dma_wait3A_588 = tpu.memref_slice %arg7[%dma_wait3A_577] : memref<7x!tpu.dma_semaphore, #tpu.memory_space<semaphore_mem>> -> memref<1x!tpu.dma_semaphore, #tpu.memory_space<semaphore_mem>>
    %dma_wait3A_589 = tpu.memref_squeeze %dma_wait3A_588 : memref<1x!tpu.dma_semaphore, #tpu.memory_space<semaphore_mem>> -> memref<!tpu.dma_semaphore, #tpu.memory_space<semaphore_mem>>
    tpu.wait_indirect_dma semaphore(%dma_wait3A_589 : memref<!tpu.dma_semaphore, #tpu.memory_space<semaphore_mem>>) src(%dma_wait3A_587 : memref<100000x128xf32, #tpu.memory_space<hbm>>) dst(%dma_wait3A_581 : memref<128x128xf32, #tpu.memory_space<vmem>>)
    %add3A_590 = arith.constant 98 : i32
    %add3A_591 = arith.addi %mul3A_2, %add3A_590 : i32
    %dma_start3A_592 = arith.constant 0 : i32
    %dma_start3A_593 = arith.constant 0 : i32
    %dma_start3A_594 = arith.constant 0 : i32
    %dma_start3A_595 = arith.constant 0 : i32
    %dma_start3A_596 = arith.constant 0 : i32
    %dma_start3A_597 = tpu.memref_slice %arg6[%dma_start3A_592, %dma_start3A_594, %dma_start3A_595, %dma_start3A_596] : memref<7x1x128x128xf32, #tpu.memory_space<vmem>> -> memref<1x1x128x128xf32, #tpu.memory_space<vmem>>
    %dma_start3A_598 = tpu.memref_squeeze %dma_start3A_597 : memref<1x1x128x128xf32, #tpu.memory_space<vmem>> -> memref<1x128x128xf32, #tpu.memory_space<vmem>>
    %dma_start3A_599 = arith.constant 0 : i32
    %dma_start3A_600 = arith.constant 0 : i32
    %dma_start3A_601 = tpu.memref_slice %arg4[%add3A_591, %dma_start3A_599, %dma_start3A_600] : memref<3328x128x128xf32, #tpu.memory_space<hbm>> -> memref<1x128x128xf32, #tpu.memory_space<hbm>>
    %dma_start3A_602 = tpu.memref_slice %arg8[%dma_start3A_593] : memref<7x!tpu.dma_semaphore, #tpu.memory_space<semaphore_mem>> -> memref<1x!tpu.dma_semaphore, #tpu.memory_space<semaphore_mem>>
    %dma_start3A_603 = tpu.memref_squeeze %dma_start3A_602 : memref<1x!tpu.dma_semaphore, #tpu.memory_space<semaphore_mem>> -> memref<!tpu.dma_semaphore, #tpu.memory_space<semaphore_mem>>
    %dma_start3A_604 = arith.constant 0 : i32
    %dma_start3A_605 = arith.constant 0 : i32
    %dma_start3A_606 = tpu.memref_slice %arg4[%add3A_591, %dma_start3A_604, %dma_start3A_605] : memref<3328x128x128xf32, #tpu.memory_space<hbm>> -> memref<1x128x128xf32, #tpu.memory_space<hbm>>
    %dma_start3A_607 = arith.constant 0 : i32
    %dma_start3A_608 = arith.constant 0 : i32
    %dma_start3A_609 = arith.constant 0 : i32
    %dma_start3A_610 = tpu.memref_slice %arg6[%dma_start3A_592, %dma_start3A_607, %dma_start3A_608, %dma_start3A_609] : memref<7x1x128x128xf32, #tpu.memory_space<vmem>> -> memref<1x1x128x128xf32, #tpu.memory_space<vmem>>
    %dma_start3A_611 = tpu.memref_squeeze %dma_start3A_610 : memref<1x1x128x128xf32, #tpu.memory_space<vmem>> -> memref<1x128x128xf32, #tpu.memory_space<vmem>>
    tpu.enqueue_dma source(%dma_start3A_611 : memref<1x128x128xf32, #tpu.memory_space<vmem>>) target(%dma_start3A_606 : memref<1x128x128xf32, #tpu.memory_space<hbm>>) target_semaphore(%dma_start3A_603 : memref<!tpu.dma_semaphore, #tpu.memory_space<semaphore_mem>>)
    %add3A_612 = arith.constant 96 : i32
    %add3A_613 = arith.addi %mul3A_2, %add3A_612 : i32
    %dma_wait3A_614 = arith.constant 5 : i32
    %dma_wait3A_615 = arith.constant 5 : i32
    %dma_wait3A_616 = arith.constant 0 : i32
    %dma_wait3A_617 = arith.constant 0 : i32
    %dma_wait3A_618 = arith.constant 0 : i32
    %dma_wait3A_619 = tpu.memref_slice %arg6[%dma_wait3A_614, %dma_wait3A_616, %dma_wait3A_617, %dma_wait3A_618] : memref<7x1x128x128xf32, #tpu.memory_space<vmem>> -> memref<1x1x128x128xf32, #tpu.memory_space<vmem>>
    %dma_wait3A_620 = tpu.memref_squeeze %dma_wait3A_619 : memref<1x1x128x128xf32, #tpu.memory_space<vmem>> -> memref<1x128x128xf32, #tpu.memory_space<vmem>>
    %dma_wait3A_621 = arith.constant 0 : i32
    %dma_wait3A_622 = arith.constant 0 : i32
    %dma_wait3A_623 = tpu.memref_slice %arg4[%add3A_613, %dma_wait3A_621, %dma_wait3A_622] : memref<3328x128x128xf32, #tpu.memory_space<hbm>> -> memref<1x128x128xf32, #tpu.memory_space<hbm>>
    %dma_wait3A_624 = tpu.memref_slice %arg8[%dma_wait3A_615] : memref<7x!tpu.dma_semaphore, #tpu.memory_space<semaphore_mem>> -> memref<1x!tpu.dma_semaphore, #tpu.memory_space<semaphore_mem>>
    %dma_wait3A_625 = tpu.memref_squeeze %dma_wait3A_624 : memref<1x!tpu.dma_semaphore, #tpu.memory_space<semaphore_mem>> -> memref<!tpu.dma_semaphore, #tpu.memory_space<semaphore_mem>>
    %dma_wait3A_626 = arith.constant 0 : i32
    %dma_wait3A_627 = arith.constant 0 : i32
    %dma_wait3A_628 = tpu.memref_slice %arg4[%add3A_613, %dma_wait3A_626, %dma_wait3A_627] : memref<3328x128x128xf32, #tpu.memory_space<hbm>> -> memref<1x128x128xf32, #tpu.memory_space<hbm>>
    %dma_wait3A_629 = arith.constant 0 : i32
    %dma_wait3A_630 = arith.constant 0 : i32
    %dma_wait3A_631 = arith.constant 0 : i32
    %dma_wait3A_632 = tpu.memref_slice %arg6[%dma_wait3A_614, %dma_wait3A_629, %dma_wait3A_630, %dma_wait3A_631] : memref<7x1x128x128xf32, #tpu.memory_space<vmem>> -> memref<1x1x128x128xf32, #tpu.memory_space<vmem>>
    %dma_wait3A_633 = tpu.memref_squeeze %dma_wait3A_632 : memref<1x1x128x128xf32, #tpu.memory_space<vmem>> -> memref<1x128x128xf32, #tpu.memory_space<vmem>>
    tpu.wait_dma2 semaphore(%dma_wait3A_625 : memref<!tpu.dma_semaphore, #tpu.memory_space<semaphore_mem>>) src(%dma_wait3A_633 : memref<1x128x128xf32, #tpu.memory_space<vmem>>) dst(%dma_wait3A_628 : memref<1x128x128xf32, #tpu.memory_space<hbm>>)
    %dma_start3A_634 = arith.constant 103 : i32
    %dma_start3A_635 = arith.constant 5 : i32
    %dma_start3A_636 = arith.constant 0 : i32
    %dma_start3A_637 = arith.constant 5 : i32
    %dma_start3A_638 = arith.constant 0 : i32
    %dma_start3A_639 = arith.constant 0 : i32
    %dma_start3A_640 = tpu.memref_slice %arg6[%dma_start3A_635, %dma_start3A_636, %dma_start3A_638, %dma_start3A_639] : memref<7x1x128x128xf32, #tpu.memory_space<vmem>> -> memref<1x1x128x128xf32, #tpu.memory_space<vmem>>
    %dma_start3A_641 = tpu.memref_squeeze %dma_start3A_640 : memref<1x1x128x128xf32, #tpu.memory_space<vmem>> -> memref<128x128xf32, #tpu.memory_space<vmem>>
    %dma_start3A_642 = arith.constant 0 : i32
    %dma_start3A_643 = tpu.memref_slice %arg5[%dma_start3A_634, %dma_start3A_642] : memref<104x128xi32, #tpu.memory_space<vmem>> -> memref<1x128xi32, #tpu.memory_space<vmem>>
    %dma_start3A_644 = tpu.memref_squeeze %dma_start3A_643 : memref<1x128xi32, #tpu.memory_space<vmem>> -> memref<128xi32, #tpu.memory_space<vmem>>
    %dma_start3A_645 = arith.constant 0 : i32
    %dma_start3A_646 = arith.constant 0 : i32
    %dma_start3A_647 = tpu.memref_slice %arg3[%dma_start3A_645, %dma_start3A_646] : memref<100000x128xf32, #tpu.memory_space<hbm>> -> memref<100000x128xf32, #tpu.memory_space<hbm>>
    %dma_start3A_648 = tpu.memref_slice %arg7[%dma_start3A_637] : memref<7x!tpu.dma_semaphore, #tpu.memory_space<semaphore_mem>> -> memref<1x!tpu.dma_semaphore, #tpu.memory_space<semaphore_mem>>
    %dma_start3A_649 = tpu.memref_squeeze %dma_start3A_648 : memref<1x!tpu.dma_semaphore, #tpu.memory_space<semaphore_mem>> -> memref<!tpu.dma_semaphore, #tpu.memory_space<semaphore_mem>>
    tpu.enqueue_indirect_dma source(%dma_start3A_647 : memref<100000x128xf32, #tpu.memory_space<hbm>>) target(%dma_start3A_641 : memref<128x128xf32, #tpu.memory_space<vmem>>) offsets(%dma_start3A_644 : memref<128xi32, #tpu.memory_space<vmem>>) semaphore(%dma_start3A_649 : memref<!tpu.dma_semaphore, #tpu.memory_space<semaphore_mem>>)
    %dma_wait3A_650 = arith.constant 99 : i32
    %dma_wait3A_651 = arith.constant 1 : i32
    %dma_wait3A_652 = arith.constant 0 : i32
    %dma_wait3A_653 = arith.constant 1 : i32
    %dma_wait3A_654 = arith.constant 0 : i32
    %dma_wait3A_655 = arith.constant 0 : i32
    %dma_wait3A_656 = tpu.memref_slice %arg6[%dma_wait3A_651, %dma_wait3A_652, %dma_wait3A_654, %dma_wait3A_655] : memref<7x1x128x128xf32, #tpu.memory_space<vmem>> -> memref<1x1x128x128xf32, #tpu.memory_space<vmem>>
    %dma_wait3A_657 = tpu.memref_squeeze %dma_wait3A_656 : memref<1x1x128x128xf32, #tpu.memory_space<vmem>> -> memref<128x128xf32, #tpu.memory_space<vmem>>
    %dma_wait3A_658 = arith.constant 0 : i32
    %dma_wait3A_659 = tpu.memref_slice %arg5[%dma_wait3A_650, %dma_wait3A_658] : memref<104x128xi32, #tpu.memory_space<vmem>> -> memref<1x128xi32, #tpu.memory_space<vmem>>
    %dma_wait3A_660 = tpu.memref_squeeze %dma_wait3A_659 : memref<1x128xi32, #tpu.memory_space<vmem>> -> memref<128xi32, #tpu.memory_space<vmem>>
    %dma_wait3A_661 = arith.constant 0 : i32
    %dma_wait3A_662 = arith.constant 0 : i32
    %dma_wait3A_663 = tpu.memref_slice %arg3[%dma_wait3A_661, %dma_wait3A_662] : memref<100000x128xf32, #tpu.memory_space<hbm>> -> memref<100000x128xf32, #tpu.memory_space<hbm>>
    %dma_wait3A_664 = tpu.memref_slice %arg7[%dma_wait3A_653] : memref<7x!tpu.dma_semaphore, #tpu.memory_space<semaphore_mem>> -> memref<1x!tpu.dma_semaphore, #tpu.memory_space<semaphore_mem>>
    %dma_wait3A_665 = tpu.memref_squeeze %dma_wait3A_664 : memref<1x!tpu.dma_semaphore, #tpu.memory_space<semaphore_mem>> -> memref<!tpu.dma_semaphore, #tpu.memory_space<semaphore_mem>>
    tpu.wait_indirect_dma semaphore(%dma_wait3A_665 : memref<!tpu.dma_semaphore, #tpu.memory_space<semaphore_mem>>) src(%dma_wait3A_663 : memref<100000x128xf32, #tpu.memory_space<hbm>>) dst(%dma_wait3A_657 : memref<128x128xf32, #tpu.memory_space<vmem>>)
    %add3A_666 = arith.constant 99 : i32
    %add3A_667 = arith.addi %mul3A_2, %add3A_666 : i32
    %dma_start3A_668 = arith.constant 1 : i32
    %dma_start3A_669 = arith.constant 1 : i32
    %dma_start3A_670 = arith.constant 0 : i32
    %dma_start3A_671 = arith.constant 0 : i32
    %dma_start3A_672 = arith.constant 0 : i32
    %dma_start3A_673 = tpu.memref_slice %arg6[%dma_start3A_668, %dma_start3A_670, %dma_start3A_671, %dma_start3A_672] : memref<7x1x128x128xf32, #tpu.memory_space<vmem>> -> memref<1x1x128x128xf32, #tpu.memory_space<vmem>>
    %dma_start3A_674 = tpu.memref_squeeze %dma_start3A_673 : memref<1x1x128x128xf32, #tpu.memory_space<vmem>> -> memref<1x128x128xf32, #tpu.memory_space<vmem>>
    %dma_start3A_675 = arith.constant 0 : i32
    %dma_start3A_676 = arith.constant 0 : i32
    %dma_start3A_677 = tpu.memref_slice %arg4[%add3A_667, %dma_start3A_675, %dma_start3A_676] : memref<3328x128x128xf32, #tpu.memory_space<hbm>> -> memref<1x128x128xf32, #tpu.memory_space<hbm>>
    %dma_start3A_678 = tpu.memref_slice %arg8[%dma_start3A_669] : memref<7x!tpu.dma_semaphore, #tpu.memory_space<semaphore_mem>> -> memref<1x!tpu.dma_semaphore, #tpu.memory_space<semaphore_mem>>
    %dma_start3A_679 = tpu.memref_squeeze %dma_start3A_678 : memref<1x!tpu.dma_semaphore, #tpu.memory_space<semaphore_mem>> -> memref<!tpu.dma_semaphore, #tpu.memory_space<semaphore_mem>>
    %dma_start3A_680 = arith.constant 0 : i32
    %dma_start3A_681 = arith.constant 0 : i32
    %dma_start3A_682 = tpu.memref_slice %arg4[%add3A_667, %dma_start3A_680, %dma_start3A_681] : memref<3328x128x128xf32, #tpu.memory_space<hbm>> -> memref<1x128x128xf32, #tpu.memory_space<hbm>>
    %dma_start3A_683 = arith.constant 0 : i32
    %dma_start3A_684 = arith.constant 0 : i32
    %dma_start3A_685 = arith.constant 0 : i32
    %dma_start3A_686 = tpu.memref_slice %arg6[%dma_start3A_668, %dma_start3A_683, %dma_start3A_684, %dma_start3A_685] : memref<7x1x128x128xf32, #tpu.memory_space<vmem>> -> memref<1x1x128x128xf32, #tpu.memory_space<vmem>>
    %dma_start3A_687 = tpu.memref_squeeze %dma_start3A_686 : memref<1x1x128x128xf32, #tpu.memory_space<vmem>> -> memref<1x128x128xf32, #tpu.memory_space<vmem>>
    tpu.enqueue_dma source(%dma_start3A_687 : memref<1x128x128xf32, #tpu.memory_space<vmem>>) target(%dma_start3A_682 : memref<1x128x128xf32, #tpu.memory_space<hbm>>) target_semaphore(%dma_start3A_679 : memref<!tpu.dma_semaphore, #tpu.memory_space<semaphore_mem>>)
    %add3A_688 = arith.constant 97 : i32
    %add3A_689 = arith.addi %mul3A_2, %add3A_688 : i32
    %dma_wait3A_690 = arith.constant 6 : i32
    %dma_wait3A_691 = arith.constant 6 : i32
    %dma_wait3A_692 = arith.constant 0 : i32
    %dma_wait3A_693 = arith.constant 0 : i32
    %dma_wait3A_694 = arith.constant 0 : i32
    %dma_wait3A_695 = tpu.memref_slice %arg6[%dma_wait3A_690, %dma_wait3A_692, %dma_wait3A_693, %dma_wait3A_694] : memref<7x1x128x128xf32, #tpu.memory_space<vmem>> -> memref<1x1x128x128xf32, #tpu.memory_space<vmem>>
    %dma_wait3A_696 = tpu.memref_squeeze %dma_wait3A_695 : memref<1x1x128x128xf32, #tpu.memory_space<vmem>> -> memref<1x128x128xf32, #tpu.memory_space<vmem>>
    %dma_wait3A_697 = arith.constant 0 : i32
    %dma_wait3A_698 = arith.constant 0 : i32
    %dma_wait3A_699 = tpu.memref_slice %arg4[%add3A_689, %dma_wait3A_697, %dma_wait3A_698] : memref<3328x128x128xf32, #tpu.memory_space<hbm>> -> memref<1x128x128xf32, #tpu.memory_space<hbm>>
    %dma_wait3A_700 = tpu.memref_slice %arg8[%dma_wait3A_691] : memref<7x!tpu.dma_semaphore, #tpu.memory_space<semaphore_mem>> -> memref<1x!tpu.dma_semaphore, #tpu.memory_space<semaphore_mem>>
    %dma_wait3A_701 = tpu.memref_squeeze %dma_wait3A_700 : memref<1x!tpu.dma_semaphore, #tpu.memory_space<semaphore_mem>> -> memref<!tpu.dma_semaphore, #tpu.memory_space<semaphore_mem>>
    %dma_wait3A_702 = arith.constant 0 : i32
    %dma_wait3A_703 = arith.constant 0 : i32
    %dma_wait3A_704 = tpu.memref_slice %arg4[%add3A_689, %dma_wait3A_702, %dma_wait3A_703] : memref<3328x128x128xf32, #tpu.memory_space<hbm>> -> memref<1x128x128xf32, #tpu.memory_space<hbm>>
    %dma_wait3A_705 = arith.constant 0 : i32
    %dma_wait3A_706 = arith.constant 0 : i32
    %dma_wait3A_707 = arith.constant 0 : i32
    %dma_wait3A_708 = tpu.memref_slice %arg6[%dma_wait3A_690, %dma_wait3A_705, %dma_wait3A_706, %dma_wait3A_707] : memref<7x1x128x128xf32, #tpu.memory_space<vmem>> -> memref<1x1x128x128xf32, #tpu.memory_space<vmem>>
    %dma_wait3A_709 = tpu.memref_squeeze %dma_wait3A_708 : memref<1x1x128x128xf32, #tpu.memory_space<vmem>> -> memref<1x128x128xf32, #tpu.memory_space<vmem>>
    tpu.wait_dma2 semaphore(%dma_wait3A_701 : memref<!tpu.dma_semaphore, #tpu.memory_space<semaphore_mem>>) src(%dma_wait3A_709 : memref<1x128x128xf32, #tpu.memory_space<vmem>>) dst(%dma_wait3A_704 : memref<1x128x128xf32, #tpu.memory_space<hbm>>)
    %dma_wait3A_710 = arith.constant 100 : i32
    %dma_wait3A_711 = arith.constant 2 : i32
    %dma_wait3A_712 = arith.constant 0 : i32
    %dma_wait3A_713 = arith.constant 2 : i32
    %dma_wait3A_714 = arith.constant 0 : i32
    %dma_wait3A_715 = arith.constant 0 : i32
    %dma_wait3A_716 = tpu.memref_slice %arg6[%dma_wait3A_711, %dma_wait3A_712, %dma_wait3A_714, %dma_wait3A_715] : memref<7x1x128x128xf32, #tpu.memory_space<vmem>> -> memref<1x1x128x128xf32, #tpu.memory_space<vmem>>
    %dma_wait3A_717 = tpu.memref_squeeze %dma_wait3A_716 : memref<1x1x128x128xf32, #tpu.memory_space<vmem>> -> memref<128x128xf32, #tpu.memory_space<vmem>>
    %dma_wait3A_718 = arith.constant 0 : i32
    %dma_wait3A_719 = tpu.memref_slice %arg5[%dma_wait3A_710, %dma_wait3A_718] : memref<104x128xi32, #tpu.memory_space<vmem>> -> memref<1x128xi32, #tpu.memory_space<vmem>>
    %dma_wait3A_720 = tpu.memref_squeeze %dma_wait3A_719 : memref<1x128xi32, #tpu.memory_space<vmem>> -> memref<128xi32, #tpu.memory_space<vmem>>
    %dma_wait3A_721 = arith.constant 0 : i32
    %dma_wait3A_722 = arith.constant 0 : i32
    %dma_wait3A_723 = tpu.memref_slice %arg3[%dma_wait3A_721, %dma_wait3A_722] : memref<100000x128xf32, #tpu.memory_space<hbm>> -> memref<100000x128xf32, #tpu.memory_space<hbm>>
    %dma_wait3A_724 = tpu.memref_slice %arg7[%dma_wait3A_713] : memref<7x!tpu.dma_semaphore, #tpu.memory_space<semaphore_mem>> -> memref<1x!tpu.dma_semaphore, #tpu.memory_space<semaphore_mem>>
    %dma_wait3A_725 = tpu.memref_squeeze %dma_wait3A_724 : memref<1x!tpu.dma_semaphore, #tpu.memory_space<semaphore_mem>> -> memref<!tpu.dma_semaphore, #tpu.memory_space<semaphore_mem>>
    tpu.wait_indirect_dma semaphore(%dma_wait3A_725 : memref<!tpu.dma_semaphore, #tpu.memory_space<semaphore_mem>>) src(%dma_wait3A_723 : memref<100000x128xf32, #tpu.memory_space<hbm>>) dst(%dma_wait3A_717 : memref<128x128xf32, #tpu.memory_space<vmem>>)
    %add3A_726 = arith.constant 100 : i32
    %add3A_727 = arith.addi %mul3A_2, %add3A_726 : i32
    %dma_start3A_728 = arith.constant 2 : i32
    %dma_start3A_729 = arith.constant 2 : i32
    %dma_start3A_730 = arith.constant 0 : i32
    %dma_start3A_731 = arith.constant 0 : i32
    %dma_start3A_732 = arith.constant 0 : i32
    %dma_start3A_733 = tpu.memref_slice %arg6[%dma_start3A_728, %dma_start3A_730, %dma_start3A_731, %dma_start3A_732] : memref<7x1x128x128xf32, #tpu.memory_space<vmem>> -> memref<1x1x128x128xf32, #tpu.memory_space<vmem>>
    %dma_start3A_734 = tpu.memref_squeeze %dma_start3A_733 : memref<1x1x128x128xf32, #tpu.memory_space<vmem>> -> memref<1x128x128xf32, #tpu.memory_space<vmem>>
    %dma_start3A_735 = arith.constant 0 : i32
    %dma_start3A_736 = arith.constant 0 : i32
    %dma_start3A_737 = tpu.memref_slice %arg4[%add3A_727, %dma_start3A_735, %dma_start3A_736] : memref<3328x128x128xf32, #tpu.memory_space<hbm>> -> memref<1x128x128xf32, #tpu.memory_space<hbm>>
    %dma_start3A_738 = tpu.memref_slice %arg8[%dma_start3A_729] : memref<7x!tpu.dma_semaphore, #tpu.memory_space<semaphore_mem>> -> memref<1x!tpu.dma_semaphore, #tpu.memory_space<semaphore_mem>>
    %dma_start3A_739 = tpu.memref_squeeze %dma_start3A_738 : memref<1x!tpu.dma_semaphore, #tpu.memory_space<semaphore_mem>> -> memref<!tpu.dma_semaphore, #tpu.memory_space<semaphore_mem>>
    %dma_start3A_740 = arith.constant 0 : i32
    %dma_start3A_741 = arith.constant 0 : i32
    %dma_start3A_742 = tpu.memref_slice %arg4[%add3A_727, %dma_start3A_740, %dma_start3A_741] : memref<3328x128x128xf32, #tpu.memory_space<hbm>> -> memref<1x128x128xf32, #tpu.memory_space<hbm>>
    %dma_start3A_743 = arith.constant 0 : i32
    %dma_start3A_744 = arith.constant 0 : i32
    %dma_start3A_745 = arith.constant 0 : i32
    %dma_start3A_746 = tpu.memref_slice %arg6[%dma_start3A_728, %dma_start3A_743, %dma_start3A_744, %dma_start3A_745] : memref<7x1x128x128xf32, #tpu.memory_space<vmem>> -> memref<1x1x128x128xf32, #tpu.memory_space<vmem>>
    %dma_start3A_747 = tpu.memref_squeeze %dma_start3A_746 : memref<1x1x128x128xf32, #tpu.memory_space<vmem>> -> memref<1x128x128xf32, #tpu.memory_space<vmem>>
    tpu.enqueue_dma source(%dma_start3A_747 : memref<1x128x128xf32, #tpu.memory_space<vmem>>) target(%dma_start3A_742 : memref<1x128x128xf32, #tpu.memory_space<hbm>>) target_semaphore(%dma_start3A_739 : memref<!tpu.dma_semaphore, #tpu.memory_space<semaphore_mem>>)
    %add3A_748 = arith.constant 98 : i32
    %add3A_749 = arith.addi %mul3A_2, %add3A_748 : i32
    %dma_wait3A_750 = arith.constant 0 : i32
    %dma_wait3A_751 = arith.constant 0 : i32
    %dma_wait3A_752 = arith.constant 0 : i32
    %dma_wait3A_753 = arith.constant 0 : i32
    %dma_wait3A_754 = arith.constant 0 : i32
    %dma_wait3A_755 = tpu.memref_slice %arg6[%dma_wait3A_750, %dma_wait3A_752, %dma_wait3A_753, %dma_wait3A_754] : memref<7x1x128x128xf32, #tpu.memory_space<vmem>> -> memref<1x1x128x128xf32, #tpu.memory_space<vmem>>
    %dma_wait3A_756 = tpu.memref_squeeze %dma_wait3A_755 : memref<1x1x128x128xf32, #tpu.memory_space<vmem>> -> memref<1x128x128xf32, #tpu.memory_space<vmem>>
    %dma_wait3A_757 = arith.constant 0 : i32
    %dma_wait3A_758 = arith.constant 0 : i32
    %dma_wait3A_759 = tpu.memref_slice %arg4[%add3A_749, %dma_wait3A_757, %dma_wait3A_758] : memref<3328x128x128xf32, #tpu.memory_space<hbm>> -> memref<1x128x128xf32, #tpu.memory_space<hbm>>
    %dma_wait3A_760 = tpu.memref_slice %arg8[%dma_wait3A_751] : memref<7x!tpu.dma_semaphore, #tpu.memory_space<semaphore_mem>> -> memref<1x!tpu.dma_semaphore, #tpu.memory_space<semaphore_mem>>
    %dma_wait3A_761 = tpu.memref_squeeze %dma_wait3A_760 : memref<1x!tpu.dma_semaphore, #tpu.memory_space<semaphore_mem>> -> memref<!tpu.dma_semaphore, #tpu.memory_space<semaphore_mem>>
    %dma_wait3A_762 = arith.constant 0 : i32
    %dma_wait3A_763 = arith.constant 0 : i32
    %dma_wait3A_764 = tpu.memref_slice %arg4[%add3A_749, %dma_wait3A_762, %dma_wait3A_763] : memref<3328x128x128xf32, #tpu.memory_space<hbm>> -> memref<1x128x128xf32, #tpu.memory_space<hbm>>
    %dma_wait3A_765 = arith.constant 0 : i32
    %dma_wait3A_766 = arith.constant 0 : i32
    %dma_wait3A_767 = arith.constant 0 : i32
    %dma_wait3A_768 = tpu.memref_slice %arg6[%dma_wait3A_750, %dma_wait3A_765, %dma_wait3A_766, %dma_wait3A_767] : memref<7x1x128x128xf32, #tpu.memory_space<vmem>> -> memref<1x1x128x128xf32, #tpu.memory_space<vmem>>
    %dma_wait3A_769 = tpu.memref_squeeze %dma_wait3A_768 : memref<1x1x128x128xf32, #tpu.memory_space<vmem>> -> memref<1x128x128xf32, #tpu.memory_space<vmem>>
    tpu.wait_dma2 semaphore(%dma_wait3A_761 : memref<!tpu.dma_semaphore, #tpu.memory_space<semaphore_mem>>) src(%dma_wait3A_769 : memref<1x128x128xf32, #tpu.memory_space<vmem>>) dst(%dma_wait3A_764 : memref<1x128x128xf32, #tpu.memory_space<hbm>>)
    %dma_wait3A_770 = arith.constant 101 : i32
    %dma_wait3A_771 = arith.constant 3 : i32
    %dma_wait3A_772 = arith.constant 0 : i32
    %dma_wait3A_773 = arith.constant 3 : i32
    %dma_wait3A_774 = arith.constant 0 : i32
    %dma_wait3A_775 = arith.constant 0 : i32
    %dma_wait3A_776 = tpu.memref_slice %arg6[%dma_wait3A_771, %dma_wait3A_772, %dma_wait3A_774, %dma_wait3A_775] : memref<7x1x128x128xf32, #tpu.memory_space<vmem>> -> memref<1x1x128x128xf32, #tpu.memory_space<vmem>>
    %dma_wait3A_777 = tpu.memref_squeeze %dma_wait3A_776 : memref<1x1x128x128xf32, #tpu.memory_space<vmem>> -> memref<128x128xf32, #tpu.memory_space<vmem>>
    %dma_wait3A_778 = arith.constant 0 : i32
    %dma_wait3A_779 = tpu.memref_slice %arg5[%dma_wait3A_770, %dma_wait3A_778] : memref<104x128xi32, #tpu.memory_space<vmem>> -> memref<1x128xi32, #tpu.memory_space<vmem>>
    %dma_wait3A_780 = tpu.memref_squeeze %dma_wait3A_779 : memref<1x128xi32, #tpu.memory_space<vmem>> -> memref<128xi32, #tpu.memory_space<vmem>>
    %dma_wait3A_781 = arith.constant 0 : i32
    %dma_wait3A_782 = arith.constant 0 : i32
    %dma_wait3A_783 = tpu.memref_slice %arg3[%dma_wait3A_781, %dma_wait3A_782] : memref<100000x128xf32, #tpu.memory_space<hbm>> -> memref<100000x128xf32, #tpu.memory_space<hbm>>
    %dma_wait3A_784 = tpu.memref_slice %arg7[%dma_wait3A_773] : memref<7x!tpu.dma_semaphore, #tpu.memory_space<semaphore_mem>> -> memref<1x!tpu.dma_semaphore, #tpu.memory_space<semaphore_mem>>
    %dma_wait3A_785 = tpu.memref_squeeze %dma_wait3A_784 : memref<1x!tpu.dma_semaphore, #tpu.memory_space<semaphore_mem>> -> memref<!tpu.dma_semaphore, #tpu.memory_space<semaphore_mem>>
    tpu.wait_indirect_dma semaphore(%dma_wait3A_785 : memref<!tpu.dma_semaphore, #tpu.memory_space<semaphore_mem>>) src(%dma_wait3A_783 : memref<100000x128xf32, #tpu.memory_space<hbm>>) dst(%dma_wait3A_777 : memref<128x128xf32, #tpu.memory_space<vmem>>)
    %add3A_786 = arith.constant 101 : i32
    %add3A_787 = arith.addi %mul3A_2, %add3A_786 : i32
    %dma_start3A_788 = arith.constant 3 : i32
    %dma_start3A_789 = arith.constant 3 : i32
    %dma_start3A_790 = arith.constant 0 : i32
    %dma_start3A_791 = arith.constant 0 : i32
    %dma_start3A_792 = arith.constant 0 : i32
    %dma_start3A_793 = tpu.memref_slice %arg6[%dma_start3A_788, %dma_start3A_790, %dma_start3A_791, %dma_start3A_792] : memref<7x1x128x128xf32, #tpu.memory_space<vmem>> -> memref<1x1x128x128xf32, #tpu.memory_space<vmem>>
    %dma_start3A_794 = tpu.memref_squeeze %dma_start3A_793 : memref<1x1x128x128xf32, #tpu.memory_space<vmem>> -> memref<1x128x128xf32, #tpu.memory_space<vmem>>
    %dma_start3A_795 = arith.constant 0 : i32
    %dma_start3A_796 = arith.constant 0 : i32
    %dma_start3A_797 = tpu.memref_slice %arg4[%add3A_787, %dma_start3A_795, %dma_start3A_796] : memref<3328x128x128xf32, #tpu.memory_space<hbm>> -> memref<1x128x128xf32, #tpu.memory_space<hbm>>
    %dma_start3A_798 = tpu.memref_slice %arg8[%dma_start3A_789] : memref<7x!tpu.dma_semaphore, #tpu.memory_space<semaphore_mem>> -> memref<1x!tpu.dma_semaphore, #tpu.memory_space<semaphore_mem>>
    %dma_start3A_799 = tpu.memref_squeeze %dma_start3A_798 : memref<1x!tpu.dma_semaphore, #tpu.memory_space<semaphore_mem>> -> memref<!tpu.dma_semaphore, #tpu.memory_space<semaphore_mem>>
    %dma_start3A_800 = arith.constant 0 : i32
    %dma_start3A_801 = arith.constant 0 : i32
    %dma_start3A_802 = tpu.memref_slice %arg4[%add3A_787, %dma_start3A_800, %dma_start3A_801] : memref<3328x128x128xf32, #tpu.memory_space<hbm>> -> memref<1x128x128xf32, #tpu.memory_space<hbm>>
    %dma_start3A_803 = arith.constant 0 : i32
    %dma_start3A_804 = arith.constant 0 : i32
    %dma_start3A_805 = arith.constant 0 : i32
    %dma_start3A_806 = tpu.memref_slice %arg6[%dma_start3A_788, %dma_start3A_803, %dma_start3A_804, %dma_start3A_805] : memref<7x1x128x128xf32, #tpu.memory_space<vmem>> -> memref<1x1x128x128xf32, #tpu.memory_space<vmem>>
    %dma_start3A_807 = tpu.memref_squeeze %dma_start3A_806 : memref<1x1x128x128xf32, #tpu.memory_space<vmem>> -> memref<1x128x128xf32, #tpu.memory_space<vmem>>
    tpu.enqueue_dma source(%dma_start3A_807 : memref<1x128x128xf32, #tpu.memory_space<vmem>>) target(%dma_start3A_802 : memref<1x128x128xf32, #tpu.memory_space<hbm>>) target_semaphore(%dma_start3A_799 : memref<!tpu.dma_semaphore, #tpu.memory_space<semaphore_mem>>)
    %add3A_808 = arith.constant 99 : i32
    %add3A_809 = arith.addi %mul3A_2, %add3A_808 : i32
    %dma_wait3A_810 = arith.constant 1 : i32
    %dma_wait3A_811 = arith.constant 1 : i32
    %dma_wait3A_812 = arith.constant 0 : i32
    %dma_wait3A_813 = arith.constant 0 : i32
    %dma_wait3A_814 = arith.constant 0 : i32
    %dma_wait3A_815 = tpu.memref_slice %arg6[%dma_wait3A_810, %dma_wait3A_812, %dma_wait3A_813, %dma_wait3A_814] : memref<7x1x128x128xf32, #tpu.memory_space<vmem>> -> memref<1x1x128x128xf32, #tpu.memory_space<vmem>>
    %dma_wait3A_816 = tpu.memref_squeeze %dma_wait3A_815 : memref<1x1x128x128xf32, #tpu.memory_space<vmem>> -> memref<1x128x128xf32, #tpu.memory_space<vmem>>
    %dma_wait3A_817 = arith.constant 0 : i32
    %dma_wait3A_818 = arith.constant 0 : i32
    %dma_wait3A_819 = tpu.memref_slice %arg4[%add3A_809, %dma_wait3A_817, %dma_wait3A_818] : memref<3328x128x128xf32, #tpu.memory_space<hbm>> -> memref<1x128x128xf32, #tpu.memory_space<hbm>>
    %dma_wait3A_820 = tpu.memref_slice %arg8[%dma_wait3A_811] : memref<7x!tpu.dma_semaphore, #tpu.memory_space<semaphore_mem>> -> memref<1x!tpu.dma_semaphore, #tpu.memory_space<semaphore_mem>>
    %dma_wait3A_821 = tpu.memref_squeeze %dma_wait3A_820 : memref<1x!tpu.dma_semaphore, #tpu.memory_space<semaphore_mem>> -> memref<!tpu.dma_semaphore, #tpu.memory_space<semaphore_mem>>
    %dma_wait3A_822 = arith.constant 0 : i32
    %dma_wait3A_823 = arith.constant 0 : i32
    %dma_wait3A_824 = tpu.memref_slice %arg4[%add3A_809, %dma_wait3A_822, %dma_wait3A_823] : memref<3328x128x128xf32, #tpu.memory_space<hbm>> -> memref<1x128x128xf32, #tpu.memory_space<hbm>>
    %dma_wait3A_825 = arith.constant 0 : i32
    %dma_wait3A_826 = arith.constant 0 : i32
    %dma_wait3A_827 = arith.constant 0 : i32
    %dma_wait3A_828 = tpu.memref_slice %arg6[%dma_wait3A_810, %dma_wait3A_825, %dma_wait3A_826, %dma_wait3A_827] : memref<7x1x128x128xf32, #tpu.memory_space<vmem>> -> memref<1x1x128x128xf32, #tpu.memory_space<vmem>>
    %dma_wait3A_829 = tpu.memref_squeeze %dma_wait3A_828 : memref<1x1x128x128xf32, #tpu.memory_space<vmem>> -> memref<1x128x128xf32, #tpu.memory_space<vmem>>
    tpu.wait_dma2 semaphore(%dma_wait3A_821 : memref<!tpu.dma_semaphore, #tpu.memory_space<semaphore_mem>>) src(%dma_wait3A_829 : memref<1x128x128xf32, #tpu.memory_space<vmem>>) dst(%dma_wait3A_824 : memref<1x128x128xf32, #tpu.memory_space<hbm>>)
    %dma_wait3A_830 = arith.constant 102 : i32
    %dma_wait3A_831 = arith.constant 4 : i32
    %dma_wait3A_832 = arith.constant 0 : i32
    %dma_wait3A_833 = arith.constant 4 : i32
    %dma_wait3A_834 = arith.constant 0 : i32
    %dma_wait3A_835 = arith.constant 0 : i32
    %dma_wait3A_836 = tpu.memref_slice %arg6[%dma_wait3A_831, %dma_wait3A_832, %dma_wait3A_834, %dma_wait3A_835] : memref<7x1x128x128xf32, #tpu.memory_space<vmem>> -> memref<1x1x128x128xf32, #tpu.memory_space<vmem>>
    %dma_wait3A_837 = tpu.memref_squeeze %dma_wait3A_836 : memref<1x1x128x128xf32, #tpu.memory_space<vmem>> -> memref<128x128xf32, #tpu.memory_space<vmem>>
    %dma_wait3A_838 = arith.constant 0 : i32
    %dma_wait3A_839 = tpu.memref_slice %arg5[%dma_wait3A_830, %dma_wait3A_838] : memref<104x128xi32, #tpu.memory_space<vmem>> -> memref<1x128xi32, #tpu.memory_space<vmem>>
    %dma_wait3A_840 = tpu.memref_squeeze %dma_wait3A_839 : memref<1x128xi32, #tpu.memory_space<vmem>> -> memref<128xi32, #tpu.memory_space<vmem>>
    %dma_wait3A_841 = arith.constant 0 : i32
    %dma_wait3A_842 = arith.constant 0 : i32
    %dma_wait3A_843 = tpu.memref_slice %arg3[%dma_wait3A_841, %dma_wait3A_842] : memref<100000x128xf32, #tpu.memory_space<hbm>> -> memref<100000x128xf32, #tpu.memory_space<hbm>>
    %dma_wait3A_844 = tpu.memref_slice %arg7[%dma_wait3A_833] : memref<7x!tpu.dma_semaphore, #tpu.memory_space<semaphore_mem>> -> memref<1x!tpu.dma_semaphore, #tpu.memory_space<semaphore_mem>>
    %dma_wait3A_845 = tpu.memref_squeeze %dma_wait3A_844 : memref<1x!tpu.dma_semaphore, #tpu.memory_space<semaphore_mem>> -> memref<!tpu.dma_semaphore, #tpu.memory_space<semaphore_mem>>
    tpu.wait_indirect_dma semaphore(%dma_wait3A_845 : memref<!tpu.dma_semaphore, #tpu.memory_space<semaphore_mem>>) src(%dma_wait3A_843 : memref<100000x128xf32, #tpu.memory_space<hbm>>) dst(%dma_wait3A_837 : memref<128x128xf32, #tpu.memory_space<vmem>>)
    %add3A_846 = arith.constant 102 : i32
    %add3A_847 = arith.addi %mul3A_2, %add3A_846 : i32
    %dma_start3A_848 = arith.constant 4 : i32
    %dma_start3A_849 = arith.constant 4 : i32
    %dma_start3A_850 = arith.constant 0 : i32
    %dma_start3A_851 = arith.constant 0 : i32
    %dma_start3A_852 = arith.constant 0 : i32
    %dma_start3A_853 = tpu.memref_slice %arg6[%dma_start3A_848, %dma_start3A_850, %dma_start3A_851, %dma_start3A_852] : memref<7x1x128x128xf32, #tpu.memory_space<vmem>> -> memref<1x1x128x128xf32, #tpu.memory_space<vmem>>
    %dma_start3A_854 = tpu.memref_squeeze %dma_start3A_853 : memref<1x1x128x128xf32, #tpu.memory_space<vmem>> -> memref<1x128x128xf32, #tpu.memory_space<vmem>>
    %dma_start3A_855 = arith.constant 0 : i32
    %dma_start3A_856 = arith.constant 0 : i32
    %dma_start3A_857 = tpu.memref_slice %arg4[%add3A_847, %dma_start3A_855, %dma_start3A_856] : memref<3328x128x128xf32, #tpu.memory_space<hbm>> -> memref<1x128x128xf32, #tpu.memory_space<hbm>>
    %dma_start3A_858 = tpu.memref_slice %arg8[%dma_start3A_849] : memref<7x!tpu.dma_semaphore, #tpu.memory_space<semaphore_mem>> -> memref<1x!tpu.dma_semaphore, #tpu.memory_space<semaphore_mem>>
    %dma_start3A_859 = tpu.memref_squeeze %dma_start3A_858 : memref<1x!tpu.dma_semaphore, #tpu.memory_space<semaphore_mem>> -> memref<!tpu.dma_semaphore, #tpu.memory_space<semaphore_mem>>
    %dma_start3A_860 = arith.constant 0 : i32
    %dma_start3A_861 = arith.constant 0 : i32
    %dma_start3A_862 = tpu.memref_slice %arg4[%add3A_847, %dma_start3A_860, %dma_start3A_861] : memref<3328x128x128xf32, #tpu.memory_space<hbm>> -> memref<1x128x128xf32, #tpu.memory_space<hbm>>
    %dma_start3A_863 = arith.constant 0 : i32
    %dma_start3A_864 = arith.constant 0 : i32
    %dma_start3A_865 = arith.constant 0 : i32
    %dma_start3A_866 = tpu.memref_slice %arg6[%dma_start3A_848, %dma_start3A_863, %dma_start3A_864, %dma_start3A_865] : memref<7x1x128x128xf32, #tpu.memory_space<vmem>> -> memref<1x1x128x128xf32, #tpu.memory_space<vmem>>
    %dma_start3A_867 = tpu.memref_squeeze %dma_start3A_866 : memref<1x1x128x128xf32, #tpu.memory_space<vmem>> -> memref<1x128x128xf32, #tpu.memory_space<vmem>>
    tpu.enqueue_dma source(%dma_start3A_867 : memref<1x128x128xf32, #tpu.memory_space<vmem>>) target(%dma_start3A_862 : memref<1x128x128xf32, #tpu.memory_space<hbm>>) target_semaphore(%dma_start3A_859 : memref<!tpu.dma_semaphore, #tpu.memory_space<semaphore_mem>>)
    %add3A_868 = arith.constant 100 : i32
    %add3A_869 = arith.addi %mul3A_2, %add3A_868 : i32
    %dma_wait3A_870 = arith.constant 2 : i32
    %dma_wait3A_871 = arith.constant 2 : i32
    %dma_wait3A_872 = arith.constant 0 : i32
    %dma_wait3A_873 = arith.constant 0 : i32
    %dma_wait3A_874 = arith.constant 0 : i32
    %dma_wait3A_875 = tpu.memref_slice %arg6[%dma_wait3A_870, %dma_wait3A_872, %dma_wait3A_873, %dma_wait3A_874] : memref<7x1x128x128xf32, #tpu.memory_space<vmem>> -> memref<1x1x128x128xf32, #tpu.memory_space<vmem>>
    %dma_wait3A_876 = tpu.memref_squeeze %dma_wait3A_875 : memref<1x1x128x128xf32, #tpu.memory_space<vmem>> -> memref<1x128x128xf32, #tpu.memory_space<vmem>>
    %dma_wait3A_877 = arith.constant 0 : i32
    %dma_wait3A_878 = arith.constant 0 : i32
    %dma_wait3A_879 = tpu.memref_slice %arg4[%add3A_869, %dma_wait3A_877, %dma_wait3A_878] : memref<3328x128x128xf32, #tpu.memory_space<hbm>> -> memref<1x128x128xf32, #tpu.memory_space<hbm>>
    %dma_wait3A_880 = tpu.memref_slice %arg8[%dma_wait3A_871] : memref<7x!tpu.dma_semaphore, #tpu.memory_space<semaphore_mem>> -> memref<1x!tpu.dma_semaphore, #tpu.memory_space<semaphore_mem>>
    %dma_wait3A_881 = tpu.memref_squeeze %dma_wait3A_880 : memref<1x!tpu.dma_semaphore, #tpu.memory_space<semaphore_mem>> -> memref<!tpu.dma_semaphore, #tpu.memory_space<semaphore_mem>>
    %dma_wait3A_882 = arith.constant 0 : i32
    %dma_wait3A_883 = arith.constant 0 : i32
    %dma_wait3A_884 = tpu.memref_slice %arg4[%add3A_869, %dma_wait3A_882, %dma_wait3A_883] : memref<3328x128x128xf32, #tpu.memory_space<hbm>> -> memref<1x128x128xf32, #tpu.memory_space<hbm>>
    %dma_wait3A_885 = arith.constant 0 : i32
    %dma_wait3A_886 = arith.constant 0 : i32
    %dma_wait3A_887 = arith.constant 0 : i32
    %dma_wait3A_888 = tpu.memref_slice %arg6[%dma_wait3A_870, %dma_wait3A_885, %dma_wait3A_886, %dma_wait3A_887] : memref<7x1x128x128xf32, #tpu.memory_space<vmem>> -> memref<1x1x128x128xf32, #tpu.memory_space<vmem>>
    %dma_wait3A_889 = tpu.memref_squeeze %dma_wait3A_888 : memref<1x1x128x128xf32, #tpu.memory_space<vmem>> -> memref<1x128x128xf32, #tpu.memory_space<vmem>>
    tpu.wait_dma2 semaphore(%dma_wait3A_881 : memref<!tpu.dma_semaphore, #tpu.memory_space<semaphore_mem>>) src(%dma_wait3A_889 : memref<1x128x128xf32, #tpu.memory_space<vmem>>) dst(%dma_wait3A_884 : memref<1x128x128xf32, #tpu.memory_space<hbm>>)
    %dma_wait3A_890 = arith.constant 103 : i32
    %dma_wait3A_891 = arith.constant 5 : i32
    %dma_wait3A_892 = arith.constant 0 : i32
    %dma_wait3A_893 = arith.constant 5 : i32
    %dma_wait3A_894 = arith.constant 0 : i32
    %dma_wait3A_895 = arith.constant 0 : i32
    %dma_wait3A_896 = tpu.memref_slice %arg6[%dma_wait3A_891, %dma_wait3A_892, %dma_wait3A_894, %dma_wait3A_895] : memref<7x1x128x128xf32, #tpu.memory_space<vmem>> -> memref<1x1x128x128xf32, #tpu.memory_space<vmem>>
    %dma_wait3A_897 = tpu.memref_squeeze %dma_wait3A_896 : memref<1x1x128x128xf32, #tpu.memory_space<vmem>> -> memref<128x128xf32, #tpu.memory_space<vmem>>
    %dma_wait3A_898 = arith.constant 0 : i32
    %dma_wait3A_899 = tpu.memref_slice %arg5[%dma_wait3A_890, %dma_wait3A_898] : memref<104x128xi32, #tpu.memory_space<vmem>> -> memref<1x128xi32, #tpu.memory_space<vmem>>
    %dma_wait3A_900 = tpu.memref_squeeze %dma_wait3A_899 : memref<1x128xi32, #tpu.memory_space<vmem>> -> memref<128xi32, #tpu.memory_space<vmem>>
    %dma_wait3A_901 = arith.constant 0 : i32
    %dma_wait3A_902 = arith.constant 0 : i32
    %dma_wait3A_903 = tpu.memref_slice %arg3[%dma_wait3A_901, %dma_wait3A_902] : memref<100000x128xf32, #tpu.memory_space<hbm>> -> memref<100000x128xf32, #tpu.memory_space<hbm>>
    %dma_wait3A_904 = tpu.memref_slice %arg7[%dma_wait3A_893] : memref<7x!tpu.dma_semaphore, #tpu.memory_space<semaphore_mem>> -> memref<1x!tpu.dma_semaphore, #tpu.memory_space<semaphore_mem>>
    %dma_wait3A_905 = tpu.memref_squeeze %dma_wait3A_904 : memref<1x!tpu.dma_semaphore, #tpu.memory_space<semaphore_mem>> -> memref<!tpu.dma_semaphore, #tpu.memory_space<semaphore_mem>>
    tpu.wait_indirect_dma semaphore(%dma_wait3A_905 : memref<!tpu.dma_semaphore, #tpu.memory_space<semaphore_mem>>) src(%dma_wait3A_903 : memref<100000x128xf32, #tpu.memory_space<hbm>>) dst(%dma_wait3A_897 : memref<128x128xf32, #tpu.memory_space<vmem>>)
    %add3A_906 = arith.constant 103 : i32
    %add3A_907 = arith.addi %mul3A_2, %add3A_906 : i32
    %dma_start3A_908 = arith.constant 5 : i32
    %dma_start3A_909 = arith.constant 5 : i32
    %dma_start3A_910 = arith.constant 0 : i32
    %dma_start3A_911 = arith.constant 0 : i32
    %dma_start3A_912 = arith.constant 0 : i32
    %dma_start3A_913 = tpu.memref_slice %arg6[%dma_start3A_908, %dma_start3A_910, %dma_start3A_911, %dma_start3A_912] : memref<7x1x128x128xf32, #tpu.memory_space<vmem>> -> memref<1x1x128x128xf32, #tpu.memory_space<vmem>>
    %dma_start3A_914 = tpu.memref_squeeze %dma_start3A_913 : memref<1x1x128x128xf32, #tpu.memory_space<vmem>> -> memref<1x128x128xf32, #tpu.memory_space<vmem>>
    %dma_start3A_915 = arith.constant 0 : i32
    %dma_start3A_916 = arith.constant 0 : i32
    %dma_start3A_917 = tpu.memref_slice %arg4[%add3A_907, %dma_start3A_915, %dma_start3A_916] : memref<3328x128x128xf32, #tpu.memory_space<hbm>> -> memref<1x128x128xf32, #tpu.memory_space<hbm>>
    %dma_start3A_918 = tpu.memref_slice %arg8[%dma_start3A_909] : memref<7x!tpu.dma_semaphore, #tpu.memory_space<semaphore_mem>> -> memref<1x!tpu.dma_semaphore, #tpu.memory_space<semaphore_mem>>
    %dma_start3A_919 = tpu.memref_squeeze %dma_start3A_918 : memref<1x!tpu.dma_semaphore, #tpu.memory_space<semaphore_mem>> -> memref<!tpu.dma_semaphore, #tpu.memory_space<semaphore_mem>>
    %dma_start3A_920 = arith.constant 0 : i32
    %dma_start3A_921 = arith.constant 0 : i32
    %dma_start3A_922 = tpu.memref_slice %arg4[%add3A_907, %dma_start3A_920, %dma_start3A_921] : memref<3328x128x128xf32, #tpu.memory_space<hbm>> -> memref<1x128x128xf32, #tpu.memory_space<hbm>>
    %dma_start3A_923 = arith.constant 0 : i32
    %dma_start3A_924 = arith.constant 0 : i32
    %dma_start3A_925 = arith.constant 0 : i32
    %dma_start3A_926 = tpu.memref_slice %arg6[%dma_start3A_908, %dma_start3A_923, %dma_start3A_924, %dma_start3A_925] : memref<7x1x128x128xf32, #tpu.memory_space<vmem>> -> memref<1x1x128x128xf32, #tpu.memory_space<vmem>>
    %dma_start3A_927 = tpu.memref_squeeze %dma_start3A_926 : memref<1x1x128x128xf32, #tpu.memory_space<vmem>> -> memref<1x128x128xf32, #tpu.memory_space<vmem>>
    tpu.enqueue_dma source(%dma_start3A_927 : memref<1x128x128xf32, #tpu.memory_space<vmem>>) target(%dma_start3A_922 : memref<1x128x128xf32, #tpu.memory_space<hbm>>) target_semaphore(%dma_start3A_919 : memref<!tpu.dma_semaphore, #tpu.memory_space<semaphore_mem>>)
    %add3A_928 = arith.constant 101 : i32
    %add3A_929 = arith.addi %mul3A_2, %add3A_928 : i32
    %dma_wait3A_930 = arith.constant 3 : i32
    %dma_wait3A_931 = arith.constant 3 : i32
    %dma_wait3A_932 = arith.constant 0 : i32
    %dma_wait3A_933 = arith.constant 0 : i32
    %dma_wait3A_934 = arith.constant 0 : i32
    %dma_wait3A_935 = tpu.memref_slice %arg6[%dma_wait3A_930, %dma_wait3A_932, %dma_wait3A_933, %dma_wait3A_934] : memref<7x1x128x128xf32, #tpu.memory_space<vmem>> -> memref<1x1x128x128xf32, #tpu.memory_space<vmem>>
    %dma_wait3A_936 = tpu.memref_squeeze %dma_wait3A_935 : memref<1x1x128x128xf32, #tpu.memory_space<vmem>> -> memref<1x128x128xf32, #tpu.memory_space<vmem>>
    %dma_wait3A_937 = arith.constant 0 : i32
    %dma_wait3A_938 = arith.constant 0 : i32
    %dma_wait3A_939 = tpu.memref_slice %arg4[%add3A_929, %dma_wait3A_937, %dma_wait3A_938] : memref<3328x128x128xf32, #tpu.memory_space<hbm>> -> memref<1x128x128xf32, #tpu.memory_space<hbm>>
    %dma_wait3A_940 = tpu.memref_slice %arg8[%dma_wait3A_931] : memref<7x!tpu.dma_semaphore, #tpu.memory_space<semaphore_mem>> -> memref<1x!tpu.dma_semaphore, #tpu.memory_space<semaphore_mem>>
    %dma_wait3A_941 = tpu.memref_squeeze %dma_wait3A_940 : memref<1x!tpu.dma_semaphore, #tpu.memory_space<semaphore_mem>> -> memref<!tpu.dma_semaphore, #tpu.memory_space<semaphore_mem>>
    %dma_wait3A_942 = arith.constant 0 : i32
    %dma_wait3A_943 = arith.constant 0 : i32
    %dma_wait3A_944 = tpu.memref_slice %arg4[%add3A_929, %dma_wait3A_942, %dma_wait3A_943] : memref<3328x128x128xf32, #tpu.memory_space<hbm>> -> memref<1x128x128xf32, #tpu.memory_space<hbm>>
    %dma_wait3A_945 = arith.constant 0 : i32
    %dma_wait3A_946 = arith.constant 0 : i32
    %dma_wait3A_947 = arith.constant 0 : i32
    %dma_wait3A_948 = tpu.memref_slice %arg6[%dma_wait3A_930, %dma_wait3A_945, %dma_wait3A_946, %dma_wait3A_947] : memref<7x1x128x128xf32, #tpu.memory_space<vmem>> -> memref<1x1x128x128xf32, #tpu.memory_space<vmem>>
    %dma_wait3A_949 = tpu.memref_squeeze %dma_wait3A_948 : memref<1x1x128x128xf32, #tpu.memory_space<vmem>> -> memref<1x128x128xf32, #tpu.memory_space<vmem>>
    tpu.wait_dma2 semaphore(%dma_wait3A_941 : memref<!tpu.dma_semaphore, #tpu.memory_space<semaphore_mem>>) src(%dma_wait3A_949 : memref<1x128x128xf32, #tpu.memory_space<vmem>>) dst(%dma_wait3A_944 : memref<1x128x128xf32, #tpu.memory_space<hbm>>)
    %add3A_950 = arith.constant 102 : i32
    %add3A_951 = arith.addi %mul3A_2, %add3A_950 : i32
    %dma_wait3A_952 = arith.constant 4 : i32
    %dma_wait3A_953 = arith.constant 4 : i32
    %dma_wait3A_954 = arith.constant 0 : i32
    %dma_wait3A_955 = arith.constant 0 : i32
    %dma_wait3A_956 = arith.constant 0 : i32
    %dma_wait3A_957 = tpu.memref_slice %arg6[%dma_wait3A_952, %dma_wait3A_954, %dma_wait3A_955, %dma_wait3A_956] : memref<7x1x128x128xf32, #tpu.memory_space<vmem>> -> memref<1x1x128x128xf32, #tpu.memory_space<vmem>>
    %dma_wait3A_958 = tpu.memref_squeeze %dma_wait3A_957 : memref<1x1x128x128xf32, #tpu.memory_space<vmem>> -> memref<1x128x128xf32, #tpu.memory_space<vmem>>
    %dma_wait3A_959 = arith.constant 0 : i32
    %dma_wait3A_960 = arith.constant 0 : i32
    %dma_wait3A_961 = tpu.memref_slice %arg4[%add3A_951, %dma_wait3A_959, %dma_wait3A_960] : memref<3328x128x128xf32, #tpu.memory_space<hbm>> -> memref<1x128x128xf32, #tpu.memory_space<hbm>>
    %dma_wait3A_962 = tpu.memref_slice %arg8[%dma_wait3A_953] : memref<7x!tpu.dma_semaphore, #tpu.memory_space<semaphore_mem>> -> memref<1x!tpu.dma_semaphore, #tpu.memory_space<semaphore_mem>>
    %dma_wait3A_963 = tpu.memref_squeeze %dma_wait3A_962 : memref<1x!tpu.dma_semaphore, #tpu.memory_space<semaphore_mem>> -> memref<!tpu.dma_semaphore, #tpu.memory_space<semaphore_mem>>
    %dma_wait3A_964 = arith.constant 0 : i32
    %dma_wait3A_965 = arith.constant 0 : i32
    %dma_wait3A_966 = tpu.memref_slice %arg4[%add3A_951, %dma_wait3A_964, %dma_wait3A_965] : memref<3328x128x128xf32, #tpu.memory_space<hbm>> -> memref<1x128x128xf32, #tpu.memory_space<hbm>>
    %dma_wait3A_967 = arith.constant 0 : i32
    %dma_wait3A_968 = arith.constant 0 : i32
    %dma_wait3A_969 = arith.constant 0 : i32
    %dma_wait3A_970 = tpu.memref_slice %arg6[%dma_wait3A_952, %dma_wait3A_967, %dma_wait3A_968, %dma_wait3A_969] : memref<7x1x128x128xf32, #tpu.memory_space<vmem>> -> memref<1x1x128x128xf32, #tpu.memory_space<vmem>>
    %dma_wait3A_971 = tpu.memref_squeeze %dma_wait3A_970 : memref<1x1x128x128xf32, #tpu.memory_space<vmem>> -> memref<1x128x128xf32, #tpu.memory_space<vmem>>
    tpu.wait_dma2 semaphore(%dma_wait3A_963 : memref<!tpu.dma_semaphore, #tpu.memory_space<semaphore_mem>>) src(%dma_wait3A_971 : memref<1x128x128xf32, #tpu.memory_space<vmem>>) dst(%dma_wait3A_966 : memref<1x128x128xf32, #tpu.memory_space<hbm>>)
    %add3A_972 = arith.constant 103 : i32
    %add3A_973 = arith.addi %mul3A_2, %add3A_972 : i32
    %dma_wait3A_974 = arith.constant 5 : i32
    %dma_wait3A_975 = arith.constant 5 : i32
    %dma_wait3A_976 = arith.constant 0 : i32
    %dma_wait3A_977 = arith.constant 0 : i32
    %dma_wait3A_978 = arith.constant 0 : i32
    %dma_wait3A_979 = tpu.memref_slice %arg6[%dma_wait3A_974, %dma_wait3A_976, %dma_wait3A_977, %dma_wait3A_978] : memref<7x1x128x128xf32, #tpu.memory_space<vmem>> -> memref<1x1x128x128xf32, #tpu.memory_space<vmem>>
    %dma_wait3A_980 = tpu.memref_squeeze %dma_wait3A_979 : memref<1x1x128x128xf32, #tpu.memory_space<vmem>> -> memref<1x128x128xf32, #tpu.memory_space<vmem>>
    %dma_wait3A_981 = arith.constant 0 : i32
    %dma_wait3A_982 = arith.constant 0 : i32
    %dma_wait3A_983 = tpu.memref_slice %arg4[%add3A_973, %dma_wait3A_981, %dma_wait3A_982] : memref<3328x128x128xf32, #tpu.memory_space<hbm>> -> memref<1x128x128xf32, #tpu.memory_space<hbm>>
    %dma_wait3A_984 = tpu.memref_slice %arg8[%dma_wait3A_975] : memref<7x!tpu.dma_semaphore, #tpu.memory_space<semaphore_mem>> -> memref<1x!tpu.dma_semaphore, #tpu.memory_space<semaphore_mem>>
    %dma_wait3A_985 = tpu.memref_squeeze %dma_wait3A_984 : memref<1x!tpu.dma_semaphore, #tpu.memory_space<semaphore_mem>> -> memref<!tpu.dma_semaphore, #tpu.memory_space<semaphore_mem>>
    %dma_wait3A_986 = arith.constant 0 : i32
    %dma_wait3A_987 = arith.constant 0 : i32
    %dma_wait3A_988 = tpu.memref_slice %arg4[%add3A_973, %dma_wait3A_986, %dma_wait3A_987] : memref<3328x128x128xf32, #tpu.memory_space<hbm>> -> memref<1x128x128xf32, #tpu.memory_space<hbm>>
    %dma_wait3A_989 = arith.constant 0 : i32
    %dma_wait3A_990 = arith.constant 0 : i32
    %dma_wait3A_991 = arith.constant 0 : i32
    %dma_wait3A_992 = tpu.memref_slice %arg6[%dma_wait3A_974, %dma_wait3A_989, %dma_wait3A_990, %dma_wait3A_991] : memref<7x1x128x128xf32, #tpu.memory_space<vmem>> -> memref<1x1x128x128xf32, #tpu.memory_space<vmem>>
    %dma_wait3A_993 = tpu.memref_squeeze %dma_wait3A_992 : memref<1x1x128x128xf32, #tpu.memory_space<vmem>> -> memref<1x128x128xf32, #tpu.memory_space<vmem>>
    tpu.wait_dma2 semaphore(%dma_wait3A_985 : memref<!tpu.dma_semaphore, #tpu.memory_space<semaphore_mem>>) src(%dma_wait3A_993 : memref<1x128x128xf32, #tpu.memory_space<vmem>>) dst(%dma_wait3A_988 : memref<1x128x128xf32, #tpu.memory_space<hbm>>)
    return
  }
}

</mosaic_0001>

<sc_bundles>
// kernel: _sc_gather.3.cloned.1.call-start
scs
__scs_entry_jumppad:
0x0: {  	(pc) =	sbr.rel $0x88, $3  }
0x1: {  	(tag) =	ssettag $0x0;
	lr =	simm.s32 $0x1  }
0x2: {  	[smem:$0x3F9F] =	sst lr;
	_ =	strace $0xD0000000  }
0x3: {  	_ = 	snop  }
0x4: {  	_ = 	snop  }
0x5: {  	_ = 	snop  }
0x6: {  	_ = 	snop  }
0x7: {  	_ = 	snop  }
__scs_overlays_trampoline_lowered:
0x8: {  	[smem:$0x3FAE] =	sst s0  }
0x9: {  	[smem:$0x3FAF] =	sst s1  }
0xa: {  	[smem:$0x3FB0] =	sst s2  }
0xb: {  	[smem:$0x3FB1] =	sst s3  }
0xc: {  	[smem:$0x3FB2] =	sst s4  }
0xd: {  	[smem:$0x3FB3] =	sst s5  }
0xe: {  	[smem:$0x3FB4] =	sst s6  }
0xf: {  	[smem:$0x3FB5] =	sst s7  }
0x10: {  	[smem:$0x3FB6] =	sst s8  }
0x11: {  	[smem:$0x3FB7] =	sst s9;
	s0 =	simm.s32 @!p0 $0x0  }
0x12: {  	s1 =	sld [smem:$0x3F9D];
	s0 =	simm.s32 @p0 $0x1  }
0x13: {  	[smem:$0x3FB8] =	sst s0;
	s0 =	simm.s32 @!p1 $0x0  }
0x14: {  	s2 =	sld [smem:$0x3F9C];
	s0 =	simm.s32 @p1 $0x1  }
0x15: {  	[smem:$0x3FB9] =	sst s0;
	s0 =	simm.s32 @!p2 $0x0  }
0x16: {  	s3 =	sld [smem:$0x3FDB];
	s0 =	simm.s32 @p2 $0x1  }
0x17: {  	s4 =	simm.s32 $0x1BF5;
	[smem:$0x3FBB] =	sst s0  }
0x18: {  	s0 =	sld [smem:$0x3F9E];
	_ =	swait.ge [sflag:s4], $0x0  }
0x19: {  	s7 =	sld [smem:$0x3F9F]  }
0x1a: {  	s8 =	sadd.s32 $0xFFFFE003, lr  }
0x1b: {  	s9 =	sadd.s32 $0xFFFFFEF7, lr;
	s5 =	simm.s32 $0xFFFFFFFF;
	p2 =	slt.u32 s8, $0xFFFFF086  }
0x1c: {  	p1 =	slt.u32 s9, $0xF7A;
	s5 =	simm.s32 @!p2 $0x0  }
0x1d: {  	s5 =	simm.s32 @p1 $0x1;
	p0 =	seq.s32 s7, s2  }
0x1e: {  	s7 =	smul.u32 @!p0 $0xF7A, s2;
	p2 =	seq.s32 @!p0 s5, $0x0  }
0x1f: {  	s9 =	smul.u32 $0xF7A, s1;
	s8 =	simm.s32 @!p0 $0x1BF5;
	p2 =	por !p2, p0  }
0x20: {  	[sflag:s8] =	ssyncset.s32 @!p0 $0xFFFFF086;
	s6 =	sadd.s32 @!p0 s3, s7;
	s7 =	simm.s32 @!p0 $0x108  }
0x21: {  	s3 =	sadd.s32 s3, s9;
	s6 =	sadd.s32 @!p0 $0x88, s6;
	s7 =	simm.s32 @p2 $0x1082  }
0x22: {  	[simem:s7], [sflag:s8] =	dma.local @!p0 [hbm:s6], $0xF7A  }
0x23: {  	s9 =	sor.u32 $0xD0000000, s2;
	s6 =	simm.s32 $0x108;
	_ =	swait.ge @!p0 [sflag:s8], $0x0  }
0x24: {  	s3 =	sadd.s32 $0x88, s3;
	s6 =	simm.s32 @!p1 $0x1082;
	[sflag:s4] =	ssyncset.s32 $0xFFFFF086  }
0x25: {  	[simem:s6], [sflag:s4] =	dma.local [hbm:s3], $0xF7A  }
0x26: {  	[smem:$0x3F9F] =	sst s1;
	(tag) =	ssettag s2;
	_ =	strace s9  }
0x27: {  	s1 =	sld [smem:$0x3FAF]  }
0x28: {  	s2 =	sld [smem:$0x3FB0]  }
0x29: {  	s4 =	sld [smem:$0x3FB2]  }
0x2a: {  	p0 =	seq.s32 s5, $0x0;
	s5 =	sld [smem:$0x3FB3]  }
0x2b: {  	s6 =	sld [smem:$0x3FB4]  }
0x2c: {  	s7 =	sld [smem:$0x3FB5]  }
0x2d: {  	s3 =	simm.s32 $0x108;
	s8 =	sld [smem:$0x3FB6]  }
0x2e: {  	s3 =	simm.s32 @!p0 $0x1082;
	s9 =	sld [smem:$0x3FB7]  }
0x2f: {  	lr =	sadd.s32 s0, s3;
	s0 =	sld [smem:$0x3FAE]  }
0x30: {  	s3 =	sld [smem:$0x3FB1]  }
0x31: {  	[smem:$0x3FBA] =	sst s10  }
0x32: {  	s10 =	sld [smem:$0x3FB8];
	_ =	sdelay $0x3  }
0x33: {  	p0 =	seq.s32 s10, $0x1;
	s10 =	sld [smem:$0x3FBA];
	_ =	sdelay $0x3  }
0x34: {  	[smem:$0x3FBA] =	sst s10  }
0x35: {  	s10 =	sld [smem:$0x3FB9];
	_ =	sdelay $0x3  }
0x36: {  	p1 =	seq.s32 s10, $0x1;
	s10 =	sld [smem:$0x3FBA];
	_ =	sdelay $0x3  }
0x37: {  	[smem:$0x3FBA] =	sst s10  }
0x38: {  	s10 =	sld [smem:$0x3FBB]  }
0x39: {  	_ = 	snop;
	(pc) =	sbr.ind lr, $3  }
0x3a: {  	_ = 	snop  }
0x3b: {  	_ = 	snop  }
0x3c: {  	p2 =	seq.s32 s10, $0x1;
	s10 =	sld [smem:$0x3FBA]  }
0x3d: {  	_ =	shalt  }
0x3e: {  	_ =	shalt  }
0x3f: {  	_ =	shalt  }
0x40: {  	_ =	shalt  }
0x41: {  	_ =	shalt  }
0x42: {  	_ =	shalt  }
0x43: {  	_ =	shalt  }
0x44: {  	_ =	shalt  }
0x45: {  	_ =	shalt  }
0x46: {  	_ =	shalt  }
0x47: {  	_ =	shalt  }
0x48: {  	_ =	shalt  }
0x49: {  	_ =	shalt  }
0x4a: {  	_ =	shalt  }
0x4b: {  	_ =	shalt  }
0x4c: {  	_ =	shalt  }
0x4d: {  	_ =	shalt  }
0x4e: {  	_ =	shalt  }
0x4f: {  	_ =	shalt  }
0x50: {  	_ =	shalt  }
0x51: {  	_ =	shalt  }
0x52: {  	_ =	shalt  }
0x53: {  	_ =	shalt  }
0x54: {  	_ =	shalt  }
0x55: {  	_ =	shalt  }
0x56: {  	_ =	shalt  }
0x57: {  	_ =	shalt  }
0x58: {  	_ =	shalt  }
0x59: {  	_ =	shalt  }
0x5a: {  	_ =	shalt  }
0x5b: {  	_ =	shalt  }
0x5c: {  	_ =	shalt  }
0x5d: {  	_ =	shalt  }
0x5e: {  	_ =	shalt  }
0x5f: {  	_ =	shalt  }
0x60: {  	_ =	shalt  }
0x61: {  	_ =	shalt  }
0x62: {  	_ =	shalt  }
0x63: {  	_ =	shalt  }
0x64: {  	_ =	shalt  }
0x65: {  	_ =	shalt  }
0x66: {  	_ =	shalt  }
0x67: {  	_ =	shalt  }
0x68: {  	_ =	shalt  }
0x69: {  	_ =	shalt  }
0x6a: {  	_ =	shalt  }
0x6b: {  	_ =	shalt  }
0x6c: {  	_ =	shalt  }
0x6d: {  	_ =	shalt  }
0x6e: {  	_ =	shalt  }
0x6f: {  	_ =	shalt  }
0x70: {  	_ =	shalt  }
0x71: {  	_ =	shalt  }
0x72: {  	_ =	shalt  }
0x73: {  	_ =	shalt  }
0x74: {  	_ =	shalt  }
0x75: {  	_ =	shalt  }
0x76: {  	_ =	shalt  }
0x77: {  	_ =	shalt  }
0x78: {  	_ =	shalt  }
0x79: {  	_ =	shalt  }
0x7a: {  	_ =	shalt  }
0x7b: {  	_ =	shalt  }
0x7c: {  	_ =	shalt  }
0x7d: {  	_ =	shalt  }
0x7e: {  	_ =	shalt  }
0x7f: {  	_ =	shalt  }
0x80: {  	_ =	shalt  }
0x81: {  	_ =	shalt  }
0x82: {  	_ =	shalt  }
0x83: {  	_ =	shalt  }
0x84: {  	_ =	shalt  }
0x85: {  	_ =	shalt  }
0x86: {  	_ =	shalt  }
0x87: {  	_ =	shalt  }
.Lfunc_end0:
.L_simem_size_0:
called_computation_lowered:
.L_overlay_start_0:
0x88: {  	s2 =	sld [smem:$0x3FD9]  }
0x89: {  	s3 =	sld [smem:$0x3FFE];
	_ =	sdelay $0x1  }
0x8a: {  	s1 =	srdreg.scid  }
0x8b: {  	s0 =	sand.u32 $0x1, s1  }
0x8c: {  	s18 =	sshll.u32 s0, $0xA;
	s2 =	sadd.s32 s3, s2  }
0x8d: {  	s2 =	sadd.s32 s2, s18  }
0x8e: {  	[smem:$0x3FC6] =	sst s2  }
0x8f: {  	_ = 	snop  }
0x90: {  	s2 =	sld [smem:$0x3FC9]  }
0x91: {  	s19 =	sld [smem:$0x3FC8]  }
0x92: {  	s4 =	sld [smem:$0x3FD0];
	(tm) =	ssettm $0x1  }
0x93: {  	s5 =	sld [smem:$0x3FFB];
	_ =	sdelay $0x3  }
0x94: {  	_ =	strace s5  }
0x95: {  	s5 =	sld [smem:$0x3FFC];
	_ =	sdelay $0x3  }
0x96: {  	_ =	strace s5  }
0x97: {  	s5 =	sld [smem:$0x3FFD];
	_ =	sdelay $0x3  }
0x98: {  	_ =	strace s5  }
0x99: {  	_ =	strace $0x8FFFFFFF  }
0x9a: {  	s20 =	sld [smem:$0x3FDB];
	_ =	sdelay $0x1  }
0x9b: {  	s6 =	simm.s32 $_scs_section_size  }
0x9c: {  	s7 =	simm.s32 $_size__tile_overlayer_lowered;
	s8 =	simm.s32 $_tile_overlayer_lowered  }
0x9d: {  	s23 =	simm.s32 $0x1BFF;
	s22 =	sshll.u32 s8, $0x1;
	s5 =	sadd.s32 s6, s20  }
0x9e: {  	s9 =	simm.s32 $0x0;
	s21 =	sshll.u32 s7, $0x1;
	s7 =	sadd.s32 s22, s5  }
0x9f: {  	[timem:s9], [sflag:s23] =	dma.local [hbm:s7], s21  }
0xa0: {  	_ =	swait.ge [sflag:s23], s21  }
0xa1: {  	s6 =	ssub.s32 $0x0, s21;
	[sflag:s23] =	ssyncset.done $0x0  }
0xa2: {  	[sflag:s23] =	ssyncadd.s32 s6;
	_ =	sdelay $0x1  }
0xa3: {  	s24 =	simm.s32 $0x1B8B  }
0xa4: {  	_ =	swait.ge [sflag:s24], $0x1  }
0xa5: {  	[sflag:s24] =	ssyncset.done $0x0  }
0xa6: {  	s25 =	simm.s32 $0x1B8E;
	[sflag:s24] =	ssyncadd.s32 $0xFFFFFFFF  }
0xa7: {  	s26 =	simm.s32 $execute0_lowered;
	[smem:$0x3FD2] =	sst s25  }
0xa8: {  	s6 =	sshll.u32 s26, $0x1;
	_ =	strace $0x80000046;
	[dreg:$0x1] =	wrdreg $0xFFFFFFFF  }
0xa9: {  	s28 =	simm.s32 $_size_execute0_lowered;
	s5 =	sadd.s32 s5, s6;
	[dreg:$0x0] =	wrdreg $0x0  }
0xaa: {  	s6 =	sshll.u32 s28, $0x1;
	[dreg:$0x2] =	wrdreg s5  }
0xab: {  	[dreg:$0x3] =	wrdreg s6  }
0xac: {  	[dreg:$0x4] =	wrdreg $0xC0  }
0xad: {  	_ =	task [dreg:s9], $0x5FFFF  }
0xae: {  	[dreg:$0x1] =	wrdreg $0xFFFFFFFF  }
0xaf: {  	[dreg:$0x0] =	wrdreg $0x60  }
0xb0: {  	[dreg:$0x2] =	wrdreg s2  }
0xb1: {  	[dreg:$0x3] =	wrdreg s19  }
0xb2: {  	[dreg:$0x4] =	wrdreg s4  }
0xb3: {  	[dreg:$0x5] =	wrdreg $0x9  }
0xb4: {  	_ =	task.clear_ibuf [dreg:s9], $0x6FFFF;
	_ =	strace $0x90000046  }
0xb5: {  	s29 =	simm.s32 $0x9;
	_ =	strace $0x80000048  }
0xb6: {  	_ =	swait.ge [sflag:s29], $0x1  }
0xb7: {  	[sflag:s29] =	ssyncadd.s32 $0xFFFFFFFF  }
0xb8: {  	_ =	strace $0x90000048  }
0xb9: {  	_ =	sfence  }
0xba: {  	s30 =	sld [smem:$0x0];
	_ =	sdelay $0x2  }
0xbb: {  	s31 =	sshll.u32 s1, $0xD;
	s1 =	sshrl.u32 s1, $0x2  }
0xbc: {  	s3 =	sand.u32 $0x4000, s31;
	s1 =	sadd.s32 s1, s30  }
0xbd: {  	s0 =	sor.u32 s3, s0;
	s1 =	sshll.u32 s1, $0x11  }
0xbe: {  	s0 =	sor.u32 s1, s0  }
0xbf: {  	s0 =	sadd.s32 $0x8F2B, s0  }
0xc0: {  	[sflag:s0] =	ssyncadd.remote.s32 $0x1  }
0xc1: {  	_ =	sfence.sel $0xFFFF  }
0xc2: {  	[dreg:$0x0] =	wrdreg $0xFFFFFFFF;
	(pc) =	sbr.abs _section_cstart, $3  }
0xc3: {  	[dreg:$0x1] =	wrdreg $0xFFFFFFFF  }
0xc4: {  	_ =	task.clear_ibuf [dreg:s9], $0x2FFFF;
	_ =	strace $0x9FFFFFFF  }
0xc5: {  	(tm) =	ssettm $0x7FFFFFFF  }
tec
execute0_lowered:
.L_overlay_start_1:
0x0: {  	(tag) =	ssettag $0x1  }
0x1: {  	s0 =	rddreg [dreg:$0x0]  }
0x2: {  	s1 =	srdreg.scid;
	s2 =	rddreg [dreg:$0x1]  }
0x3: {  	s9 =	stileid.u32;
	s10 =	rddreg [dreg:$0x2];
	s4 =	simm.s32 $0x0  }
0x4: {  	s29 =	simm.s32 $0xF400;
	s1 =	sand.u32 $0x1, s1;
	s3 =	sshll.u32 s9, $0x1  }
0x5: {  	s31 =	simm.s32 $0x13400;
	s15 =	smul.u32 $0xD0, s9;
	s3 =	sor.u32 s1, s3  }
0x6: {  	s28 =	simm.s32 $0x2;
	s30 =	simm.s32 $0x3;
	s5 =	smul.u32 $0x680, s3  }
0x7: {  	s11 =	simm.s32 $0x6;
	s12 =	simm.s32 $0xB;
	s7 =	smul.u32 $0x1A0000, s3  }
0x8: {  	[smem:$0x7FF] =	sst s4;
	s6 =	ssub.s32 $0x2, s1;
	s3 =	smul.u32 $0x34000, s3  }
0x9: {  	_ =	strace $0x80000047;
	s8 =	sshrl.u32 s6, $0x1;
	s0 =	sadd.s32 s0, s5  }
0xa: {  	s6 =	ssub.s32 s6, s8;
	s3 =	sadd.s32 s10, s3;
	[dreg:$0x5] =	wrdreg s0  }
0xb: {  	s7 =	sshrl.u32 s7, $0x3;
	s25 =	smax.u32 s6, $0x1;
	[dreg:$0x6] =	wrdreg s3  }
0xc: {  	s13 =	sadd.s32 s10, s7;
	s3 =	sadd.s32 $0x800, s3;
	[dreg:$0x13] =	wrdreg s25  }
0xd: {  	s1 =	smul.u32 $0x68, s1;
	[dreg:$0x7] =	wrdreg s3;
	s14 =	sadd.s32 $0x2E800, s13  }
0xe: {  	s9 =	simm.s32 $0x5;
	s16 =	sadd.s32 $0x2F000, s13;
	[dreg:$0x8] =	wrdreg s14  }
0xf: {  	s1 =	sadd.s32 s1, s15;
	s17 =	sadd.s32 $0x2F800, s13;
	[dreg:$0x9] =	wrdreg s16  }
0x10: {  	s8 =	simm.s32 $0x9;
	s18 =	sadd.s32 $0x30000, s13;
	[dreg:$0xa] =	wrdreg s17  }
0x11: {  	s15 =	simm.s32 $0xE;
	s19 =	sadd.s32 $0x30800, s13;
	[dreg:$0xb] =	wrdreg s18  }
0x12: {  	s5 =	simm.s32 $0x8;
	s20 =	sadd.s32 $0x31000, s13;
	[dreg:$0xc] =	wrdreg s19  }
0x13: {  	s6 =	simm.s32 $0xD;
	s21 =	sadd.s32 $0x31800, s13;
	[dreg:$0xd] =	wrdreg s20  }
0x14: {  	s25 =	simm.s32 $0x17400;
	s22 =	sadd.s32 $0x32000, s13;
	[dreg:$0xe] =	wrdreg s21  }
0x15: {  	s7 =	simm.s32 $0x4;
	s23 =	sadd.s32 $0x32800, s13;
	[dreg:$0xf] =	wrdreg s22  }
0x16: {  	s10 =	simm.s32 $0xA;
	s24 =	sadd.s32 $0x33000, s13;
	[dreg:$0x10] =	wrdreg s23  }
0x17: {  	s0 =	sadd.s32 $0x33800, s13;
	s13 =	simm.s32 $0x7;
	[dreg:$0x11] =	wrdreg s24  }
0x18: {  	s18 =	sshll.u32 s1, $0xB;
	[dreg:$0x12] =	wrdreg s0;
	s22 =	simm.s32 $0x80  }
0x19: {  	s23 =	simm.s32 $0x3400;
	s24 =	simm.s32 $0x7400;
	s1 =	simm.s32 $0x1  }
0x1a: {  	s0 =	simm.s32 $0x1B400;
	s14 =	simm.s32 $0xC;
	s26 =	sadd.s32 $0x4000, s18  }
0x1b: {  	s16 =	simm.s32 $0x0;
	[dreg:$0x4] =	wrdreg s26;
	s26 =	simm.s32 $0xB400  }
.LBB2_1:
0x1c: {  	s3 =	rddreg [dreg:$0x5];
	s21 =	simm.s32 $0xF  }
0x1d: {  	[tilespmem:s4], [sflag:$0xF] =	stream.linear.gather [hbm4b:s3+s4], $0x3400, $0x38;
	[tilespmem:$0x1F400] =	vst v63  }
0x1e: {  	_ =	swait.ge [sflag:s21], $0x3400  }
0x1f: {  	[sflag:s21] =	ssyncset.done $0x0  }
0x20: {  	[sflag:s21] =	ssyncadd.s32 $0xFFFFCC00  }
0x21: {  	[tilespmem:s23], [sflag:$0x1] =	stream.indirect.gather [hbm4b:s2+s22], $0x80, s4, s22, $0xb8;
	[tilespmem:$0x1F400] =	vst v63  }
0x22: {  	_ = 	snop  }
0x23: {  	[tilespmem:s24], [sflag:$0x2] =	stream.indirect.gather [hbm4b:s2+s22], $0x80, s22, s22, $0xb8;
	[tilespmem:$0x1F400] =	vst v63  }
0x24: {  	s17 =	simm.s32 $0x100  }
0x25: {  	[tilespmem:s26], [sflag:$0x3] =	stream.indirect.gather [hbm4b:s2+s22], $0x80, s17, s22, $0xb8;
	[tilespmem:$0x1F400] =	vst v63  }
0x26: {  	s19 =	simm.s32 $0x180  }
0x27: {  	[tilespmem:s29], [sflag:$0x4] =	stream.indirect.gather [hbm4b:s2+s22], $0x80, s19, s22, $0xb8;
	[tilespmem:$0x1F400] =	vst v63  }
0x28: {  	s20 =	simm.s32 $0x200  }
0x29: {  	[tilespmem:s31], [sflag:$0x5] =	stream.indirect.gather [hbm4b:s2+s22], $0x80, s20, s22, $0xb8;
	[tilespmem:$0x1F400] =	vst v63  }
0x2a: {  	_ =	swait.ge [sflag:s1], $0x4000  }
0x2b: {  	[sflag:s1] =	ssyncset.done $0x0  }
0x2c: {  	s21 =	rddreg [dreg:$0x6];
	[sflag:s1] =	ssyncadd.s32 $0xFFFFC000  }
0x2d: {  	[hbm4b:s21+s4] =	stream.linear.scatter [tilespmem:s23], [sflag:$0x8], $0x4000, $0x38;
	[tilespmem:$0x1F400] =	vst v63  }
0x2e: {  	s17 =	simm.s32 $0x280  }
0x2f: {  	[tilespmem:s25], [sflag:$0x6] =	stream.indirect.gather [hbm4b:s2+s22], $0x80, s17, s22, $0xb8;
	[tilespmem:$0x1F400] =	vst v63  }
0x30: {  	_ =	swait.ge [sflag:s28], $0x4000  }
0x31: {  	[sflag:s28] =	ssyncset.done $0x0  }
0x32: {  	s19 =	rddreg [dreg:$0x7];
	[sflag:s28] =	ssyncadd.s32 $0xFFFFC000  }
0x33: {  	[hbm4b:s19+s4] =	stream.linear.scatter [tilespmem:s24], [sflag:$0x9], $0x4000, $0x38;
	[tilespmem:$0x1F400] =	vst v63  }
0x34: {  	s20 =	simm.s32 $0x300  }
0x35: {  	[tilespmem:s0], [sflag:$0x7] =	stream.indirect.gather [hbm4b:s2+s22], $0x80, s20, s22, $0xb8;
	[tilespmem:$0x1F400] =	vst v63  }
0x36: {  	_ =	swait.ge [sflag:s30], $0x4000  }
0x37: {  	[sflag:s30] =	ssyncset.done $0x0  }
0x38: {  	s19 =	rddreg [dreg:$0x2]  }
0x39: {  	s3 =	sadd.s32 s19, s18  }
0x3a: {  	[sflag:s30] =	ssyncadd.s32 $0xFFFFC000;
	s17 =	sadd.s32 $0x1000, s3  }
0x3b: {  	[hbm4b:s17+s4] =	stream.linear.scatter [tilespmem:s26], [sflag:$0xA], $0x4000, $0x38;
	[tilespmem:$0x1F400] =	vst v63  }
0x3c: {  	_ =	swait.ge [sflag:s5], $0x4000  }
0x3d: {  	[sflag:s5] =	ssyncset.done $0x0  }
0x3e: {  	s21 =	simm.s32 $0x380;
	[sflag:s5] =	ssyncadd.s32 $0xFFFFC000  }
0x3f: {  	[tilespmem:s23], [sflag:$0x1] =	stream.indirect.gather [hbm4b:s2+s22], $0x80, s21, s22, $0xb8;
	[tilespmem:$0x1F400] =	vst v63  }
0x40: {  	_ =	swait.ge [sflag:s7], $0x4000  }
0x41: {  	[sflag:s7] =	ssyncset.done $0x0  }
0x42: {  	s20 =	sadd.s32 $0x1800, s3;
	[sflag:s7] =	ssyncadd.s32 $0xFFFFC000  }
0x43: {  	[hbm4b:s20+s4] =	stream.linear.scatter [tilespmem:s29], [sflag:$0xB], $0x4000, $0x38;
	[tilespmem:$0x1F400] =	vst v63  }
0x44: {  	_ =	swait.ge [sflag:s8], $0x4000  }
0x45: {  	[sflag:s8] =	ssyncset.done $0x0  }
0x46: {  	s21 =	simm.s32 $0x400;
	[sflag:s8] =	ssyncadd.s32 $0xFFFFC000  }
0x47: {  	[tilespmem:s24], [sflag:$0x2] =	stream.indirect.gather [hbm4b:s2+s22], $0x80, s21, s22, $0xb8;
	[tilespmem:$0x1F400] =	vst v63  }
0x48: {  	_ =	swait.ge [sflag:s9], $0x4000  }
0x49: {  	[sflag:s9] =	ssyncset.done $0x0  }
0x4a: {  	s20 =	sadd.s32 $0x2000, s3;
	[sflag:s9] =	ssyncadd.s32 $0xFFFFC000  }
0x4b: {  	[hbm4b:s20+s4] =	stream.linear.scatter [tilespmem:s31], [sflag:$0xC], $0x4000, $0x38;
	[tilespmem:$0x1F400] =	vst v63  }
0x4c: {  	_ =	swait.ge [sflag:s10], $0x4000  }
0x4d: {  	[sflag:s10] =	ssyncset.done $0x0  }
0x4e: {  	s21 =	simm.s32 $0x480;
	[sflag:s10] =	ssyncadd.s32 $0xFFFFC000  }
0x4f: {  	[tilespmem:s26], [sflag:$0x3] =	stream.indirect.gather [hbm4b:s2+s22], $0x80, s21, s22, $0xb8;
	[tilespmem:$0x1F400] =	vst v63  }
0x50: {  	_ =	swait.ge [sflag:s11], $0x4000  }
0x51: {  	[sflag:s11] =	ssyncset.done $0x0  }
0x52: {  	s20 =	sadd.s32 $0x2800, s3;
	[sflag:s11] =	ssyncadd.s32 $0xFFFFC000  }
0x53: {  	[hbm4b:s20+s4] =	stream.linear.scatter [tilespmem:s25], [sflag:$0xD], $0x4000, $0x38;
	[tilespmem:$0x1F400] =	vst v63  }
0x54: {  	_ =	swait.ge [sflag:s12], $0x4000  }
0x55: {  	[sflag:s12] =	ssyncset.done $0x0  }
0x56: {  	s21 =	simm.s32 $0x500;
	[sflag:s12] =	ssyncadd.s32 $0xFFFFC000  }
0x57: {  	[tilespmem:s29], [sflag:$0x4] =	stream.indirect.gather [hbm4b:s2+s22], $0x80, s21, s22, $0xb8;
	[tilespmem:$0x1F400] =	vst v63  }
0x58: {  	_ =	swait.ge [sflag:s13], $0x4000  }
0x59: {  	[sflag:s13] =	ssyncset.done $0x0  }
0x5a: {  	s20 =	sadd.s32 $0x3000, s3;
	[sflag:s13] =	ssyncadd.s32 $0xFFFFC000  }
0x5b: {  	[hbm4b:s20+s4] =	stream.linear.scatter [tilespmem:s0], [sflag:$0xE], $0x4000, $0x38;
	[tilespmem:$0x1F400] =	vst v63  }
0x5c: {  	_ =	swait.ge [sflag:s14], $0x4000  }
0x5d: {  	[sflag:s14] =	ssyncset.done $0x0  }
0x5e: {  	s21 =	simm.s32 $0x580;
	[sflag:s14] =	ssyncadd.s32 $0xFFFFC000  }
0x5f: {  	[tilespmem:s31], [sflag:$0x5] =	stream.indirect.gather [hbm4b:s2+s22], $0x80, s21, s22, $0xb8;
	[tilespmem:$0x1F400] =	vst v63  }
0x60: {  	_ =	swait.ge [sflag:s1], $0x4000  }
0x61: {  	[sflag:s1] =	ssyncset.done $0x0  }
0x62: {  	s3 =	sadd.s32 $0x3800, s3;
	[sflag:s1] =	ssyncadd.s32 $0xFFFFC000  }
0x63: {  	[hbm4b:s3+s4] =	stream.linear.scatter [tilespmem:s23], [sflag:$0x8], $0x4000, $0x38;
	[tilespmem:$0x1F400] =	vst v63  }
0x64: {  	_ =	swait.ge [sflag:s6], $0x4000  }
0x65: {  	[sflag:s6] =	ssyncset.done $0x0  }
0x66: {  	s20 =	simm.s32 $0x600;
	[sflag:s6] =	ssyncadd.s32 $0xFFFFC000  }
0x67: {  	[tilespmem:s25], [sflag:$0x6] =	stream.indirect.gather [hbm4b:s2+s22], $0x80, s20, s22, $0xb8;
	[tilespmem:$0x1F400] =	vst v63  }
0x68: {  	_ =	swait.ge [sflag:s28], $0x4000  }
0x69: {  	s21 =	rddreg [dreg:$0x4];
	[sflag:s28] =	ssyncset.done $0x0  }
0x6a: {  	[sflag:s28] =	ssyncadd.s32 $0xFFFFC000;
	s3 =	sadd.s32 s19, s21  }
0x6b: {  	[hbm4b:s3+s4] =	stream.linear.scatter [tilespmem:s24], [sflag:$0x9], $0x4000, $0x38;
	[tilespmem:$0x1F400] =	vst v63  }
0x6c: {  	_ =	swait.ge [sflag:s15], $0x4000  }
0x6d: {  	s17 =	simm.s32 $0xE00;
	[sflag:s15] =	ssyncset.done $0x0  }
0x6e: {  	s19 =	sadd.s32 $0x3800, s19;
	s3 =	simm.s32 $0x680;
	[sflag:s15] =	ssyncadd.s32 $0xFFFFC000  }
.LBB2_2:
0x6f: {  	[tilespmem:s0], [sflag:$0x7] =	stream.indirect.gather [hbm4b:s2+s22], $0x80, s3, s22, $0xb8;
	[tilespmem:$0x1F400] =	vst v63  }
0x70: {  	_ =	swait.ge [sflag:s30], $0x4000  }
0x71: {  	s3 =	sadd.s32 s19, s18;
	[sflag:s30] =	ssyncset.done $0x0  }
0x72: {  	s21 =	sadd.s32 $0x1000, s3;
	[sflag:s30] =	ssyncadd.s32 $0xFFFFC000  }
0x73: {  	[hbm4b:s21+s4] =	stream.linear.scatter [tilespmem:s26], [sflag:$0xA], $0x4000, $0x38;
	[tilespmem:$0x1F400] =	vst v63  }
0x74: {  	s20 =	smov.u32 s17;
	_ =	swait.ge [sflag:s5], $0x4000  }
0x75: {  	s20 =	sshra.s32 s20, $0x2;
	[sflag:s5] =	ssyncset.done $0x0  }
0x76: {  	s21 =	sadd.s32 $0x380, s20;
	[sflag:s5] =	ssyncadd.s32 $0xFFFFC000  }
0x77: {  	[tilespmem:s23], [sflag:$0x1] =	stream.indirect.gather [hbm4b:s2+s22], $0x80, s21, s22, $0xb8;
	[tilespmem:$0x1F400] =	vst v63  }
0x78: {  	_ =	swait.ge [sflag:s7], $0x4000  }
0x79: {  	[sflag:s7] =	ssyncset.done $0x0  }
0x7a: {  	s21 =	sadd.s32 $0x1800, s3;
	[sflag:s7] =	ssyncadd.s32 $0xFFFFC000  }
0x7b: {  	[hbm4b:s21+s4] =	stream.linear.scatter [tilespmem:s29], [sflag:$0xB], $0x4000, $0x38;
	[tilespmem:$0x1F400] =	vst v63  }
0x7c: {  	_ =	swait.ge [sflag:s8], $0x4000  }
0x7d: {  	[sflag:s8] =	ssyncset.done $0x0  }
0x7e: {  	s21 =	sadd.s32 $0x400, s20;
	[sflag:s8] =	ssyncadd.s32 $0xFFFFC000  }
0x7f: {  	[tilespmem:s24], [sflag:$0x2] =	stream.indirect.gather [hbm4b:s2+s22], $0x80, s21, s22, $0xb8;
	[tilespmem:$0x1F400] =	vst v63  }
0x80: {  	_ =	swait.ge [sflag:s9], $0x4000  }
0x81: {  	[sflag:s9] =	ssyncset.done $0x0  }
0x82: {  	s21 =	sadd.s32 $0x2000, s3;
	[sflag:s9] =	ssyncadd.s32 $0xFFFFC000  }
0x83: {  	[hbm4b:s21+s4] =	stream.linear.scatter [tilespmem:s31], [sflag:$0xC], $0x4000, $0x38;
	[tilespmem:$0x1F400] =	vst v63  }
0x84: {  	_ =	swait.ge [sflag:s10], $0x4000  }
0x85: {  	[sflag:s10] =	ssyncset.done $0x0  }
0x86: {  	s21 =	sadd.s32 $0x480, s20;
	[sflag:s10] =	ssyncadd.s32 $0xFFFFC000  }
0x87: {  	[tilespmem:s26], [sflag:$0x3] =	stream.indirect.gather [hbm4b:s2+s22], $0x80, s21, s22, $0xb8;
	[tilespmem:$0x1F400] =	vst v63  }
0x88: {  	_ =	swait.ge [sflag:s11], $0x4000  }
0x89: {  	[sflag:s11] =	ssyncset.done $0x0  }
0x8a: {  	s21 =	sadd.s32 $0x2800, s3;
	[sflag:s11] =	ssyncadd.s32 $0xFFFFC000  }
0x8b: {  	[hbm4b:s21+s4] =	stream.linear.scatter [tilespmem:s25], [sflag:$0xD], $0x4000, $0x38;
	[tilespmem:$0x1F400] =	vst v63  }
0x8c: {  	_ =	swait.ge [sflag:s12], $0x4000  }
0x8d: {  	[sflag:s12] =	ssyncset.done $0x0  }
0x8e: {  	s21 =	sadd.s32 $0x500, s20;
	[sflag:s12] =	ssyncadd.s32 $0xFFFFC000  }
0x8f: {  	[tilespmem:s29], [sflag:$0x4] =	stream.indirect.gather [hbm4b:s2+s22], $0x80, s21, s22, $0xb8;
	[tilespmem:$0x1F400] =	vst v63  }
0x90: {  	_ =	swait.ge [sflag:s13], $0x4000  }
0x91: {  	[sflag:s13] =	ssyncset.done $0x0  }
0x92: {  	s21 =	sadd.s32 $0x3000, s3;
	[sflag:s13] =	ssyncadd.s32 $0xFFFFC000  }
0x93: {  	[hbm4b:s21+s4] =	stream.linear.scatter [tilespmem:s0], [sflag:$0xE], $0x4000, $0x38;
	[tilespmem:$0x1F400] =	vst v63  }
0x94: {  	_ =	swait.ge [sflag:s14], $0x4000  }
0x95: {  	[sflag:s14] =	ssyncset.done $0x0  }
0x96: {  	s21 =	sadd.s32 $0x580, s20;
	[sflag:s14] =	ssyncadd.s32 $0xFFFFC000  }
0x97: {  	[tilespmem:s31], [sflag:$0x5] =	stream.indirect.gather [hbm4b:s2+s22], $0x80, s21, s22, $0xb8;
	[tilespmem:$0x1F400] =	vst v63  }
0x98: {  	_ =	swait.ge [sflag:s1], $0x4000  }
0x99: {  	[sflag:s1] =	ssyncset.done $0x0  }
0x9a: {  	s3 =	sadd.s32 $0x3800, s3;
	[sflag:s1] =	ssyncadd.s32 $0xFFFFC000  }
0x9b: {  	[hbm4b:s3+s4] =	stream.linear.scatter [tilespmem:s23], [sflag:$0x8], $0x4000, $0x38;
	[tilespmem:$0x1F400] =	vst v63  }
0x9c: {  	_ =	swait.ge [sflag:s6], $0x4000  }
0x9d: {  	[sflag:s6] =	ssyncset.done $0x0  }
0x9e: {  	s21 =	sadd.s32 $0x600, s20;
	[sflag:s6] =	ssyncadd.s32 $0xFFFFC000  }
0x9f: {  	[tilespmem:s25], [sflag:$0x6] =	stream.indirect.gather [hbm4b:s2+s22], $0x80, s21, s22, $0xb8;
	[tilespmem:$0x1F400] =	vst v63  }
0xa0: {  	_ =	swait.ge [sflag:s28], $0x4000  }
0xa1: {  	p0 =	sne.s32 s17, $0xA800;
	s21 =	rddreg [dreg:$0x4];
	[sflag:s28] =	ssyncset.done $0x0  }
.Ltmp0:
0xa2: {  	[sflag:s28] =	ssyncadd.s32 $0xFFFFC000;
	s3 =	sadd.s32 s19, s21;
	(pc) =	sbr.rel @p0 .LBB2_2-.Ltmp0, $4  }
0xa3: {  	[hbm4b:s3+s4] =	stream.linear.scatter [tilespmem:s24], [sflag:$0x9], $0x4000, $0x38;
	[tilespmem:$0x1F400] =	vst v63  }
0xa4: {  	_ =	swait.ge [sflag:s15], $0x4000  }
0xa5: {  	s17 =	sadd.s32 $0xE00, s17;
	[sflag:s15] =	ssyncset.done $0x0  }
0xa6: {  	s19 =	sadd.s32 $0x3800, s19;
	s3 =	sadd.s32 $0x680, s20;
	[sflag:s15] =	ssyncadd.s32 $0xFFFFC000  }
0xa7: {  	[tilespmem:s0], [sflag:$0x7] =	stream.indirect.gather [hbm4b:s2+s22], $0x80, s3, s22, $0xb8;
	[tilespmem:$0x1F400] =	vst v63  }
0xa8: {  	_ =	swait.ge [sflag:s30], $0x4000  }
0xa9: {  	[sflag:s30] =	ssyncset.done $0x0  }
0xaa: {  	s20 =	rddreg [dreg:$0x8];
	[sflag:s30] =	ssyncadd.s32 $0xFFFFC000  }
0xab: {  	[hbm4b:s20+s4] =	stream.linear.scatter [tilespmem:s26], [sflag:$0xA], $0x4000, $0x38;
	[tilespmem:$0x1F400] =	vst v63  }
0xac: {  	_ =	swait.ge [sflag:s5], $0x4000  }
0xad: {  	[sflag:s5] =	ssyncset.done $0x0  }
0xae: {  	s21 =	simm.s32 $0x3100;
	[sflag:s5] =	ssyncadd.s32 $0xFFFFC000  }
0xaf: {  	[tilespmem:s23], [sflag:$0x1] =	stream.indirect.gather [hbm4b:s2+s22], $0x80, s21, s22, $0xb8;
	[tilespmem:$0x1F400] =	vst v63  }
0xb0: {  	_ =	swait.ge [sflag:s7], $0x4000  }
0xb1: {  	[sflag:s7] =	ssyncset.done $0x0  }
0xb2: {  	s17 =	rddreg [dreg:$0x9];
	[sflag:s7] =	ssyncadd.s32 $0xFFFFC000  }
0xb3: {  	[hbm4b:s17+s4] =	stream.linear.scatter [tilespmem:s29], [sflag:$0xB], $0x4000, $0x38;
	[tilespmem:$0x1F400] =	vst v63  }
0xb4: {  	_ =	swait.ge [sflag:s8], $0x4000  }
0xb5: {  	[sflag:s8] =	ssyncset.done $0x0  }
0xb6: {  	s19 =	simm.s32 $0x3180;
	[sflag:s8] =	ssyncadd.s32 $0xFFFFC000  }
0xb7: {  	[tilespmem:s24], [sflag:$0x2] =	stream.indirect.gather [hbm4b:s2+s22], $0x80, s19, s22, $0xb8;
	[tilespmem:$0x1F400] =	vst v63  }
0xb8: {  	_ =	swait.ge [sflag:s9], $0x4000  }
0xb9: {  	[sflag:s9] =	ssyncset.done $0x0  }
0xba: {  	s20 =	rddreg [dreg:$0xa];
	[sflag:s9] =	ssyncadd.s32 $0xFFFFC000  }
0xbb: {  	[hbm4b:s20+s4] =	stream.linear.scatter [tilespmem:s31], [sflag:$0xC], $0x4000, $0x38;
	[tilespmem:$0x1F400] =	vst v63  }
0xbc: {  	_ =	swait.ge [sflag:s10], $0x4000  }
0xbd: {  	[sflag:s10] =	ssyncset.done $0x0  }
0xbe: {  	s21 =	simm.s32 $0x3200;
	[sflag:s10] =	ssyncadd.s32 $0xFFFFC000  }
0xbf: {  	[tilespmem:s26], [sflag:$0x3] =	stream.indirect.gather [hbm4b:s2+s22], $0x80, s21, s22, $0xb8;
	[tilespmem:$0x1F400] =	vst v63  }
0xc0: {  	_ =	swait.ge [sflag:s11], $0x4000  }
0xc1: {  	[sflag:s11] =	ssyncset.done $0x0  }
0xc2: {  	s17 =	rddreg [dreg:$0xb];
	[sflag:s11] =	ssyncadd.s32 $0xFFFFC000  }
0xc3: {  	[hbm4b:s17+s4] =	stream.linear.scatter [tilespmem:s25], [sflag:$0xD], $0x4000, $0x38;
	[tilespmem:$0x1F400] =	vst v63  }
0xc4: {  	_ =	swait.ge [sflag:s12], $0x4000  }
0xc5: {  	[sflag:s12] =	ssyncset.done $0x0  }
0xc6: {  	s19 =	simm.s32 $0x3280;
	[sflag:s12] =	ssyncadd.s32 $0xFFFFC000  }
0xc7: {  	[tilespmem:s29], [sflag:$0x4] =	stream.indirect.gather [hbm4b:s2+s22], $0x80, s19, s22, $0xb8;
	[tilespmem:$0x1F400] =	vst v63  }
0xc8: {  	_ =	swait.ge [sflag:s13], $0x4000  }
0xc9: {  	[sflag:s13] =	ssyncset.done $0x0  }
0xca: {  	s20 =	rddreg [dreg:$0xc];
	[sflag:s13] =	ssyncadd.s32 $0xFFFFC000  }
0xcb: {  	[hbm4b:s20+s4] =	stream.linear.scatter [tilespmem:s0], [sflag:$0xE], $0x4000, $0x38;
	[tilespmem:$0x1F400] =	vst v63  }
0xcc: {  	_ =	swait.ge [sflag:s14], $0x4000  }
0xcd: {  	[sflag:s14] =	ssyncset.done $0x0  }
0xce: {  	s21 =	simm.s32 $0x3300;
	[sflag:s14] =	ssyncadd.s32 $0xFFFFC000  }
0xcf: {  	[tilespmem:s31], [sflag:$0x5] =	stream.indirect.gather [hbm4b:s2+s22], $0x80, s21, s22, $0xb8;
	[tilespmem:$0x1F400] =	vst v63  }
0xd0: {  	_ =	swait.ge [sflag:s1], $0x4000  }
0xd1: {  	[sflag:s1] =	ssyncset.done $0x0  }
0xd2: {  	s17 =	rddreg [dreg:$0xd];
	[sflag:s1] =	ssyncadd.s32 $0xFFFFC000  }
0xd3: {  	[hbm4b:s17+s4] =	stream.linear.scatter [tilespmem:s23], [sflag:$0x8], $0x4000, $0x38;
	[tilespmem:$0x1F400] =	vst v63  }
0xd4: {  	_ =	swait.ge [sflag:s6], $0x4000  }
0xd5: {  	[sflag:s6] =	ssyncset.done $0x0  }
0xd6: {  	s19 =	simm.s32 $0x3380;
	[sflag:s6] =	ssyncadd.s32 $0xFFFFC000  }
0xd7: {  	[tilespmem:s25], [sflag:$0x6] =	stream.indirect.gather [hbm4b:s2+s22], $0x80, s19, s22, $0xb8;
	[tilespmem:$0x1F400] =	vst v63  }
0xd8: {  	_ =	swait.ge [sflag:s28], $0x4000  }
0xd9: {  	[sflag:s28] =	ssyncset.done $0x0  }
0xda: {  	s20 =	rddreg [dreg:$0xe];
	[sflag:s28] =	ssyncadd.s32 $0xFFFFC000  }
0xdb: {  	[hbm4b:s20+s4] =	stream.linear.scatter [tilespmem:s24], [sflag:$0x9], $0x4000, $0x38;
	[tilespmem:$0x1F400] =	vst v63  }
0xdc: {  	_ =	swait.ge [sflag:s15], $0x4000  }
0xdd: {  	[sflag:s15] =	ssyncset.done $0x0  }
0xde: {  	[sflag:s15] =	ssyncadd.s32 $0xFFFFC000  }
0xdf: {  	_ =	swait.ge [sflag:s30], $0x4000  }
0xe0: {  	[sflag:s30] =	ssyncset.done $0x0  }
0xe1: {  	s21 =	rddreg [dreg:$0xf];
	[sflag:s30] =	ssyncadd.s32 $0xFFFFC000  }
0xe2: {  	[hbm4b:s21+s4] =	stream.linear.scatter [tilespmem:s26], [sflag:$0xA], $0x4000, $0x38;
	[tilespmem:$0x1F400] =	vst v63  }
0xe3: {  	_ =	swait.ge [sflag:s5], $0x4000  }
0xe4: {  	[sflag:s5] =	ssyncset.done $0x0  }
0xe5: {  	[sflag:s5] =	ssyncadd.s32 $0xFFFFC000  }
0xe6: {  	_ =	swait.ge [sflag:s7], $0x4000  }
0xe7: {  	[sflag:s7] =	ssyncset.done $0x0  }
0xe8: {  	s17 =	rddreg [dreg:$0x10];
	[sflag:s7] =	ssyncadd.s32 $0xFFFFC000  }
0xe9: {  	[hbm4b:s17+s4] =	stream.linear.scatter [tilespmem:s29], [sflag:$0xB], $0x4000, $0x38;
	[tilespmem:$0x1F400] =	vst v63  }
0xea: {  	_ =	swait.ge [sflag:s8], $0x4000  }
0xeb: {  	[sflag:s8] =	ssyncset.done $0x0  }
0xec: {  	[sflag:s8] =	ssyncadd.s32 $0xFFFFC000  }
0xed: {  	_ =	swait.ge [sflag:s9], $0x4000  }
0xee: {  	[sflag:s9] =	ssyncset.done $0x0  }
0xef: {  	s19 =	rddreg [dreg:$0x11];
	[sflag:s9] =	ssyncadd.s32 $0xFFFFC000  }
0xf0: {  	[hbm4b:s19+s4] =	stream.linear.scatter [tilespmem:s31], [sflag:$0xC], $0x4000, $0x38;
	[tilespmem:$0x1F400] =	vst v63  }
0xf1: {  	_ =	swait.ge [sflag:s10], $0x4000  }
0xf2: {  	[sflag:s10] =	ssyncset.done $0x0  }
0xf3: {  	[sflag:s10] =	ssyncadd.s32 $0xFFFFC000  }
0xf4: {  	_ =	swait.ge [sflag:s11], $0x4000  }
0xf5: {  	[sflag:s11] =	ssyncset.done $0x0  }
0xf6: {  	s20 =	rddreg [dreg:$0x12];
	[sflag:s11] =	ssyncadd.s32 $0xFFFFC000  }
0xf7: {  	[hbm4b:s20+s4] =	stream.linear.scatter [tilespmem:s25], [sflag:$0xD], $0x4000, $0x38;
	[tilespmem:$0x1F400] =	vst v63  }
0xf8: {  	_ =	swait.ge [sflag:s12], $0x4000  }
0xf9: {  	[sflag:s12] =	ssyncset.done $0x0  }
0xfa: {  	[sflag:s12] =	ssyncadd.s32 $0xFFFFC000  }
0xfb: {  	_ =	swait.ge [sflag:s14], $0x4000  }
0xfc: {  	[sflag:s14] =	ssyncset.done $0x0  }
0xfd: {  	[sflag:s14] =	ssyncadd.s32 $0xFFFFC000  }
0xfe: {  	_ =	swait.ge [sflag:s6], $0x4000  }
0xff: {  	s16 =	sadd.s32 $0x1, s16;
	s21 =	rddreg [dreg:$0x13]  }
0x100: {  	p0 =	sne.s32 s16, s21  }
.Ltmp1:
0x101: {  	_ = 	snop;
	(pc) =	sbr.rel @p0 .LBB2_1-.Ltmp1, $3  }
0x102: {  	_ =	sdelay $0x1  }
0x103: {  	[sflag:s6] =	ssyncset.done $0x0  }
0x104: {  	[sflag:s6] =	ssyncadd.s32 $0xFFFFC000  }
0x105: {  	_ =	sfence.sel $0x180000  }
0x106: {  	[bflag:$0x0] =	sbarrier.arrive $0xFFFF  }
0x107: {  	_ =	strace $0x90000047  }
0x108: {  	s0 =	stileid.u32;
	[bflag:$0x2] =	sbarrier.arrive $0xFFFF  }
0x109: {  	p0 =	sne.s32 s0, $0x0;
	s0 =	rddreg [dreg:$0x3]  }
0x10a: {  	s0 =	sadd.s32 @!p0 $0x100000, s0  }
0x10b: {  	[sflag:s0] =	ssyncadd.tile.s32 @!p0 $0x1;
	_ =	shalt  }
.Lfunc_end2:
_tile_overlayer_lowered:
.L_overlay_start_2:
0x10c: {  	(tag) =	ssettag $0x2  }
0x10d: {  	s0 =	rddreg [dreg:$0x0];
	s2 =	stileid.u32  }
0x10e: {  	s1 =	rddreg [dreg:$0x1];
	p0 =	sne.s32 s2, $0x0  }
0x10f: {  	s3 =	rddreg [dreg:$0x2];
	[bflag:$0x3] =	sbarrier.arrive $0xFFFF;
	s2 =	simm.s32 @!p0 $0x1C0F  }
0x110: {  	[timem:s3], [sflag:s2] =	dma.local @!p0 [hbm:s0], s1  }
0x111: {  	s0 =	simm.s32 @!p0 $0xF  }
0x112: {  	_ =	swait.ge @!p0 [sflag:s0], s1  }
0x113: {  	s1 =	ssub.s32 @!p0 $0x0, s1;
	[sflag:s0] =	ssyncset.done @!p0 $0x0  }
0x114: {  	[sflag:s0] =	ssyncadd.s32 @!p0 s1  }
0x115: {  	[bflag:$0x3] =	sbarrier.arrive $0xFFFF  }
0x116: {  	_ =	shalt  }

</sc_bundles>
